<compile_context>
chip_gen: v7x
topology: tpu7x:2x2x1
jax: 0.10.2.dev20260603
libtpu: 0.0.44.dev20260713+nightly
codegen_flags: <defaults>
</compile_context>

<pallas_src>
import jax
import jax.numpy as jnp
from jax import lax
from jax.experimental import pallas as pl
from jax.experimental.pallas import tpu as pltpu
from jax.experimental.pallas import tpu_sc as plsc

N = 10000
E = 320000
D_IN = 128
HEADS = 8
C1 = 8
D_OUT = 16
NEG_SLOPE = 0.2

NC = 2
NS = 16
NW = NC * NS
CH = 128
NP = 10240
ROWS_PER_TILE = NP // NS
CHUNKS = 82
EP = NW * CHUNKS * CH
PER_W = CHUNKS * CH
W1ACC = 80
W2ACC = 32


def _leaky(t):
    return jnp.where(t >= 0, t, t * NEG_SLOPE)


def _tc1_body(x_ref, w1t_ref, as_ref, ad_ref, psig_ref, h1t_ref, tabs_ref,
              tabd_ref, g_ref):
    x = x_ref[...]
    h1t = jnp.dot(x, w1t_ref[...], preferred_element_type=jnp.float32)
    tabs = jnp.dot(h1t, as_ref[...], preferred_element_type=jnp.float32)
    tabd = jnp.dot(h1t, ad_ref[...], preferred_element_type=jnp.float32)
    h1t_ref[...] = jnp.dot(h1t, psig_ref[...],
                           preferred_element_type=jnp.float32
                           ).astype(jnp.bfloat16)
    tabs_ref[...] = tabs
    tabd_ref[...] = tabd
    g = _leaky(jnp.max(tabs, axis=0, keepdims=True)
               + jnp.max(tabd, axis=0, keepdims=True))
    g_ref[...] = jnp.broadcast_to(g, (8, 16))


def _tc1(xp, W1T, AsT, AdT, Psig):
    return pl.pallas_call(
        _tc1_body,
        out_shape=[
            jax.ShapeDtypeStruct((NP, HEADS * C1), jnp.bfloat16),
            jax.ShapeDtypeStruct((NP, 16), jnp.float32),
            jax.ShapeDtypeStruct((NP, 16), jnp.float32),
            jax.ShapeDtypeStruct((8, 16), jnp.float32),
        ],
    )(xp, W1T, AsT, AdT, Psig)


def _sc1_body(src_hbm, dst_hbm, tabs_hbm, tabd_hbm, h1t_hbm, g_hbm, out_hbm,
              srcidx, dstidx, srows, drows, hrows, msgbuf, gbuf, acc,
              gsem0, gsem1, ssem0, ssem1):
    c = lax.axis_index("c")
    s = lax.axis_index("s")
    wid = s * NC + c
    zero16 = jnp.zeros((16,), jnp.float32)
    gsems = [gsem0, gsem1]
    ssems = [ssem0, ssem1]

    pltpu.sync_copy(g_hbm, gbuf)
    gvec = gbuf[...]
    pltpu.sync_copy(src_hbm.at[wid], srcidx)
    pltpu.sync_copy(dst_hbm.at[wid], dstidx)

    mb0 = msgbuf.at[0]

    def _zb(t, _):
        mb0[t // 5, pl.ds((t % 5) * 16, 16)] = zero16
        return 0
    lax.fori_loop(0, CH * 5, _zb, 0)
    for q in range(ROWS_PER_TILE // CH):
        pltpu.sync_copy(mb0, acc.at[pl.ds(s * ROWS_PER_TILE + q * CH, CH)])
    plsc.subcore_barrier()

    def _issue(t, b):
        pltpu.async_copy(tabs_hbm.at[srcidx.at[t]], srows.at[b], gsems[b])
        pltpu.async_copy(tabd_hbm.at[dstidx.at[t]], drows.at[b], gsems[b])
        pltpu.async_copy(h1t_hbm.at[srcidx.at[t]], hrows.at[b], gsems[b])

    def _wait(t, b):
        pltpu.make_async_copy(tabs_hbm.at[srcidx.at[t]], srows.at[b],
                              gsems[b]).wait()
        pltpu.make_async_copy(tabd_hbm.at[dstidx.at[t]], drows.at[b],
                              gsems[b]).wait()
        pltpu.make_async_copy(h1t_hbm.at[srcidx.at[t]], hrows.at[b],
                              gsems[b]).wait()

    _issue(0, 0)
    _issue(1, 1)

    def _step(t2, _):
        for b in range(2):
            t = 2 * t2 + b
            sr = srows.at[b]
            dr = drows.at[b]
            hr = hrows.at[b]
            mb = msgbuf.at[b]
            _wait(t, b)

            @pl.when(t >= 2)
            def _():
                pltpu.make_async_copy(mb, acc.at[dstidx.at[t]],
                                      ssems[b]).wait()

            @plsc.parallel_loop(0, CH, 1, unroll=8)
            def _edge(k):
                rs = sr[k, pl.ds(0, 16)]
                rd = dr[k, pl.ds(0, 16)]
                e = jnp.exp(_leaky(rs + rd) - gvec)
                mb[k, pl.ds(64, 16)] = e
                q0, q1 = plsc.unpack(hr[k, pl.ds(0, 32)],
                                     format=plsc.PackFormat.INTERLEAVED)
                q2, q3 = plsc.unpack(hr[k, pl.ds(32, 32)],
                                     format=plsc.PackFormat.INTERLEAVED)
                mb[k, pl.ds(0, 16)] = e * q0
                mb[k, pl.ds(16, 16)] = e * q1
                mb[k, pl.ds(32, 16)] = e * q2
                mb[k, pl.ds(48, 16)] = e * q3

            pltpu.async_copy(mb, acc.at[dstidx.at[t]], ssems[b], add=True)

            @pl.when(t + 2 < CHUNKS)
            def _():
                _issue(t + 2, b)
        return 0

    lax.fori_loop(0, CHUNKS // 2, _step, 0)
    for b in range(2):
        pltpu.make_async_copy(msgbuf.at[b], acc.at[dstidx.at[CHUNKS - 2 + b]],
                              ssems[b]).wait()
    plsc.subcore_barrier()
    pltpu.sync_copy(acc.at[pl.ds(s * ROWS_PER_TILE, ROWS_PER_TILE)],
                    out_hbm.at[c, pl.ds(s * ROWS_PER_TILE, ROWS_PER_TILE)])


def _sc1(src, dst, tabs, tabd, h1t, g16):
    mesh = plsc.VectorSubcoreMesh(core_axis_name="c", subcore_axis_name="s")
    f = pl.kernel(
        _sc1_body,
        out_type=jax.ShapeDtypeStruct((NC, NP, W1ACC), jnp.float32),
        mesh=mesh,
        compiler_params=pltpu.CompilerParams(needs_layout_passes=False,
                                             use_tc_tiling_on_sc=False),
        scratch_types=[
            pltpu.VMEM((CHUNKS, CH), jnp.int32),
            pltpu.VMEM((CHUNKS, CH), jnp.int32),
            pltpu.VMEM((2, CH, 16), jnp.float32),
            pltpu.VMEM((2, CH, 16), jnp.float32),
            pltpu.VMEM((2, CH, HEADS * C1), jnp.bfloat16),
            pltpu.VMEM((2, CH, W1ACC), jnp.float32),
            pltpu.VMEM((16,), jnp.float32),
            pltpu.VMEM_SHARED((NP, W1ACC), jnp.float32),
            pltpu.SemaphoreType.DMA,
            pltpu.SemaphoreType.DMA,
            pltpu.SemaphoreType.DMA,
            pltpu.SemaphoreType.DMA,
        ],
    )
    return f(src, dst, tabs, tabd, h1t, g16)


def _tc2_body(p_ref, b1_ref, gam_ref, bet_ref, w2_ref, a2w_ref, e8t_ref,
              perm_ref, h2_ref, a2_ref, g_ref):
    m = p_ref[0] + p_ref[1]
    num = m[:, :64]
    den = m[:, 64:72]
    r = 1.0 / (den + 1e-16)
    hcm = num * jnp.dot(r, e8t_ref[...], preferred_element_type=jnp.float32)
    h = jnp.dot(hcm, perm_ref[...], preferred_element_type=jnp.float32)
    h = h + b1_ref[...][None, :]
    h = jnp.maximum(h, 0.0)
    rows = lax.broadcasted_iota(jnp.int32, (NP, 1), 0)
    mask = rows < N
    hm = jnp.where(mask, h, 0.0)
    mean = jnp.sum(hm, axis=0, keepdims=True) / N
    d = jnp.where(mask, h - mean, 0.0)
    var = jnp.sum(d * d, axis=0, keepdims=True) / N
    hbn = (h - mean) * lax.rsqrt(var + 1e-5) * gam_ref[...][None, :] \
        + bet_ref[...][None, :]
    hbn = jnp.where(mask, hbn, 0.0)
    h2 = jnp.dot(hbn, w2_ref[...], preferred_element_type=jnp.float32)
    a2 = jnp.dot(h2, a2w_ref[...], preferred_element_type=jnp.float32)
    h2_ref[...] = h2
    a2_ref[...] = a2
    g = _leaky(jnp.max(a2[:, 0:1], axis=0, keepdims=True)
               + jnp.max(a2[:, 1:2], axis=0, keepdims=True))
    g_ref[...] = jnp.broadcast_to(g, (8, 16))


def _tc2(part1, b1, bn_gamma, bn_beta, W2, A2, E8T, P):
    return pl.pallas_call(
        _tc2_body,
        out_shape=[
            jax.ShapeDtypeStruct((NP, D_OUT), jnp.float32),
            jax.ShapeDtypeStruct((NP, 8), jnp.float32),
            jax.ShapeDtypeStruct((8, 16), jnp.float32),
        ],
    )(part1, b1, bn_gamma, bn_beta, W2, A2, E8T, P)


def _sc2_body(src_hbm, dst_hbm, asrc_hbm, adst_hbm, h2_hbm, g_hbm, out_hbm,
              srcidx, dstidx, asrcbuf, adstbuf, hrows, exbuf, msgbuf, gbuf,
              acc, gsem0, gsem1, ssem0, ssem1):
    c = lax.axis_index("c")
    s = lax.axis_index("s")
    wid = s * NC + c
    zero16 = jnp.zeros((16,), jnp.float32)
    gsems = [gsem0, gsem1]
    ssems = [ssem0, ssem1]

    pltpu.sync_copy(g_hbm, gbuf)
    pltpu.sync_copy(asrc_hbm, asrcbuf)
    pltpu.sync_copy(adst_hbm, adstbuf)
    g0 = gbuf[...][0]
    pltpu.sync_copy(src_hbm.at[wid], srcidx)
    pltpu.sync_copy(dst_hbm.at[wid], dstidx)

    mb0 = msgbuf.at[0]

    def _zb(t, _):
        mb0[t >> 1, pl.ds((t & 1) * 16, 16)] = zero16
        return 0
    lax.fori_loop(0, CH * 2, _zb, 0)
    for q in range(ROWS_PER_TILE // CH):
        pltpu.sync_copy(mb0, acc.at[pl.ds(s * ROWS_PER_TILE + q * CH, CH)])
    plsc.subcore_barrier()

    def _issue(t, b):
        pltpu.async_copy(h2_hbm.at[srcidx.at[t]], hrows.at[b], gsems[b])

    def _wait(t, b):
        pltpu.make_async_copy(h2_hbm.at[srcidx.at[t]], hrows.at[b],
                              gsems[b]).wait()

    _issue(0, 0)
    _issue(1, 1)

    def _step(t2, _):
        for b in range(2):
            t = 2 * t2 + b
            hr = hrows.at[b]
            mb = msgbuf.at[b]

            @plsc.parallel_loop(0, CH // 16, 1, unroll=2)
            def _exb(i):
                sv = srcidx[t, pl.ds(i * 16, 16)]
                dv = dstidx[t, pl.ds(i * 16, 16)]
                u = plsc.load_gather(asrcbuf, [sv])
                v = plsc.load_gather(adstbuf, [dv])
                e = jnp.exp(_leaky(u + v) - g0)
                exbuf[pl.ds(b * CH + i * 16, 16)] = e
            _wait(t, b)

            @pl.when(t >= 2)
            def _():
                pltpu.make_async_copy(mb, acc.at[dstidx.at[t]],
                                      ssems[b]).wait()

            @plsc.parallel_loop(0, CH, 1, unroll=4)
            def _msg(k):
                eb = plsc.load_gather(
                    exbuf, [jnp.full((16,), b * CH + k, jnp.int32)])
                hv = hr[k, pl.ds(0, 16)]
                mb[k, pl.ds(0, 16)] = eb * hv
                mb[k, pl.ds(16, 16)] = eb

            pltpu.async_copy(mb, acc.at[dstidx.at[t]], ssems[b], add=True)

            @pl.when(t + 2 < CHUNKS)
            def _():
                _issue(t + 2, b)
        return 0

    lax.fori_loop(0, CHUNKS // 2, _step, 0)
    for b in range(2):
        pltpu.make_async_copy(msgbuf.at[b], acc.at[dstidx.at[CHUNKS - 2 + b]],
                              ssems[b]).wait()
    plsc.subcore_barrier()
    pltpu.sync_copy(acc.at[pl.ds(s * ROWS_PER_TILE, ROWS_PER_TILE)],
                    out_hbm.at[c, pl.ds(s * ROWS_PER_TILE, ROWS_PER_TILE)])


def _sc2(src, dst, asrc2, adst2, h2, g16):
    mesh = plsc.VectorSubcoreMesh(core_axis_name="c", subcore_axis_name="s")
    f = pl.kernel(
        _sc2_body,
        out_type=jax.ShapeDtypeStruct((NC, NP, W2ACC), jnp.float32),
        mesh=mesh,
        compiler_params=pltpu.CompilerParams(needs_layout_passes=False,
                                             use_tc_tiling_on_sc=False),
        scratch_types=[
            pltpu.VMEM((CHUNKS, CH), jnp.int32),
            pltpu.VMEM((CHUNKS, CH), jnp.int32),
            pltpu.VMEM((NP,), jnp.float32),
            pltpu.VMEM((NP,), jnp.float32),
            pltpu.VMEM((2, CH, D_OUT), jnp.float32),
            pltpu.VMEM((2 * CH,), jnp.float32),
            pltpu.VMEM((2, CH, W2ACC), jnp.float32),
            pltpu.VMEM((16,), jnp.float32),
            pltpu.VMEM_SHARED((NP, W2ACC), jnp.float32),
            pltpu.SemaphoreType.DMA,
            pltpu.SemaphoreType.DMA,
            pltpu.SemaphoreType.DMA,
            pltpu.SemaphoreType.DMA,
        ],
    )
    return f(src, dst, asrc2, adst2, h2, g16)


def _tc3_body(p_ref, b2_ref, out_ref):
    m = p_ref[0] + p_ref[1]
    num = m[:, :16]
    den = m[:, 16:17]
    out_ref[...] = num / (den + 1e-16) + b2_ref[...][None, :]


def _tc3(part2, b2):
    return pl.pallas_call(
        _tc3_body,
        out_shape=jax.ShapeDtypeStruct((NP, D_OUT), jnp.float32),
    )(part2, b2)


def kernel(x, edge_index, W1, att_src1, att_dst1, b1, bn_gamma, bn_beta,
           W2, att_src2, att_dst2, b2):
    xp = jnp.pad(x, ((0, NP - N), (0, 0)))
    ei = edge_index.astype(jnp.int32)
    loops = jnp.arange(N, dtype=jnp.int32)
    padi = jnp.full((EP - E - N,), N, jnp.int32)
    src = jnp.concatenate([ei[0], loops, padi]).reshape(NW, CHUNKS, CH)
    dst = jnp.concatenate([ei[1], loops, padi]).reshape(NW, CHUNKS, CH)

    eye8 = jnp.eye(8, dtype=jnp.float32)
    P = (eye8[:, None, None, :] * eye8[None, :, :, None]).reshape(64, 64)
    W1T = jnp.dot(W1, P)
    AsT = (att_src1.T[:, :, None] * eye8[None, :, :]).reshape(64, 8)
    AdT = (att_dst1.T[:, :, None] * eye8[None, :, :]).reshape(64, 8)
    AsTD = jnp.concatenate([AsT, AsT], axis=1)
    AdTD = jnp.concatenate([AdT, AdT], axis=1)
    E8T = jnp.tile(eye8, (1, 8))
    A2 = jnp.zeros((D_OUT, 8), jnp.float32)
    A2 = A2.at[:, 0].set(att_src2[0]).at[:, 1].set(att_dst2[0])
    cols = jnp.arange(64)
    bfcol = jnp.where(cols < 16, 2 * cols,
             jnp.where(cols < 32, 2 * (cols - 16) + 1,
              jnp.where(cols < 48, 32 + 2 * (cols - 32),
                        32 + 2 * (cols - 48) + 1)))
    Psig = jnp.zeros((64, 64), jnp.float32).at[cols, bfcol].set(1.0)

    h1t, tabs, tabd, g88 = _tc1(xp, W1T, AsTD, AdTD, Psig)
    g16 = g88[0]
    part1 = _sc1(src, dst, tabs, tabd, h1t, g16)
    h2, a2, g2_88 = _tc2(part1, b1, bn_gamma, bn_beta, W2, A2, E8T, P)
    g2_16 = g2_88[0]
    part2 = _sc2(src, dst, a2[:, 0], a2[:, 1], h2, g2_16)
    out = _tc3(part2, b2)
    return out[:N]

# --- scband reference (transcript-rebuilt; emitter-appended) ---
"""Pipeline reference for scband-nifty-gat-24438363914365 (READ-ONLY COPY).

The authoritative reference and input builder live on the scoring server;
editing this copy changes nothing except your own understanding.
"""

import jax, jax.numpy as jnp
import numpy as np

N = 10000
E = 320000
D_IN = 128
HEADS = 8
C1 = 8
D_OUT = 16
NEG_SLOPE = 0.2


def setup_inputs(seed: int = 0) -> dict:
    key = jax.random.key(seed)
    ks = jax.random.split(key, 10)
    x = jax.random.normal(ks[0], (N, D_IN), dtype=jnp.float32)
    edge_index = jax.random.randint(ks[1], (2, E), 0, N, dtype=jnp.int32)
    s = 0.1
    W1 = jax.random.normal(ks[2], (D_IN, HEADS * C1), dtype=jnp.float32) * s
    att_src1 = jax.random.normal(ks[3], (HEADS, C1), dtype=jnp.float32) * s
    att_dst1 = jax.random.normal(ks[4], (HEADS, C1), dtype=jnp.float32) * s
    b1 = jnp.zeros((HEADS * C1,), dtype=jnp.float32)
    bn_gamma = jnp.ones((HEADS * C1,), dtype=jnp.float32)
    bn_beta = jnp.zeros((HEADS * C1,), dtype=jnp.float32)
    W2 = jax.random.normal(ks[5], (HEADS * C1, D_OUT), dtype=jnp.float32) * s
    att_src2 = jax.random.normal(ks[6], (1, D_OUT), dtype=jnp.float32) * s
    att_dst2 = jax.random.normal(ks[7], (1, D_OUT), dtype=jnp.float32) * s
    b2 = jnp.zeros((D_OUT,), dtype=jnp.float32)
    return {"x": x, "edge_index": edge_index, "W1": W1, "att_src1": att_src1,
            "att_dst1": att_dst1, "b1": b1, "bn_gamma": bn_gamma, "bn_beta": bn_beta,
            "W2": W2, "att_src2": att_src2, "att_dst2": att_dst2, "b2": b2}


def _gat_layer(x, src, dst, W, att_src, att_dst, b, heads, ch, concat):
    n = x.shape[0]
    h = (x @ W).reshape(n, heads, ch)
    a_src = (h * att_src[None, :, :]).sum(-1)
    a_dst = (h * att_dst[None, :, :]).sum(-1)
    alpha = a_src[src] + a_dst[dst]
    alpha = jax.nn.leaky_relu(alpha, NEG_SLOPE)
    amax = jax.lax.stop_gradient(jax.ops.segment_max(alpha, dst, num_segments=n))
    amax = jnp.where(jnp.isfinite(amax), amax, 0.0)
    ex = jnp.exp(alpha - amax[dst])
    denom = jax.ops.segment_sum(ex, dst, num_segments=n)
    att = ex / (denom[dst] + 1e-16)
    msg = h[src] * att[:, :, None]
    out = jax.ops.segment_sum(msg, dst, num_segments=n)
    if concat:
        out = out.reshape(n, heads * ch)
    else:
        out = out.mean(axis=1)
    return out + b


def _forward(x, edge_index, W1, att_src1, att_dst1, b1, bn_gamma, bn_beta, W2, att_src2, att_dst2, b2):
    loops = jnp.arange(x.shape[0], dtype=edge_index.dtype)
    src = jnp.concatenate([edge_index[0], loops])
    dst = jnp.concatenate([edge_index[1], loops])
    h = _gat_layer(x, src, dst, W1, att_src1, att_dst1, b1, HEADS, C1, True)
    h = jax.nn.relu(h)
    mean = h.mean(axis=0)
    var = h.var(axis=0)
    h = (h - mean) / jnp.sqrt(var + 1e-5) * bn_gamma + bn_beta
    out = _gat_layer(h, src, dst, W2, att_src2, att_dst2, b2, 1, D_OUT, False)
    return out


def reference(x, edge_index, W1, att_src1, att_dst1, b1, bn_gamma, bn_beta, W2, att_src2, att_dst2, b2):
    return _forward(x, edge_index, W1, att_src1, att_dst1, b1, bn_gamma, bn_beta, W2, att_src2, att_dst2, b2)

if __name__ == "__main__":
    import jax
    _d = setup_inputs()
    print(jax.jit(kernel)(*tuple(_d.values())))

</pallas_src>

<mosaic_0001>
#map = affine_map<(d0, d1) -> (0, 0, 0)>
#map1 = affine_map<(d0, d1) -> (0, 0)>
#map2 = affine_map<(d0, d1) -> (0)>
module attributes {stable_mosaic.version = 14 : i64} {
  func.func @_sc1_body(%arg0: i32, %arg1: i32, %arg2: memref<32x82x128xi32, #tpu.memory_space<hbm>>, %arg3: memref<32x82x128xi32, #tpu.memory_space<hbm>>, %arg4: memref<10240x16xf32, #tpu.memory_space<hbm>>, %arg5: memref<10240x16xf32, #tpu.memory_space<hbm>>, %arg6: memref<10240x64xbf16, #tpu.memory_space<hbm>>, %arg7: memref<16xf32, #tpu.memory_space<hbm>>, %arg8: memref<2x10240x80xf32, #tpu.memory_space<hbm>>, %arg9: memref<82x128xi32, #tpu.memory_space<vmem>>, %arg10: memref<82x128xi32, #tpu.memory_space<vmem>>, %arg11: memref<2x128x16xf32, #tpu.memory_space<vmem>>, %arg12: memref<2x128x16xf32, #tpu.memory_space<vmem>>, %arg13: memref<2x128x64xbf16, #tpu.memory_space<vmem>>, %arg14: memref<2x128x80xf32, #tpu.memory_space<vmem>>, %arg15: memref<16xf32, #tpu.memory_space<vmem>>, %arg16: memref<10240x80xf32, #tpu.memory_space<vmem_shared>>, %arg17: memref<!tpu.dma_semaphore, #tpu.memory_space<semaphore_mem>>, %arg18: memref<!tpu.dma_semaphore, #tpu.memory_space<semaphore_mem>>, %arg19: memref<!tpu.dma_semaphore, #tpu.memory_space<semaphore_mem>>, %arg20: memref<!tpu.dma_semaphore, #tpu.memory_space<semaphore_mem>>) attributes {dimension_semantics = [#tpu.dimension_semantics<core_parallel>, #tpu.dimension_semantics<subcore_parallel>], iteration_bounds = array<i64: 2, 16>, scalar_prefetch = 0 : i64, scratch_operands = 12 : i64, tpu.core_type = #tpu.core_type<sc_vector_subcore>, window_params = [{transform_indices = #map}, {transform_indices = #map}, {transform_indices = #map1}, {transform_indices = #map1}, {transform_indices = #map1}, {transform_indices = #map2}, {transform_indices = #map}]} {
    %mul3A = arith.constant 2 : i32
    %mul3A_0 = arith.muli %arg1, %mul3A : i32
    %add3A = arith.addi %mul3A_0, %arg0 : i32
    %broadcast_in_dim3A = arith.constant 0.000000e+00 : f32
    %broadcast_in_dim3A_1 = vector.broadcast %broadcast_in_dim3A : f32 to vector<16xf32>
    "tpu.region"() ({
      %run_scoped3A_140 = tpu.sem_alloc : memref<!tpu.dma_semaphore, #tpu.memory_space<semaphore_mem>>
      tpu.enqueue_dma source(%arg7 : memref<16xf32, #tpu.memory_space<hbm>>) target(%arg15 : memref<16xf32, #tpu.memory_space<vmem>>) target_semaphore(%run_scoped3A_140 : memref<!tpu.dma_semaphore, #tpu.memory_space<semaphore_mem>>)
      tpu.wait_dma2 semaphore(%run_scoped3A_140 : memref<!tpu.dma_semaphore, #tpu.memory_space<semaphore_mem>>) src(%arg7 : memref<16xf32, #tpu.memory_space<hbm>>) dst(%arg15 : memref<16xf32, #tpu.memory_space<vmem>>)
      tpu.yield
    }) : () -> ()
    %get3A = arith.constant 0 : index
    %get3A_2 = tpu.vector_load %arg15[%get3A] {strides = array<i32>} : memref<16xf32, #tpu.memory_space<vmem>>, vector<16xf32>,
    "tpu.region"() ({
      %run_scoped3A_140 = tpu.sem_alloc : memref<!tpu.dma_semaphore, #tpu.memory_space<semaphore_mem>>
      %dma_start3A_141 = arith.constant 0 : i32
      %dma_start3A_142 = arith.constant 0 : i32
      %dma_start3A_143 = tpu.memref_slice %arg2[%add3A, %dma_start3A_141, %dma_start3A_142] : memref<32x82x128xi32, #tpu.memory_space<hbm>> -> memref<1x82x128xi32, #tpu.memory_space<hbm>>
      %dma_start3A_144 = tpu.memref_squeeze %dma_start3A_143 : memref<1x82x128xi32, #tpu.memory_space<hbm>> -> memref<82x128xi32, #tpu.memory_space<hbm>>
      %dma_start3A_145 = arith.constant 0 : i32
      %dma_start3A_146 = arith.constant 0 : i32
      %dma_start3A_147 = tpu.memref_slice %arg2[%add3A, %dma_start3A_145, %dma_start3A_146] : memref<32x82x128xi32, #tpu.memory_space<hbm>> -> memref<1x82x128xi32, #tpu.memory_space<hbm>>
      %dma_start3A_148 = tpu.memref_squeeze %dma_start3A_147 : memref<1x82x128xi32, #tpu.memory_space<hbm>> -> memref<82x128xi32, #tpu.memory_space<hbm>>
      tpu.enqueue_dma source(%dma_start3A_148 : memref<82x128xi32, #tpu.memory_space<hbm>>) target(%arg9 : memref<82x128xi32, #tpu.memory_space<vmem>>) target_semaphore(%run_scoped3A_140 : memref<!tpu.dma_semaphore, #tpu.memory_space<semaphore_mem>>)
      %dma_wait3A_149 = arith.constant 0 : i32
      %dma_wait3A_150 = arith.constant 0 : i32
      %dma_wait3A_151 = tpu.memref_slice %arg2[%add3A, %dma_wait3A_149, %dma_wait3A_150] : memref<32x82x128xi32, #tpu.memory_space<hbm>> -> memref<1x82x128xi32, #tpu.memory_space<hbm>>
      %dma_wait3A_152 = tpu.memref_squeeze %dma_wait3A_151 : memref<1x82x128xi32, #tpu.memory_space<hbm>> -> memref<82x128xi32, #tpu.memory_space<hbm>>
      %dma_wait3A_153 = arith.constant 0 : i32
      %dma_wait3A_154 = arith.constant 0 : i32
      %dma_wait3A_155 = tpu.memref_slice %arg2[%add3A, %dma_wait3A_153, %dma_wait3A_154] : memref<32x82x128xi32, #tpu.memory_space<hbm>> -> memref<1x82x128xi32, #tpu.memory_space<hbm>>
      %dma_wait3A_156 = tpu.memref_squeeze %dma_wait3A_155 : memref<1x82x128xi32, #tpu.memory_space<hbm>> -> memref<82x128xi32, #tpu.memory_space<hbm>>
      tpu.wait_dma2 semaphore(%run_scoped3A_140 : memref<!tpu.dma_semaphore, #tpu.memory_space<semaphore_mem>>) src(%dma_wait3A_156 : memref<82x128xi32, #tpu.memory_space<hbm>>) dst(%arg9 : memref<82x128xi32, #tpu.memory_space<vmem>>)
      tpu.yield
    }) : () -> ()
    "tpu.region"() ({
      %run_scoped3A_140 = tpu.sem_alloc : memref<!tpu.dma_semaphore, #tpu.memory_space<semaphore_mem>>
      %dma_start3A_141 = arith.constant 0 : i32
      %dma_start3A_142 = arith.constant 0 : i32
      %dma_start3A_143 = tpu.memref_slice %arg3[%add3A, %dma_start3A_141, %dma_start3A_142] : memref<32x82x128xi32, #tpu.memory_space<hbm>> -> memref<1x82x128xi32, #tpu.memory_space<hbm>>
      %dma_start3A_144 = tpu.memref_squeeze %dma_start3A_143 : memref<1x82x128xi32, #tpu.memory_space<hbm>> -> memref<82x128xi32, #tpu.memory_space<hbm>>
      %dma_start3A_145 = arith.constant 0 : i32
      %dma_start3A_146 = arith.constant 0 : i32
      %dma_start3A_147 = tpu.memref_slice %arg3[%add3A, %dma_start3A_145, %dma_start3A_146] : memref<32x82x128xi32, #tpu.memory_space<hbm>> -> memref<1x82x128xi32, #tpu.memory_space<hbm>>
      %dma_start3A_148 = tpu.memref_squeeze %dma_start3A_147 : memref<1x82x128xi32, #tpu.memory_space<hbm>> -> memref<82x128xi32, #tpu.memory_space<hbm>>
      tpu.enqueue_dma source(%dma_start3A_148 : memref<82x128xi32, #tpu.memory_space<hbm>>) target(%arg10 : memref<82x128xi32, #tpu.memory_space<vmem>>) target_semaphore(%run_scoped3A_140 : memref<!tpu.dma_semaphore, #tpu.memory_space<semaphore_mem>>)
      %dma_wait3A_149 = arith.constant 0 : i32
      %dma_wait3A_150 = arith.constant 0 : i32
      %dma_wait3A_151 = tpu.memref_slice %arg3[%add3A, %dma_wait3A_149, %dma_wait3A_150] : memref<32x82x128xi32, #tpu.memory_space<hbm>> -> memref<1x82x128xi32, #tpu.memory_space<hbm>>
      %dma_wait3A_152 = tpu.memref_squeeze %dma_wait3A_151 : memref<1x82x128xi32, #tpu.memory_space<hbm>> -> memref<82x128xi32, #tpu.memory_space<hbm>>
      %dma_wait3A_153 = arith.constant 0 : i32
      %dma_wait3A_154 = arith.constant 0 : i32
      %dma_wait3A_155 = tpu.memref_slice %arg3[%add3A, %dma_wait3A_153, %dma_wait3A_154] : memref<32x82x128xi32, #tpu.memory_space<hbm>> -> memref<1x82x128xi32, #tpu.memory_space<hbm>>
      %dma_wait3A_156 = tpu.memref_squeeze %dma_wait3A_155 : memref<1x82x128xi32, #tpu.memory_space<hbm>> -> memref<82x128xi32, #tpu.memory_space<hbm>>
      tpu.wait_dma2 semaphore(%run_scoped3A_140 : memref<!tpu.dma_semaphore, #tpu.memory_space<semaphore_mem>>) src(%dma_wait3A_156 : memref<82x128xi32, #tpu.memory_space<hbm>>) dst(%arg10 : memref<82x128xi32, #tpu.memory_space<vmem>>)
      tpu.yield
    }) : () -> ()
    %scan3A = arith.constant 0 : i32
    %scan3A_3 = arith.constant 0 : i32
    %scan3A_4 = arith.constant 0 : i32
    %scan3A_5 = arith.constant 640 : i32
    %scan3A_6 = arith.addi %scan3A_4, %scan3A_5 : i32
    %scan3A_7 = arith.constant 1 : i32
    %scan3A_8 = scf.for %scan3A_140 = %scan3A_4 to %scan3A_6 step %scan3A_7 iter_args(%scan3A_141 = %scan3A_3) -> (i32)  : i32 {
      %jit3A = arith.constant 5 : i32
      %div3A = arith.divsi %scan3A_140, %jit3A : i32
      %sign3A = arith.constant 0 : i32
      %sign3A_142 = arith.cmpi sgt, %scan3A_140, %sign3A : i32
      %sign3A_143 = arith.extui %sign3A_142 : i1 to i32
      %sign3A_144 = arith.constant 0 : i32
      %sign3A_145 = arith.cmpi slt, %scan3A_140, %sign3A_144 : i32
      %sign3A_146 = arith.extui %sign3A_145 : i1 to i32
      %sign3A_147 = arith.subi %sign3A_143, %sign3A_146 : i32
      %sign3A_148 = arith.constant 0 : i32
      %sign3A_149 = arith.cmpi sgt, %jit3A, %sign3A_148 : i32
      %sign3A_150 = arith.extui %sign3A_149 : i1 to i32
      %sign3A_151 = arith.constant 0 : i32
      %sign3A_152 = arith.cmpi slt, %jit3A, %sign3A_151 : i32
      %sign3A_153 = arith.extui %sign3A_152 : i1 to i32
      %sign3A_154 = arith.subi %sign3A_150, %sign3A_153 : i32
      %ne3A = arith.cmpi ne, %sign3A_147, %sign3A_154 : i32
      %rem3A = arith.remsi %scan3A_140, %jit3A : i32
      %ne3A_155 = arith.constant 0 : i32
      %ne3A_156 = arith.cmpi ne, %rem3A, %ne3A_155 : i32
      %and3A = arith.andi %ne3A, %ne3A_156 : i1
      %sub3A = arith.constant 1 : i32
      %sub3A_157 = arith.subi %div3A, %sub3A : i32
      %select_n3A = arith.select %and3A, %sub3A_157, %div3A : i32
      %jit3A_158 = arith.constant 5 : i32
      %eq3A = arith.constant 0 : i32
      %eq3A_159 = arith.cmpi eq, %jit3A_158, %eq3A : i32
      %jit3A_160 = arith.constant 1 : i32
      %select_n3A_161 = arith.select %eq3A_159, %jit3A_160, %jit3A_158 : i32
      %rem3A_162 = arith.remsi %scan3A_140, %select_n3A_161 : i32
      %ne3A_163 = arith.constant 0 : i32
      %ne3A_164 = arith.cmpi ne, %rem3A_162, %ne3A_163 : i32
      %lt3A = arith.constant 0 : i32
      %lt3A_165 = arith.cmpi slt, %rem3A_162, %lt3A : i32
      %lt3A_166 = arith.constant 0 : i32
      %lt3A_167 = arith.cmpi slt, %select_n3A_161, %lt3A_166 : i32
      %ne3A_168 = arith.xori %lt3A_165, %lt3A_167 : i1
      %and3A_169 = arith.andi %ne3A_168, %ne3A_164 : i1
      %add3A_170 = arith.addi %rem3A_162, %select_n3A_161 : i32
      %select_n3A_171 = arith.select %and3A_169, %add3A_170, %rem3A_162 : i32
      %mul3A_172 = arith.constant 16 : i32
      %mul3A_173 = arith.muli %select_n3A_171, %mul3A_172 : i32
      %swap3A = arith.constant 0 : i32
      %swap3A_174 = arith.constant 0 : i32
      %swap3A_175 = tpu.memref_slice %arg14[%scan3A, %swap3A, %swap3A_174] : memref<2x128x80xf32, #tpu.memory_space<vmem>> -> memref<1x128x80xf32, #tpu.memory_space<vmem>>
      %swap3A_176 = tpu.memref_squeeze %swap3A_175 : memref<1x128x80xf32, #tpu.memory_space<vmem>> -> memref<128x80xf32, #tpu.memory_space<vmem>>
      %swap3A_177 = arith.index_cast %select_n3A : i32 to index
      %swap3A_178 = arith.index_cast %mul3A_173 : i32 to index
      %swap3A_179 = tpu.vector_load %swap3A_176[%swap3A_177, %swap3A_178] {strides = array<i32>} : memref<128x80xf32, #tpu.memory_space<vmem>>, vector<16xf32>,
      tpu.vector_store %swap3A_176[%swap3A_177, %swap3A_178], %broadcast_in_dim3A_1 {strides = array<i32>} : memref<128x80xf32, #tpu.memory_space<vmem>>, vector<16xf32>,
      %scan3A_180 = arith.constant 0 : i32
      scf.yield %scan3A_180 : i32
    }
    %scan3A_9 = arith.constant 640 : i32
    %mul3A_10 = arith.constant 640 : i32
    %mul3A_11 = arith.muli %arg1, %mul3A_10 : i32
    %add3A_12 = arith.constant 0 : i32
    %add3A_13 = arith.addi %mul3A_11, %add3A_12 : i32
    %run_scoped3A = arith.constant 0 : i32
    "tpu.region"() ({
      %run_scoped3A_140 = tpu.sem_alloc : memref<!tpu.dma_semaphore, #tpu.memory_space<semaphore_mem>>
      %dma_start3A_141 = arith.constant 0 : i32
      %dma_start3A_142 = arith.constant 0 : i32
      %dma_start3A_143 = tpu.memref_slice %arg14[%run_scoped3A, %dma_start3A_141, %dma_start3A_142] : memref<2x128x80xf32, #tpu.memory_space<vmem>> -> memref<1x128x80xf32, #tpu.memory_space<vmem>>
      %dma_start3A_144 = tpu.memref_squeeze %dma_start3A_143 : memref<1x128x80xf32, #tpu.memory_space<vmem>> -> memref<128x80xf32, #tpu.memory_space<vmem>>
      %dma_start3A_145 = arith.constant 0 : i32
      %dma_start3A_146 = tpu.memref_slice %arg16[%add3A_13, %dma_start3A_145] : memref<10240x80xf32, #tpu.memory_space<vmem_shared>> -> memref<128x80xf32, #tpu.memory_space<vmem_shared>>
      %dma_start3A_147 = arith.constant 0 : i32
      %dma_start3A_148 = tpu.memref_slice %arg16[%add3A_13, %dma_start3A_147] : memref<10240x80xf32, #tpu.memory_space<vmem_shared>> -> memref<128x80xf32, #tpu.memory_space<vmem_shared>>
      %dma_start3A_149 = arith.constant 0 : i32
      %dma_start3A_150 = arith.constant 0 : i32
      %dma_start3A_151 = tpu.memref_slice %arg14[%run_scoped3A, %dma_start3A_149, %dma_start3A_150] : memref<2x128x80xf32, #tpu.memory_space<vmem>> -> memref<1x128x80xf32, #tpu.memory_space<vmem>>
      %dma_start3A_152 = tpu.memref_squeeze %dma_start3A_151 : memref<1x128x80xf32, #tpu.memory_space<vmem>> -> memref<128x80xf32, #tpu.memory_space<vmem>>
      tpu.enqueue_dma source(%dma_start3A_152 : memref<128x80xf32, #tpu.memory_space<vmem>>) target(%dma_start3A_148 : memref<128x80xf32, #tpu.memory_space<vmem_shared>>) target_semaphore(%run_scoped3A_140 : memref<!tpu.dma_semaphore, #tpu.memory_space<semaphore_mem>>)
      %dma_wait3A_153 = arith.constant 0 : i32
      %dma_wait3A_154 = arith.constant 0 : i32
      %dma_wait3A_155 = tpu.memref_slice %arg14[%run_scoped3A, %dma_wait3A_153, %dma_wait3A_154] : memref<2x128x80xf32, #tpu.memory_space<vmem>> -> memref<1x128x80xf32, #tpu.memory_space<vmem>>
      %dma_wait3A_156 = tpu.memref_squeeze %dma_wait3A_155 : memref<1x128x80xf32, #tpu.memory_space<vmem>> -> memref<128x80xf32, #tpu.memory_space<vmem>>
      %dma_wait3A_157 = arith.constant 0 : i32
      %dma_wait3A_158 = tpu.memref_slice %arg16[%add3A_13, %dma_wait3A_157] : memref<10240x80xf32, #tpu.memory_space<vmem_shared>> -> memref<128x80xf32, #tpu.memory_space<vmem_shared>>
      %dma_wait3A_159 = arith.constant 0 : i32
      %dma_wait3A_160 = tpu.memref_slice %arg16[%add3A_13, %dma_wait3A_159] : memref<10240x80xf32, #tpu.memory_space<vmem_shared>> -> memref<128x80xf32, #tpu.memory_space<vmem_shared>>
      %dma_wait3A_161 = arith.constant 0 : i32
      %dma_wait3A_162 = arith.constant 0 : i32
      %dma_wait3A_163 = tpu.memref_slice %arg14[%run_scoped3A, %dma_wait3A_161, %dma_wait3A_162] : memref<2x128x80xf32, #tpu.memory_space<vmem>> -> memref<1x128x80xf32, #tpu.memory_space<vmem>>
      %dma_wait3A_164 = tpu.memref_squeeze %dma_wait3A_163 : memref<1x128x80xf32, #tpu.memory_space<vmem>> -> memref<128x80xf32, #tpu.memory_space<vmem>>
      tpu.wait_dma2 semaphore(%run_scoped3A_140 : memref<!tpu.dma_semaphore, #tpu.memory_space<semaphore_mem>>) src(%dma_wait3A_164 : memref<128x80xf32, #tpu.memory_space<vmem>>) dst(%dma_wait3A_160 : memref<128x80xf32, #tpu.memory_space<vmem_shared>>)
      tpu.yield
    }) : () -> ()
    %mul3A_14 = arith.constant 640 : i32
    %mul3A_15 = arith.muli %arg1, %mul3A_14 : i32
    %add3A_16 = arith.constant 128 : i32
    %add3A_17 = arith.addi %mul3A_15, %add3A_16 : i32
    %run_scoped3A_18 = arith.constant 0 : i32
    "tpu.region"() ({
      %run_scoped3A_140 = tpu.sem_alloc : memref<!tpu.dma_semaphore, #tpu.memory_space<semaphore_mem>>
      %dma_start3A_141 = arith.constant 0 : i32
      %dma_start3A_142 = arith.constant 0 : i32
      %dma_start3A_143 = tpu.memref_slice %arg14[%run_scoped3A_18, %dma_start3A_141, %dma_start3A_142] : memref<2x128x80xf32, #tpu.memory_space<vmem>> -> memref<1x128x80xf32, #tpu.memory_space<vmem>>
      %dma_start3A_144 = tpu.memref_squeeze %dma_start3A_143 : memref<1x128x80xf32, #tpu.memory_space<vmem>> -> memref<128x80xf32, #tpu.memory_space<vmem>>
      %dma_start3A_145 = arith.constant 0 : i32
      %dma_start3A_146 = tpu.memref_slice %arg16[%add3A_17, %dma_start3A_145] : memref<10240x80xf32, #tpu.memory_space<vmem_shared>> -> memref<128x80xf32, #tpu.memory_space<vmem_shared>>
      %dma_start3A_147 = arith.constant 0 : i32
      %dma_start3A_148 = tpu.memref_slice %arg16[%add3A_17, %dma_start3A_147] : memref<10240x80xf32, #tpu.memory_space<vmem_shared>> -> memref<128x80xf32, #tpu.memory_space<vmem_shared>>
      %dma_start3A_149 = arith.constant 0 : i32
      %dma_start3A_150 = arith.constant 0 : i32
      %dma_start3A_151 = tpu.memref_slice %arg14[%run_scoped3A_18, %dma_start3A_149, %dma_start3A_150] : memref<2x128x80xf32, #tpu.memory_space<vmem>> -> memref<1x128x80xf32, #tpu.memory_space<vmem>>
      %dma_start3A_152 = tpu.memref_squeeze %dma_start3A_151 : memref<1x128x80xf32, #tpu.memory_space<vmem>> -> memref<128x80xf32, #tpu.memory_space<vmem>>
      tpu.enqueue_dma source(%dma_start3A_152 : memref<128x80xf32, #tpu.memory_space<vmem>>) target(%dma_start3A_148 : memref<128x80xf32, #tpu.memory_space<vmem_shared>>) target_semaphore(%run_scoped3A_140 : memref<!tpu.dma_semaphore, #tpu.memory_space<semaphore_mem>>)
      %dma_wait3A_153 = arith.constant 0 : i32
      %dma_wait3A_154 = arith.constant 0 : i32
      %dma_wait3A_155 = tpu.memref_slice %arg14[%run_scoped3A_18, %dma_wait3A_153, %dma_wait3A_154] : memref<2x128x80xf32, #tpu.memory_space<vmem>> -> memref<1x128x80xf32, #tpu.memory_space<vmem>>
      %dma_wait3A_156 = tpu.memref_squeeze %dma_wait3A_155 : memref<1x128x80xf32, #tpu.memory_space<vmem>> -> memref<128x80xf32, #tpu.memory_space<vmem>>
      %dma_wait3A_157 = arith.constant 0 : i32
      %dma_wait3A_158 = tpu.memref_slice %arg16[%add3A_17, %dma_wait3A_157] : memref<10240x80xf32, #tpu.memory_space<vmem_shared>> -> memref<128x80xf32, #tpu.memory_space<vmem_shared>>
      %dma_wait3A_159 = arith.constant 0 : i32
      %dma_wait3A_160 = tpu.memref_slice %arg16[%add3A_17, %dma_wait3A_159] : memref<10240x80xf32, #tpu.memory_space<vmem_shared>> -> memref<128x80xf32, #tpu.memory_space<vmem_shared>>
      %dma_wait3A_161 = arith.constant 0 : i32
      %dma_wait3A_162 = arith.constant 0 : i32
      %dma_wait3A_163 = tpu.memref_slice %arg14[%run_scoped3A_18, %dma_wait3A_161, %dma_wait3A_162] : memref<2x128x80xf32, #tpu.memory_space<vmem>> -> memref<1x128x80xf32, #tpu.memory_space<vmem>>
      %dma_wait3A_164 = tpu.memref_squeeze %dma_wait3A_163 : memref<1x128x80xf32, #tpu.memory_space<vmem>> -> memref<128x80xf32, #tpu.memory_space<vmem>>
      tpu.wait_dma2 semaphore(%run_scoped3A_140 : memref<!tpu.dma_semaphore, #tpu.memory_space<semaphore_mem>>) src(%dma_wait3A_164 : memref<128x80xf32, #tpu.memory_space<vmem>>) dst(%dma_wait3A_160 : memref<128x80xf32, #tpu.memory_space<vmem_shared>>)
      tpu.yield
    }) : () -> ()
    %mul3A_19 = arith.constant 640 : i32
    %mul3A_20 = arith.muli %arg1, %mul3A_19 : i32
    %add3A_21 = arith.constant 256 : i32
    %add3A_22 = arith.addi %mul3A_20, %add3A_21 : i32
    %run_scoped3A_23 = arith.constant 0 : i32
    "tpu.region"() ({
      %run_scoped3A_140 = tpu.sem_alloc : memref<!tpu.dma_semaphore, #tpu.memory_space<semaphore_mem>>
      %dma_start3A_141 = arith.constant 0 : i32
      %dma_start3A_142 = arith.constant 0 : i32
      %dma_start3A_143 = tpu.memref_slice %arg14[%run_scoped3A_23, %dma_start3A_141, %dma_start3A_142] : memref<2x128x80xf32, #tpu.memory_space<vmem>> -> memref<1x128x80xf32, #tpu.memory_space<vmem>>
      %dma_start3A_144 = tpu.memref_squeeze %dma_start3A_143 : memref<1x128x80xf32, #tpu.memory_space<vmem>> -> memref<128x80xf32, #tpu.memory_space<vmem>>
      %dma_start3A_145 = arith.constant 0 : i32
      %dma_start3A_146 = tpu.memref_slice %arg16[%add3A_22, %dma_start3A_145] : memref<10240x80xf32, #tpu.memory_space<vmem_shared>> -> memref<128x80xf32, #tpu.memory_space<vmem_shared>>
      %dma_start3A_147 = arith.constant 0 : i32
      %dma_start3A_148 = tpu.memref_slice %arg16[%add3A_22, %dma_start3A_147] : memref<10240x80xf32, #tpu.memory_space<vmem_shared>> -> memref<128x80xf32, #tpu.memory_space<vmem_shared>>
      %dma_start3A_149 = arith.constant 0 : i32
      %dma_start3A_150 = arith.constant 0 : i32
      %dma_start3A_151 = tpu.memref_slice %arg14[%run_scoped3A_23, %dma_start3A_149, %dma_start3A_150] : memref<2x128x80xf32, #tpu.memory_space<vmem>> -> memref<1x128x80xf32, #tpu.memory_space<vmem>>
      %dma_start3A_152 = tpu.memref_squeeze %dma_start3A_151 : memref<1x128x80xf32, #tpu.memory_space<vmem>> -> memref<128x80xf32, #tpu.memory_space<vmem>>
      tpu.enqueue_dma source(%dma_start3A_152 : memref<128x80xf32, #tpu.memory_space<vmem>>) target(%dma_start3A_148 : memref<128x80xf32, #tpu.memory_space<vmem_shared>>) target_semaphore(%run_scoped3A_140 : memref<!tpu.dma_semaphore, #tpu.memory_space<semaphore_mem>>)
      %dma_wait3A_153 = arith.constant 0 : i32
      %dma_wait3A_154 = arith.constant 0 : i32
      %dma_wait3A_155 = tpu.memref_slice %arg14[%run_scoped3A_23, %dma_wait3A_153, %dma_wait3A_154] : memref<2x128x80xf32, #tpu.memory_space<vmem>> -> memref<1x128x80xf32, #tpu.memory_space<vmem>>
      %dma_wait3A_156 = tpu.memref_squeeze %dma_wait3A_155 : memref<1x128x80xf32, #tpu.memory_space<vmem>> -> memref<128x80xf32, #tpu.memory_space<vmem>>
      %dma_wait3A_157 = arith.constant 0 : i32
      %dma_wait3A_158 = tpu.memref_slice %arg16[%add3A_22, %dma_wait3A_157] : memref<10240x80xf32, #tpu.memory_space<vmem_shared>> -> memref<128x80xf32, #tpu.memory_space<vmem_shared>>
      %dma_wait3A_159 = arith.constant 0 : i32
      %dma_wait3A_160 = tpu.memref_slice %arg16[%add3A_22, %dma_wait3A_159] : memref<10240x80xf32, #tpu.memory_space<vmem_shared>> -> memref<128x80xf32, #tpu.memory_space<vmem_shared>>
      %dma_wait3A_161 = arith.constant 0 : i32
      %dma_wait3A_162 = arith.constant 0 : i32
      %dma_wait3A_163 = tpu.memref_slice %arg14[%run_scoped3A_23, %dma_wait3A_161, %dma_wait3A_162] : memref<2x128x80xf32, #tpu.memory_space<vmem>> -> memref<1x128x80xf32, #tpu.memory_space<vmem>>
      %dma_wait3A_164 = tpu.memref_squeeze %dma_wait3A_163 : memref<1x128x80xf32, #tpu.memory_space<vmem>> -> memref<128x80xf32, #tpu.memory_space<vmem>>
      tpu.wait_dma2 semaphore(%run_scoped3A_140 : memref<!tpu.dma_semaphore, #tpu.memory_space<semaphore_mem>>) src(%dma_wait3A_164 : memref<128x80xf32, #tpu.memory_space<vmem>>) dst(%dma_wait3A_160 : memref<128x80xf32, #tpu.memory_space<vmem_shared>>)
      tpu.yield
    }) : () -> ()
    %mul3A_24 = arith.constant 640 : i32
    %mul3A_25 = arith.muli %arg1, %mul3A_24 : i32
    %add3A_26 = arith.constant 384 : i32
    %add3A_27 = arith.addi %mul3A_25, %add3A_26 : i32
    %run_scoped3A_28 = arith.constant 0 : i32
    "tpu.region"() ({
      %run_scoped3A_140 = tpu.sem_alloc : memref<!tpu.dma_semaphore, #tpu.memory_space<semaphore_mem>>
      %dma_start3A_141 = arith.constant 0 : i32
      %dma_start3A_142 = arith.constant 0 : i32
      %dma_start3A_143 = tpu.memref_slice %arg14[%run_scoped3A_28, %dma_start3A_141, %dma_start3A_142] : memref<2x128x80xf32, #tpu.memory_space<vmem>> -> memref<1x128x80xf32, #tpu.memory_space<vmem>>
      %dma_start3A_144 = tpu.memref_squeeze %dma_start3A_143 : memref<1x128x80xf32, #tpu.memory_space<vmem>> -> memref<128x80xf32, #tpu.memory_space<vmem>>
      %dma_start3A_145 = arith.constant 0 : i32
      %dma_start3A_146 = tpu.memref_slice %arg16[%add3A_27, %dma_start3A_145] : memref<10240x80xf32, #tpu.memory_space<vmem_shared>> -> memref<128x80xf32, #tpu.memory_space<vmem_shared>>
      %dma_start3A_147 = arith.constant 0 : i32
      %dma_start3A_148 = tpu.memref_slice %arg16[%add3A_27, %dma_start3A_147] : memref<10240x80xf32, #tpu.memory_space<vmem_shared>> -> memref<128x80xf32, #tpu.memory_space<vmem_shared>>
      %dma_start3A_149 = arith.constant 0 : i32
      %dma_start3A_150 = arith.constant 0 : i32
      %dma_start3A_151 = tpu.memref_slice %arg14[%run_scoped3A_28, %dma_start3A_149, %dma_start3A_150] : memref<2x128x80xf32, #tpu.memory_space<vmem>> -> memref<1x128x80xf32, #tpu.memory_space<vmem>>
      %dma_start3A_152 = tpu.memref_squeeze %dma_start3A_151 : memref<1x128x80xf32, #tpu.memory_space<vmem>> -> memref<128x80xf32, #tpu.memory_space<vmem>>
      tpu.enqueue_dma source(%dma_start3A_152 : memref<128x80xf32, #tpu.memory_space<vmem>>) target(%dma_start3A_148 : memref<128x80xf32, #tpu.memory_space<vmem_shared>>) target_semaphore(%run_scoped3A_140 : memref<!tpu.dma_semaphore, #tpu.memory_space<semaphore_mem>>)
      %dma_wait3A_153 = arith.constant 0 : i32
      %dma_wait3A_154 = arith.constant 0 : i32
      %dma_wait3A_155 = tpu.memref_slice %arg14[%run_scoped3A_28, %dma_wait3A_153, %dma_wait3A_154] : memref<2x128x80xf32, #tpu.memory_space<vmem>> -> memref<1x128x80xf32, #tpu.memory_space<vmem>>
      %dma_wait3A_156 = tpu.memref_squeeze %dma_wait3A_155 : memref<1x128x80xf32, #tpu.memory_space<vmem>> -> memref<128x80xf32, #tpu.memory_space<vmem>>
      %dma_wait3A_157 = arith.constant 0 : i32
      %dma_wait3A_158 = tpu.memref_slice %arg16[%add3A_27, %dma_wait3A_157] : memref<10240x80xf32, #tpu.memory_space<vmem_shared>> -> memref<128x80xf32, #tpu.memory_space<vmem_shared>>
      %dma_wait3A_159 = arith.constant 0 : i32
      %dma_wait3A_160 = tpu.memref_slice %arg16[%add3A_27, %dma_wait3A_159] : memref<10240x80xf32, #tpu.memory_space<vmem_shared>> -> memref<128x80xf32, #tpu.memory_space<vmem_shared>>
      %dma_wait3A_161 = arith.constant 0 : i32
      %dma_wait3A_162 = arith.constant 0 : i32
      %dma_wait3A_163 = tpu.memref_slice %arg14[%run_scoped3A_28, %dma_wait3A_161, %dma_wait3A_162] : memref<2x128x80xf32, #tpu.memory_space<vmem>> -> memref<1x128x80xf32, #tpu.memory_space<vmem>>
      %dma_wait3A_164 = tpu.memref_squeeze %dma_wait3A_163 : memref<1x128x80xf32, #tpu.memory_space<vmem>> -> memref<128x80xf32, #tpu.memory_space<vmem>>
      tpu.wait_dma2 semaphore(%run_scoped3A_140 : memref<!tpu.dma_semaphore, #tpu.memory_space<semaphore_mem>>) src(%dma_wait3A_164 : memref<128x80xf32, #tpu.memory_space<vmem>>) dst(%dma_wait3A_160 : memref<128x80xf32, #tpu.memory_space<vmem_shared>>)
      tpu.yield
    }) : () -> ()
    %mul3A_29 = arith.constant 640 : i32
    %mul3A_30 = arith.muli %arg1, %mul3A_29 : i32
    %add3A_31 = arith.constant 512 : i32
    %add3A_32 = arith.addi %mul3A_30, %add3A_31 : i32
    %run_scoped3A_33 = arith.constant 0 : i32
    "tpu.region"() ({
      %run_scoped3A_140 = tpu.sem_alloc : memref<!tpu.dma_semaphore, #tpu.memory_space<semaphore_mem>>
      %dma_start3A_141 = arith.constant 0 : i32
      %dma_start3A_142 = arith.constant 0 : i32
      %dma_start3A_143 = tpu.memref_slice %arg14[%run_scoped3A_33, %dma_start3A_141, %dma_start3A_142] : memref<2x128x80xf32, #tpu.memory_space<vmem>> -> memref<1x128x80xf32, #tpu.memory_space<vmem>>
      %dma_start3A_144 = tpu.memref_squeeze %dma_start3A_143 : memref<1x128x80xf32, #tpu.memory_space<vmem>> -> memref<128x80xf32, #tpu.memory_space<vmem>>
      %dma_start3A_145 = arith.constant 0 : i32
      %dma_start3A_146 = tpu.memref_slice %arg16[%add3A_32, %dma_start3A_145] : memref<10240x80xf32, #tpu.memory_space<vmem_shared>> -> memref<128x80xf32, #tpu.memory_space<vmem_shared>>
      %dma_start3A_147 = arith.constant 0 : i32
      %dma_start3A_148 = tpu.memref_slice %arg16[%add3A_32, %dma_start3A_147] : memref<10240x80xf32, #tpu.memory_space<vmem_shared>> -> memref<128x80xf32, #tpu.memory_space<vmem_shared>>
      %dma_start3A_149 = arith.constant 0 : i32
      %dma_start3A_150 = arith.constant 0 : i32
      %dma_start3A_151 = tpu.memref_slice %arg14[%run_scoped3A_33, %dma_start3A_149, %dma_start3A_150] : memref<2x128x80xf32, #tpu.memory_space<vmem>> -> memref<1x128x80xf32, #tpu.memory_space<vmem>>
      %dma_start3A_152 = tpu.memref_squeeze %dma_start3A_151 : memref<1x128x80xf32, #tpu.memory_space<vmem>> -> memref<128x80xf32, #tpu.memory_space<vmem>>
      tpu.enqueue_dma source(%dma_start3A_152 : memref<128x80xf32, #tpu.memory_space<vmem>>) target(%dma_start3A_148 : memref<128x80xf32, #tpu.memory_space<vmem_shared>>) target_semaphore(%run_scoped3A_140 : memref<!tpu.dma_semaphore, #tpu.memory_space<semaphore_mem>>)
      %dma_wait3A_153 = arith.constant 0 : i32
      %dma_wait3A_154 = arith.constant 0 : i32
      %dma_wait3A_155 = tpu.memref_slice %arg14[%run_scoped3A_33, %dma_wait3A_153, %dma_wait3A_154] : memref<2x128x80xf32, #tpu.memory_space<vmem>> -> memref<1x128x80xf32, #tpu.memory_space<vmem>>
      %dma_wait3A_156 = tpu.memref_squeeze %dma_wait3A_155 : memref<1x128x80xf32, #tpu.memory_space<vmem>> -> memref<128x80xf32, #tpu.memory_space<vmem>>
      %dma_wait3A_157 = arith.constant 0 : i32
      %dma_wait3A_158 = tpu.memref_slice %arg16[%add3A_32, %dma_wait3A_157] : memref<10240x80xf32, #tpu.memory_space<vmem_shared>> -> memref<128x80xf32, #tpu.memory_space<vmem_shared>>
      %dma_wait3A_159 = arith.constant 0 : i32
      %dma_wait3A_160 = tpu.memref_slice %arg16[%add3A_32, %dma_wait3A_159] : memref<10240x80xf32, #tpu.memory_space<vmem_shared>> -> memref<128x80xf32, #tpu.memory_space<vmem_shared>>
      %dma_wait3A_161 = arith.constant 0 : i32
      %dma_wait3A_162 = arith.constant 0 : i32
      %dma_wait3A_163 = tpu.memref_slice %arg14[%run_scoped3A_33, %dma_wait3A_161, %dma_wait3A_162] : memref<2x128x80xf32, #tpu.memory_space<vmem>> -> memref<1x128x80xf32, #tpu.memory_space<vmem>>
      %dma_wait3A_164 = tpu.memref_squeeze %dma_wait3A_163 : memref<1x128x80xf32, #tpu.memory_space<vmem>> -> memref<128x80xf32, #tpu.memory_space<vmem>>
      tpu.wait_dma2 semaphore(%run_scoped3A_140 : memref<!tpu.dma_semaphore, #tpu.memory_space<semaphore_mem>>) src(%dma_wait3A_164 : memref<128x80xf32, #tpu.memory_space<vmem>>) dst(%dma_wait3A_160 : memref<128x80xf32, #tpu.memory_space<vmem_shared>>)
      tpu.yield
    }) : () -> ()
    %barrier3A = arith.constant 0 : index
    tpu.barrier barrier_id(%barrier3A)
    %dma_start3A = arith.constant 0 : i32
    %dma_start3A_34 = arith.constant 0 : i32
    %dma_start3A_35 = arith.constant 0 : i32
    %dma_start3A_36 = arith.constant 0 : i32
    %dma_start3A_37 = tpu.memref_slice %arg11[%dma_start3A_34, %dma_start3A_35, %dma_start3A_36] : memref<2x128x16xf32, #tpu.memory_space<vmem>> -> memref<1x128x16xf32, #tpu.memory_space<vmem>>
    %dma_start3A_38 = tpu.memref_squeeze %dma_start3A_37 : memref<1x128x16xf32, #tpu.memory_space<vmem>> -> memref<128x16xf32, #tpu.memory_space<vmem>>
    %dma_start3A_39 = arith.constant 0 : i32
    %dma_start3A_40 = tpu.memref_slice %arg9[%dma_start3A, %dma_start3A_39] : memref<82x128xi32, #tpu.memory_space<vmem>> -> memref<1x128xi32, #tpu.memory_space<vmem>>
    %dma_start3A_41 = tpu.memref_squeeze %dma_start3A_40 : memref<1x128xi32, #tpu.memory_space<vmem>> -> memref<128xi32, #tpu.memory_space<vmem>>
    %dma_start3A_42 = arith.constant 0 : i32
    %dma_start3A_43 = arith.constant 0 : i32
    %dma_start3A_44 = tpu.memref_slice %arg4[%dma_start3A_42, %dma_start3A_43] : memref<10240x16xf32, #tpu.memory_space<hbm>> -> memref<10240x16xf32, #tpu.memory_space<hbm>>
    tpu.enqueue_indirect_dma source(%dma_start3A_44 : memref<10240x16xf32, #tpu.memory_space<hbm>>) target(%dma_start3A_38 : memref<128x16xf32, #tpu.memory_space<vmem>>) offsets(%dma_start3A_41 : memref<128xi32, #tpu.memory_space<vmem>>) semaphore(%arg17 : memref<!tpu.dma_semaphore, #tpu.memory_space<semaphore_mem>>)
    %dma_start3A_45 = arith.constant 0 : i32
    %dma_start3A_46 = arith.constant 0 : i32
    %dma_start3A_47 = arith.constant 0 : i32
    %dma_start3A_48 = arith.constant 0 : i32
    %dma_start3A_49 = tpu.memref_slice %arg12[%dma_start3A_46, %dma_start3A_47, %dma_start3A_48] : memref<2x128x16xf32, #tpu.memory_space<vmem>> -> memref<1x128x16xf32, #tpu.memory_space<vmem>>
    %dma_start3A_50 = tpu.memref_squeeze %dma_start3A_49 : memref<1x128x16xf32, #tpu.memory_space<vmem>> -> memref<128x16xf32, #tpu.memory_space<vmem>>
    %dma_start3A_51 = arith.constant 0 : i32
    %dma_start3A_52 = tpu.memref_slice %arg10[%dma_start3A_45, %dma_start3A_51] : memref<82x128xi32, #tpu.memory_space<vmem>> -> memref<1x128xi32, #tpu.memory_space<vmem>>
    %dma_start3A_53 = tpu.memref_squeeze %dma_start3A_52 : memref<1x128xi32, #tpu.memory_space<vmem>> -> memref<128xi32, #tpu.memory_space<vmem>>
    %dma_start3A_54 = arith.constant 0 : i32
    %dma_start3A_55 = arith.constant 0 : i32
    %dma_start3A_56 = tpu.memref_slice %arg5[%dma_start3A_54, %dma_start3A_55] : memref<10240x16xf32, #tpu.memory_space<hbm>> -> memref<10240x16xf32, #tpu.memory_space<hbm>>
    tpu.enqueue_indirect_dma source(%dma_start3A_56 : memref<10240x16xf32, #tpu.memory_space<hbm>>) target(%dma_start3A_50 : memref<128x16xf32, #tpu.memory_space<vmem>>) offsets(%dma_start3A_53 : memref<128xi32, #tpu.memory_space<vmem>>) semaphore(%arg17 : memref<!tpu.dma_semaphore, #tpu.memory_space<semaphore_mem>>)
    %dma_start3A_57 = arith.constant 0 : i32
    %dma_start3A_58 = arith.constant 0 : i32
    %dma_start3A_59 = arith.constant 0 : i32
    %dma_start3A_60 = arith.constant 0 : i32
    %dma_start3A_61 = tpu.memref_slice %arg13[%dma_start3A_58, %dma_start3A_59, %dma_start3A_60] : memref<2x128x64xbf16, #tpu.memory_space<vmem>> -> memref<1x128x64xbf16, #tpu.memory_space<vmem>>
    %dma_start3A_62 = tpu.memref_squeeze %dma_start3A_61 : memref<1x128x64xbf16, #tpu.memory_space<vmem>> -> memref<128x64xbf16, #tpu.memory_space<vmem>>
    %dma_start3A_63 = arith.constant 0 : i32
    %dma_start3A_64 = tpu.memref_slice %arg9[%dma_start3A_57, %dma_start3A_63] : memref<82x128xi32, #tpu.memory_space<vmem>> -> memref<1x128xi32, #tpu.memory_space<vmem>>
    %dma_start3A_65 = tpu.memref_squeeze %dma_start3A_64 : memref<1x128xi32, #tpu.memory_space<vmem>> -> memref<128xi32, #tpu.memory_space<vmem>>
    %dma_start3A_66 = arith.constant 0 : i32
    %dma_start3A_67 = arith.constant 0 : i32
    %dma_start3A_68 = tpu.memref_slice %arg6[%dma_start3A_66, %dma_start3A_67] : memref<10240x64xbf16, #tpu.memory_space<hbm>> -> memref<10240x64xbf16, #tpu.memory_space<hbm>>
    tpu.enqueue_indirect_dma source(%dma_start3A_68 : memref<10240x64xbf16, #tpu.memory_space<hbm>>) target(%dma_start3A_62 : memref<128x64xbf16, #tpu.memory_space<vmem>>) offsets(%dma_start3A_65 : memref<128xi32, #tpu.memory_space<vmem>>) semaphore(%arg17 : memref<!tpu.dma_semaphore, #tpu.memory_space<semaphore_mem>>)
    %dma_start3A_69 = arith.constant 1 : i32
    %dma_start3A_70 = arith.constant 1 : i32
    %dma_start3A_71 = arith.constant 0 : i32
    %dma_start3A_72 = arith.constant 0 : i32
    %dma_start3A_73 = tpu.memref_slice %arg11[%dma_start3A_70, %dma_start3A_71, %dma_start3A_72] : memref<2x128x16xf32, #tpu.memory_space<vmem>> -> memref<1x128x16xf32, #tpu.memory_space<vmem>>
    %dma_start3A_74 = tpu.memref_squeeze %dma_start3A_73 : memref<1x128x16xf32, #tpu.memory_space<vmem>> -> memref<128x16xf32, #tpu.memory_space<vmem>>
    %dma_start3A_75 = arith.constant 0 : i32
    %dma_start3A_76 = tpu.memref_slice %arg9[%dma_start3A_69, %dma_start3A_75] : memref<82x128xi32, #tpu.memory_space<vmem>> -> memref<1x128xi32, #tpu.memory_space<vmem>>
    %dma_start3A_77 = tpu.memref_squeeze %dma_start3A_76 : memref<1x128xi32, #tpu.memory_space<vmem>> -> memref<128xi32, #tpu.memory_space<vmem>>
    %dma_start3A_78 = arith.constant 0 : i32
    %dma_start3A_79 = arith.constant 0 : i32
    %dma_start3A_80 = tpu.memref_slice %arg4[%dma_start3A_78, %dma_start3A_79] : memref<10240x16xf32, #tpu.memory_space<hbm>> -> memref<10240x16xf32, #tpu.memory_space<hbm>>
    tpu.enqueue_indirect_dma source(%dma_start3A_80 : memref<10240x16xf32, #tpu.memory_space<hbm>>) target(%dma_start3A_74 : memref<128x16xf32, #tpu.memory_space<vmem>>) offsets(%dma_start3A_77 : memref<128xi32, #tpu.memory_space<vmem>>) semaphore(%arg18 : memref<!tpu.dma_semaphore, #tpu.memory_space<semaphore_mem>>)
    %dma_start3A_81 = arith.constant 1 : i32
    %dma_start3A_82 = arith.constant 1 : i32
    %dma_start3A_83 = arith.constant 0 : i32
    %dma_start3A_84 = arith.constant 0 : i32
    %dma_start3A_85 = tpu.memref_slice %arg12[%dma_start3A_82, %dma_start3A_83, %dma_start3A_84] : memref<2x128x16xf32, #tpu.memory_space<vmem>> -> memref<1x128x16xf32, #tpu.memory_space<vmem>>
    %dma_start3A_86 = tpu.memref_squeeze %dma_start3A_85 : memref<1x128x16xf32, #tpu.memory_space<vmem>> -> memref<128x16xf32, #tpu.memory_space<vmem>>
    %dma_start3A_87 = arith.constant 0 : i32
    %dma_start3A_88 = tpu.memref_slice %arg10[%dma_start3A_81, %dma_start3A_87] : memref<82x128xi32, #tpu.memory_space<vmem>> -> memref<1x128xi32, #tpu.memory_space<vmem>>
    %dma_start3A_89 = tpu.memref_squeeze %dma_start3A_88 : memref<1x128xi32, #tpu.memory_space<vmem>> -> memref<128xi32, #tpu.memory_space<vmem>>
    %dma_start3A_90 = arith.constant 0 : i32
    %dma_start3A_91 = arith.constant 0 : i32
    %dma_start3A_92 = tpu.memref_slice %arg5[%dma_start3A_90, %dma_start3A_91] : memref<10240x16xf32, #tpu.memory_space<hbm>> -> memref<10240x16xf32, #tpu.memory_space<hbm>>
    tpu.enqueue_indirect_dma source(%dma_start3A_92 : memref<10240x16xf32, #tpu.memory_space<hbm>>) target(%dma_start3A_86 : memref<128x16xf32, #tpu.memory_space<vmem>>) offsets(%dma_start3A_89 : memref<128xi32, #tpu.memory_space<vmem>>) semaphore(%arg18 : memref<!tpu.dma_semaphore, #tpu.memory_space<semaphore_mem>>)
    %dma_start3A_93 = arith.constant 1 : i32
    %dma_start3A_94 = arith.constant 1 : i32
    %dma_start3A_95 = arith.constant 0 : i32
    %dma_start3A_96 = arith.constant 0 : i32
    %dma_start3A_97 = tpu.memref_slice %arg13[%dma_start3A_94, %dma_start3A_95, %dma_start3A_96] : memref<2x128x64xbf16, #tpu.memory_space<vmem>> -> memref<1x128x64xbf16, #tpu.memory_space<vmem>>
    %dma_start3A_98 = tpu.memref_squeeze %dma_start3A_97 : memref<1x128x64xbf16, #tpu.memory_space<vmem>> -> memref<128x64xbf16, #tpu.memory_space<vmem>>
    %dma_start3A_99 = arith.constant 0 : i32
    %dma_start3A_100 = tpu.memref_slice %arg9[%dma_start3A_93, %dma_start3A_99] : memref<82x128xi32, #tpu.memory_space<vmem>> -> memref<1x128xi32, #tpu.memory_space<vmem>>
    %dma_start3A_101 = tpu.memref_squeeze %dma_start3A_100 : memref<1x128xi32, #tpu.memory_space<vmem>> -> memref<128xi32, #tpu.memory_space<vmem>>
    %dma_start3A_102 = arith.constant 0 : i32
    %dma_start3A_103 = arith.constant 0 : i32
    %dma_start3A_104 = tpu.memref_slice %arg6[%dma_start3A_102, %dma_start3A_103] : memref<10240x64xbf16, #tpu.memory_space<hbm>> -> memref<10240x64xbf16, #tpu.memory_space<hbm>>
    tpu.enqueue_indirect_dma source(%dma_start3A_104 : memref<10240x64xbf16, #tpu.memory_space<hbm>>) target(%dma_start3A_98 : memref<128x64xbf16, #tpu.memory_space<vmem>>) offsets(%dma_start3A_101 : memref<128xi32, #tpu.memory_space<vmem>>) semaphore(%arg18 : memref<!tpu.dma_semaphore, #tpu.memory_space<semaphore_mem>>)
    %scan3A_105 = arith.constant 0 : i32
    %scan3A_106 = arith.constant 0 : i32
    %scan3A_107 = arith.constant 41 : i32
    %scan3A_108 = arith.addi %scan3A_106, %scan3A_107 : i32
    %scan3A_109 = arith.constant 1 : i32
    %scan3A_110 = scf.for %scan3A_140 = %scan3A_106 to %scan3A_108 step %scan3A_109 iter_args(%scan3A_141 = %scan3A_105) -> (i32)  : i32 {
      %mul3A_142 = arith.constant 2 : i32
      %mul3A_143 = arith.muli %mul3A_142, %scan3A_140 : i32
      %add3A_144 = arith.constant 0 : i32
      %add3A_145 = arith.addi %mul3A_143, %add3A_144 : i32
      %dma_wait3A_146 = arith.constant 0 : i32
      %dma_wait3A_147 = arith.constant 0 : i32
      %dma_wait3A_148 = arith.constant 0 : i32
      %dma_wait3A_149 = tpu.memref_slice %arg11[%dma_wait3A_146, %dma_wait3A_147, %dma_wait3A_148] : memref<2x128x16xf32, #tpu.memory_space<vmem>> -> memref<1x128x16xf32, #tpu.memory_space<vmem>>
      %dma_wait3A_150 = tpu.memref_squeeze %dma_wait3A_149 : memref<1x128x16xf32, #tpu.memory_space<vmem>> -> memref<128x16xf32, #tpu.memory_space<vmem>>
      %dma_wait3A_151 = arith.constant 0 : i32
      %dma_wait3A_152 = tpu.memref_slice %arg9[%add3A_145, %dma_wait3A_151] : memref<82x128xi32, #tpu.memory_space<vmem>> -> memref<1x128xi32, #tpu.memory_space<vmem>>
      %dma_wait3A_153 = tpu.memref_squeeze %dma_wait3A_152 : memref<1x128xi32, #tpu.memory_space<vmem>> -> memref<128xi32, #tpu.memory_space<vmem>>
      %dma_wait3A_154 = arith.constant 0 : i32
      %dma_wait3A_155 = arith.constant 0 : i32
      %dma_wait3A_156 = tpu.memref_slice %arg4[%dma_wait3A_154, %dma_wait3A_155] : memref<10240x16xf32, #tpu.memory_space<hbm>> -> memref<10240x16xf32, #tpu.memory_space<hbm>>
      tpu.wait_indirect_dma semaphore(%arg17 : memref<!tpu.dma_semaphore, #tpu.memory_space<semaphore_mem>>) src(%dma_wait3A_156 : memref<10240x16xf32, #tpu.memory_space<hbm>>) dst(%dma_wait3A_150 : memref<128x16xf32, #tpu.memory_space<vmem>>)
      %dma_wait3A_157 = arith.constant 0 : i32
      %dma_wait3A_158 = arith.constant 0 : i32
      %dma_wait3A_159 = arith.constant 0 : i32
      %dma_wait3A_160 = tpu.memref_slice %arg12[%dma_wait3A_157, %dma_wait3A_158, %dma_wait3A_159] : memref<2x128x16xf32, #tpu.memory_space<vmem>> -> memref<1x128x16xf32, #tpu.memory_space<vmem>>
      %dma_wait3A_161 = tpu.memref_squeeze %dma_wait3A_160 : memref<1x128x16xf32, #tpu.memory_space<vmem>> -> memref<128x16xf32, #tpu.memory_space<vmem>>
      %dma_wait3A_162 = arith.constant 0 : i32
      %dma_wait3A_163 = tpu.memref_slice %arg10[%add3A_145, %dma_wait3A_162] : memref<82x128xi32, #tpu.memory_space<vmem>> -> memref<1x128xi32, #tpu.memory_space<vmem>>
      %dma_wait3A_164 = tpu.memref_squeeze %dma_wait3A_163 : memref<1x128xi32, #tpu.memory_space<vmem>> -> memref<128xi32, #tpu.memory_space<vmem>>
      %dma_wait3A_165 = arith.constant 0 : i32
      %dma_wait3A_166 = arith.constant 0 : i32
      %dma_wait3A_167 = tpu.memref_slice %arg5[%dma_wait3A_165, %dma_wait3A_166] : memref<10240x16xf32, #tpu.memory_space<hbm>> -> memref<10240x16xf32, #tpu.memory_space<hbm>>
      tpu.wait_indirect_dma semaphore(%arg17 : memref<!tpu.dma_semaphore, #tpu.memory_space<semaphore_mem>>) src(%dma_wait3A_167 : memref<10240x16xf32, #tpu.memory_space<hbm>>) dst(%dma_wait3A_161 : memref<128x16xf32, #tpu.memory_space<vmem>>)
      %dma_wait3A_168 = arith.constant 0 : i32
      %dma_wait3A_169 = arith.constant 0 : i32
      %dma_wait3A_170 = arith.constant 0 : i32
      %dma_wait3A_171 = tpu.memref_slice %arg13[%dma_wait3A_168, %dma_wait3A_169, %dma_wait3A_170] : memref<2x128x64xbf16, #tpu.memory_space<vmem>> -> memref<1x128x64xbf16, #tpu.memory_space<vmem>>
      %dma_wait3A_172 = tpu.memref_squeeze %dma_wait3A_171 : memref<1x128x64xbf16, #tpu.memory_space<vmem>> -> memref<128x64xbf16, #tpu.memory_space<vmem>>
      %dma_wait3A_173 = arith.constant 0 : i32
      %dma_wait3A_174 = tpu.memref_slice %arg9[%add3A_145, %dma_wait3A_173] : memref<82x128xi32, #tpu.memory_space<vmem>> -> memref<1x128xi32, #tpu.memory_space<vmem>>
      %dma_wait3A_175 = tpu.memref_squeeze %dma_wait3A_174 : memref<1x128xi32, #tpu.memory_space<vmem>> -> memref<128xi32, #tpu.memory_space<vmem>>
      %dma_wait3A_176 = arith.constant 0 : i32
      %dma_wait3A_177 = arith.constant 0 : i32
      %dma_wait3A_178 = tpu.memref_slice %arg6[%dma_wait3A_176, %dma_wait3A_177] : memref<10240x64xbf16, #tpu.memory_space<hbm>> -> memref<10240x64xbf16, #tpu.memory_space<hbm>>
      tpu.wait_indirect_dma semaphore(%arg17 : memref<!tpu.dma_semaphore, #tpu.memory_space<semaphore_mem>>) src(%dma_wait3A_178 : memref<10240x64xbf16, #tpu.memory_space<hbm>>) dst(%dma_wait3A_172 : memref<128x64xbf16, #tpu.memory_space<vmem>>)
      %ge3A = arith.constant 2 : i32
      %ge3A_179 = arith.cmpi sge, %add3A_145, %ge3A : i32
      %convert_element_type3A = arith.extui %ge3A_179 : i1 to i32
      %cond3A = arith.constant 0 : i32
      %cond3A_180 = arith.constant 0 : i32
      %cond3A_181 = arith.cmpi ne, %convert_element_type3A, %cond3A_180 : i32
      scf.if %cond3A_181 {
        %dma_wait3A_274 = arith.constant 0 : i32
        %dma_wait3A_275 = arith.constant 0 : i32
        %dma_wait3A_276 = tpu.memref_slice %arg14[%cond3A, %dma_wait3A_274, %dma_wait3A_275] : memref<2x128x80xf32, #tpu.memory_space<vmem>> -> memref<1x128x80xf32, #tpu.memory_space<vmem>>
        %dma_wait3A_277 = tpu.memref_squeeze %dma_wait3A_276 : memref<1x128x80xf32, #tpu.memory_space<vmem>> -> memref<128x80xf32, #tpu.memory_space<vmem>>
        %dma_wait3A_278 = arith.constant 0 : i32
        %dma_wait3A_279 = tpu.memref_slice %arg10[%add3A_145, %dma_wait3A_278] : memref<82x128xi32, #tpu.memory_space<vmem>> -> memref<1x128xi32, #tpu.memory_space<vmem>>
        %dma_wait3A_280 = tpu.memref_squeeze %dma_wait3A_279 : memref<1x128xi32, #tpu.memory_space<vmem>> -> memref<128xi32, #tpu.memory_space<vmem>>
        %dma_wait3A_281 = arith.constant 0 : i32
        %dma_wait3A_282 = arith.constant 0 : i32
        %dma_wait3A_283 = tpu.memref_slice %arg16[%dma_wait3A_281, %dma_wait3A_282] : memref<10240x80xf32, #tpu.memory_space<vmem_shared>> -> memref<10240x80xf32, #tpu.memory_space<vmem_shared>>
        tpu.wait_indirect_dma semaphore(%arg19 : memref<!tpu.dma_semaphore, #tpu.memory_space<semaphore_mem>>) src(%dma_wait3A_277 : memref<128x80xf32, #tpu.memory_space<vmem>>) dst(%dma_wait3A_283 : memref<10240x80xf32, #tpu.memory_space<vmem_shared>>)
      } else {
      }
      %parallel_loop3A = arith.constant 0 : i32
      %parallel_loop3A_182 = arith.constant 128 : i32
      %parallel_loop3A_183 = arith.constant 1 : i32
      %parallel_loop3A_184 = arith.constant 0 : i32
      %parallel_loop3A_185 = arith.constant 0 : i32
      %parallel_loop3A_186 = arith.constant 0 : i32
      %parallel_loop3A_187 = arith.constant 0 : i32
      scf.for %parallel_loop3A_274 = %parallel_loop3A to %parallel_loop3A_182 step %parallel_loop3A_183  : i32 {
        %parallel_loop3A_275 = arith.constant 0 : i32
        %parallel_loop3A_276 = arith.constant 0 : i32
        %parallel_loop3A_277 = tpu.memref_slice %arg11[%parallel_loop3A_184, %parallel_loop3A_275, %parallel_loop3A_276] : memref<2x128x16xf32, #tpu.memory_space<vmem>> -> memref<1x128x16xf32, #tpu.memory_space<vmem>>
        %parallel_loop3A_278 = tpu.memref_squeeze %parallel_loop3A_277 : memref<1x128x16xf32, #tpu.memory_space<vmem>> -> memref<128x16xf32, #tpu.memory_space<vmem>>
        %parallel_loop3A_279 = arith.index_cast %parallel_loop3A_274 : i32 to index
        %parallel_loop3A_280 = arith.constant 0 : index
        %parallel_loop3A_281 = tpu.vector_load %parallel_loop3A_278[%parallel_loop3A_279, %parallel_loop3A_280] {strides = array<i32>} : memref<128x16xf32, #tpu.memory_space<vmem>>, vector<16xf32>,
        %parallel_loop3A_282 = arith.constant 0 : i32
        %parallel_loop3A_283 = arith.constant 0 : i32
        %parallel_loop3A_284 = tpu.memref_slice %arg12[%parallel_loop3A_185, %parallel_loop3A_282, %parallel_loop3A_283] : memref<2x128x16xf32, #tpu.memory_space<vmem>> -> memref<1x128x16xf32, #tpu.memory_space<vmem>>
        %parallel_loop3A_285 = tpu.memref_squeeze %parallel_loop3A_284 : memref<1x128x16xf32, #tpu.memory_space<vmem>> -> memref<128x16xf32, #tpu.memory_space<vmem>>
        %parallel_loop3A_286 = arith.index_cast %parallel_loop3A_274 : i32 to index
        %parallel_loop3A_287 = arith.constant 0 : index
        %parallel_loop3A_288 = tpu.vector_load %parallel_loop3A_285[%parallel_loop3A_286, %parallel_loop3A_287] {strides = array<i32>} : memref<128x16xf32, #tpu.memory_space<vmem>>, vector<16xf32>,
        %parallel_loop3A_289 = arith.addf %parallel_loop3A_281, %parallel_loop3A_288 : vector<16xf32>
        %parallel_loop3A_290 = arith.constant 0.000000e+00 : f32
        %parallel_loop3A_291 = vector.broadcast %parallel_loop3A_290 : f32 to vector<16xf32>
        %parallel_loop3A_292 = arith.cmpf oge, %parallel_loop3A_289, %parallel_loop3A_291 : vector<16xf32>
        %parallel_loop3A_293 = arith.constant 2.000000e-01 : f32
        %parallel_loop3A_294 = vector.broadcast %parallel_loop3A_293 : f32 to vector<16xf32>
        %parallel_loop3A_295 = arith.mulf %parallel_loop3A_289, %parallel_loop3A_294 : vector<16xf32>
        %parallel_loop3A_296 = arith.select %parallel_loop3A_292, %parallel_loop3A_289, %parallel_loop3A_295 : vector<16xi1>, vector<16xf32>
        %parallel_loop3A_297 = arith.subf %parallel_loop3A_296, %get3A_2 : vector<16xf32>
        %parallel_loop3A_298 = math.exp %parallel_loop3A_297 : vector<16xf32>
        %parallel_loop3A_299 = arith.constant 0 : i32
        %parallel_loop3A_300 = arith.constant 0 : i32
        %parallel_loop3A_301 = tpu.memref_slice %arg14[%parallel_loop3A_186, %parallel_loop3A_299, %parallel_loop3A_300] : memref<2x128x80xf32, #tpu.memory_space<vmem>> -> memref<1x128x80xf32, #tpu.memory_space<vmem>>
        %parallel_loop3A_302 = tpu.memref_squeeze %parallel_loop3A_301 : memref<1x128x80xf32, #tpu.memory_space<vmem>> -> memref<128x80xf32, #tpu.memory_space<vmem>>
        %parallel_loop3A_303 = arith.index_cast %parallel_loop3A_274 : i32 to index
        %parallel_loop3A_304 = arith.constant 64 : index
        %parallel_loop3A_305 = tpu.vector_load %parallel_loop3A_302[%parallel_loop3A_303, %parallel_loop3A_304] {strides = array<i32>} : memref<128x80xf32, #tpu.memory_space<vmem>>, vector<16xf32>,
        tpu.vector_store %parallel_loop3A_302[%parallel_loop3A_303, %parallel_loop3A_304], %parallel_loop3A_298 {strides = array<i32>} : memref<128x80xf32, #tpu.memory_space<vmem>>, vector<16xf32>,
        %parallel_loop3A_306 = arith.constant 0 : i32
        %parallel_loop3A_307 = arith.constant 0 : i32
        %parallel_loop3A_308 = tpu.memref_slice %arg13[%parallel_loop3A_187, %parallel_loop3A_306, %parallel_loop3A_307] : memref<2x128x64xbf16, #tpu.memory_space<vmem>> -> memref<1x128x64xbf16, #tpu.memory_space<vmem>>
        %parallel_loop3A_309 = tpu.memref_squeeze %parallel_loop3A_308 : memref<1x128x64xbf16, #tpu.memory_space<vmem>> -> memref<128x64xbf16, #tpu.memory_space<vmem>>
        %parallel_loop3A_310 = arith.index_cast %parallel_loop3A_274 : i32 to index
        %parallel_loop3A_311 = arith.constant 0 : index
        %parallel_loop3A_312 = tpu.vector_load %parallel_loop3A_309[%parallel_loop3A_310, %parallel_loop3A_311] {strides = array<i32>} : memref<128x64xbf16, #tpu.memory_space<vmem>>, vector<32xbf16>,
        %parallel_loop3A_313 = tpu.unpack_subelements %parallel_loop3A_312, 0 {pack_format = #tpu.pack_format<interleaved>} : vector<32xbf16> -> vector<16xf32>
        %parallel_loop3A_314 = tpu.unpack_subelements %parallel_loop3A_312, 1 {pack_format = #tpu.pack_format<interleaved>} : vector<32xbf16> -> vector<16xf32>
        %parallel_loop3A_315 = arith.constant 0 : i32
        %parallel_loop3A_316 = arith.constant 0 : i32
        %parallel_loop3A_317 = tpu.memref_slice %arg13[%parallel_loop3A_187, %parallel_loop3A_315, %parallel_loop3A_316] : memref<2x128x64xbf16, #tpu.memory_space<vmem>> -> memref<1x128x64xbf16, #tpu.memory_space<vmem>>
        %parallel_loop3A_318 = tpu.memref_squeeze %parallel_loop3A_317 : memref<1x128x64xbf16, #tpu.memory_space<vmem>> -> memref<128x64xbf16, #tpu.memory_space<vmem>>
        %parallel_loop3A_319 = arith.index_cast %parallel_loop3A_274 : i32 to index
        %parallel_loop3A_320 = arith.constant 32 : index
        %parallel_loop3A_321 = tpu.vector_load %parallel_loop3A_318[%parallel_loop3A_319, %parallel_loop3A_320] {strides = array<i32>} : memref<128x64xbf16, #tpu.memory_space<vmem>>, vector<32xbf16>,
        %parallel_loop3A_322 = tpu.unpack_subelements %parallel_loop3A_321, 0 {pack_format = #tpu.pack_format<interleaved>} : vector<32xbf16> -> vector<16xf32>
        %parallel_loop3A_323 = tpu.unpack_subelements %parallel_loop3A_321, 1 {pack_format = #tpu.pack_format<interleaved>} : vector<32xbf16> -> vector<16xf32>
        %parallel_loop3A_324 = arith.mulf %parallel_loop3A_298, %parallel_loop3A_313 : vector<16xf32>
        %parallel_loop3A_325 = arith.constant 0 : i32
        %parallel_loop3A_326 = arith.constant 0 : i32
        %parallel_loop3A_327 = tpu.memref_slice %arg14[%parallel_loop3A_186, %parallel_loop3A_325, %parallel_loop3A_326] : memref<2x128x80xf32, #tpu.memory_space<vmem>> -> memref<1x128x80xf32, #tpu.memory_space<vmem>>
        %parallel_loop3A_328 = tpu.memref_squeeze %parallel_loop3A_327 : memref<1x128x80xf32, #tpu.memory_space<vmem>> -> memref<128x80xf32, #tpu.memory_space<vmem>>
        %parallel_loop3A_329 = arith.index_cast %parallel_loop3A_274 : i32 to index
        %parallel_loop3A_330 = arith.constant 0 : index
        %parallel_loop3A_331 = tpu.vector_load %parallel_loop3A_328[%parallel_loop3A_329, %parallel_loop3A_330] {strides = array<i32>} : memref<128x80xf32, #tpu.memory_space<vmem>>, vector<16xf32>,
        tpu.vector_store %parallel_loop3A_328[%parallel_loop3A_329, %parallel_loop3A_330], %parallel_loop3A_324 {strides = array<i32>} : memref<128x80xf32, #tpu.memory_space<vmem>>, vector<16xf32>,
        %parallel_loop3A_332 = arith.mulf %parallel_loop3A_298, %parallel_loop3A_314 : vector<16xf32>
        %parallel_loop3A_333 = arith.constant 0 : i32
        %parallel_loop3A_334 = arith.constant 0 : i32
        %parallel_loop3A_335 = tpu.memref_slice %arg14[%parallel_loop3A_186, %parallel_loop3A_333, %parallel_loop3A_334] : memref<2x128x80xf32, #tpu.memory_space<vmem>> -> memref<1x128x80xf32, #tpu.memory_space<vmem>>
        %parallel_loop3A_336 = tpu.memref_squeeze %parallel_loop3A_335 : memref<1x128x80xf32, #tpu.memory_space<vmem>> -> memref<128x80xf32, #tpu.memory_space<vmem>>
        %parallel_loop3A_337 = arith.index_cast %parallel_loop3A_274 : i32 to index
        %parallel_loop3A_338 = arith.constant 16 : index
        %parallel_loop3A_339 = tpu.vector_load %parallel_loop3A_336[%parallel_loop3A_337, %parallel_loop3A_338] {strides = array<i32>} : memref<128x80xf32, #tpu.memory_space<vmem>>, vector<16xf32>,
        tpu.vector_store %parallel_loop3A_336[%parallel_loop3A_337, %parallel_loop3A_338], %parallel_loop3A_332 {strides = array<i32>} : memref<128x80xf32, #tpu.memory_space<vmem>>, vector<16xf32>,
        %parallel_loop3A_340 = arith.mulf %parallel_loop3A_298, %parallel_loop3A_322 : vector<16xf32>
        %parallel_loop3A_341 = arith.constant 0 : i32
        %parallel_loop3A_342 = arith.constant 0 : i32
        %parallel_loop3A_343 = tpu.memref_slice %arg14[%parallel_loop3A_186, %parallel_loop3A_341, %parallel_loop3A_342] : memref<2x128x80xf32, #tpu.memory_space<vmem>> -> memref<1x128x80xf32, #tpu.memory_space<vmem>>
        %parallel_loop3A_344 = tpu.memref_squeeze %parallel_loop3A_343 : memref<1x128x80xf32, #tpu.memory_space<vmem>> -> memref<128x80xf32, #tpu.memory_space<vmem>>
        %parallel_loop3A_345 = arith.index_cast %parallel_loop3A_274 : i32 to index
        %parallel_loop3A_346 = arith.constant 32 : index
        %parallel_loop3A_347 = tpu.vector_load %parallel_loop3A_344[%parallel_loop3A_345, %parallel_loop3A_346] {strides = array<i32>} : memref<128x80xf32, #tpu.memory_space<vmem>>, vector<16xf32>,
        tpu.vector_store %parallel_loop3A_344[%parallel_loop3A_345, %parallel_loop3A_346], %parallel_loop3A_340 {strides = array<i32>} : memref<128x80xf32, #tpu.memory_space<vmem>>, vector<16xf32>,
        %parallel_loop3A_348 = arith.mulf %parallel_loop3A_298, %parallel_loop3A_323 : vector<16xf32>
        %parallel_loop3A_349 = arith.constant 0 : i32
        %parallel_loop3A_350 = arith.constant 0 : i32
        %parallel_loop3A_351 = tpu.memref_slice %arg14[%parallel_loop3A_186, %parallel_loop3A_349, %parallel_loop3A_350] : memref<2x128x80xf32, #tpu.memory_space<vmem>> -> memref<1x128x80xf32, #tpu.memory_space<vmem>>
        %parallel_loop3A_352 = tpu.memref_squeeze %parallel_loop3A_351 : memref<1x128x80xf32, #tpu.memory_space<vmem>> -> memref<128x80xf32, #tpu.memory_space<vmem>>
        %parallel_loop3A_353 = arith.index_cast %parallel_loop3A_274 : i32 to index
        %parallel_loop3A_354 = arith.constant 48 : index
        %parallel_loop3A_355 = tpu.vector_load %parallel_loop3A_352[%parallel_loop3A_353, %parallel_loop3A_354] {strides = array<i32>} : memref<128x80xf32, #tpu.memory_space<vmem>>, vector<16xf32>,
        tpu.vector_store %parallel_loop3A_352[%parallel_loop3A_353, %parallel_loop3A_354], %parallel_loop3A_348 {strides = array<i32>} : memref<128x80xf32, #tpu.memory_space<vmem>>, vector<16xf32>,
      } {sc.loop_unroll_factor = 8 : i64, sc.parallel_access}
      %dma_start3A_188 = arith.constant 0 : i32
      %dma_start3A_189 = arith.constant 0 : i32
      %dma_start3A_190 = arith.constant 0 : i32
      %dma_start3A_191 = tpu.memref_slice %arg14[%dma_start3A_188, %dma_start3A_189, %dma_start3A_190] : memref<2x128x80xf32, #tpu.memory_space<vmem>> -> memref<1x128x80xf32, #tpu.memory_space<vmem>>
      %dma_start3A_192 = tpu.memref_squeeze %dma_start3A_191 : memref<1x128x80xf32, #tpu.memory_space<vmem>> -> memref<128x80xf32, #tpu.memory_space<vmem>>
      %dma_start3A_193 = arith.constant 0 : i32
      %dma_start3A_194 = tpu.memref_slice %arg10[%add3A_145, %dma_start3A_193] : memref<82x128xi32, #tpu.memory_space<vmem>> -> memref<1x128xi32, #tpu.memory_space<vmem>>
      %dma_start3A_195 = tpu.memref_squeeze %dma_start3A_194 : memref<1x128xi32, #tpu.memory_space<vmem>> -> memref<128xi32, #tpu.memory_space<vmem>>
      %dma_start3A_196 = arith.constant 0 : i32
      %dma_start3A_197 = arith.constant 0 : i32
      %dma_start3A_198 = tpu.memref_slice %arg16[%dma_start3A_196, %dma_start3A_197] : memref<10240x80xf32, #tpu.memory_space<vmem_shared>> -> memref<10240x80xf32, #tpu.memory_space<vmem_shared>>
      tpu.enqueue_indirect_dma source(%dma_start3A_192 : memref<128x80xf32, #tpu.memory_space<vmem>>) target(%dma_start3A_198 : memref<10240x80xf32, #tpu.memory_space<vmem_shared>>) offsets(%dma_start3A_195 : memref<128xi32, #tpu.memory_space<vmem>>) semaphore(%arg19 : memref<!tpu.dma_semaphore, #tpu.memory_space<semaphore_mem>>) {add = true}
      %add3A_199 = arith.constant 2 : i32
      %add3A_200 = arith.addi %add3A_145, %add3A_199 : i32
      %lt3A = arith.constant 82 : i32
      %lt3A_201 = arith.cmpi slt, %add3A_200, %lt3A : i32
      %convert_element_type3A_202 = arith.extui %lt3A_201 : i1 to i32
      %cond3A_203 = arith.constant 0 : i32
      %cond3A_204 = arith.cmpi ne, %convert_element_type3A_202, %cond3A_203 : i32
      scf.if %cond3A_204 {
        %add3A_274 = arith.constant 2 : i32
        %add3A_275 = arith.addi %add3A_145, %add3A_274 : i32
        %dma_start3A_276 = arith.constant 0 : i32
        %dma_start3A_277 = arith.constant 0 : i32
        %dma_start3A_278 = arith.constant 0 : i32
        %dma_start3A_279 = tpu.memref_slice %arg11[%dma_start3A_276, %dma_start3A_277, %dma_start3A_278] : memref<2x128x16xf32, #tpu.memory_space<vmem>> -> memref<1x128x16xf32, #tpu.memory_space<vmem>>
        %dma_start3A_280 = tpu.memref_squeeze %dma_start3A_279 : memref<1x128x16xf32, #tpu.memory_space<vmem>> -> memref<128x16xf32, #tpu.memory_space<vmem>>
        %dma_start3A_281 = arith.constant 0 : i32
        %dma_start3A_282 = tpu.memref_slice %arg9[%add3A_275, %dma_start3A_281] : memref<82x128xi32, #tpu.memory_space<vmem>> -> memref<1x128xi32, #tpu.memory_space<vmem>>
        %dma_start3A_283 = tpu.memref_squeeze %dma_start3A_282 : memref<1x128xi32, #tpu.memory_space<vmem>> -> memref<128xi32, #tpu.memory_space<vmem>>
        %dma_start3A_284 = arith.constant 0 : i32
        %dma_start3A_285 = arith.constant 0 : i32
        %dma_start3A_286 = tpu.memref_slice %arg4[%dma_start3A_284, %dma_start3A_285] : memref<10240x16xf32, #tpu.memory_space<hbm>> -> memref<10240x16xf32, #tpu.memory_space<hbm>>
        tpu.enqueue_indirect_dma source(%dma_start3A_286 : memref<10240x16xf32, #tpu.memory_space<hbm>>) target(%dma_start3A_280 : memref<128x16xf32, #tpu.memory_space<vmem>>) offsets(%dma_start3A_283 : memref<128xi32, #tpu.memory_space<vmem>>) semaphore(%arg17 : memref<!tpu.dma_semaphore, #tpu.memory_space<semaphore_mem>>)
        %dma_start3A_287 = arith.constant 0 : i32
        %dma_start3A_288 = arith.constant 0 : i32
        %dma_start3A_289 = arith.constant 0 : i32
        %dma_start3A_290 = tpu.memref_slice %arg12[%dma_start3A_287, %dma_start3A_288, %dma_start3A_289] : memref<2x128x16xf32, #tpu.memory_space<vmem>> -> memref<1x128x16xf32, #tpu.memory_space<vmem>>
        %dma_start3A_291 = tpu.memref_squeeze %dma_start3A_290 : memref<1x128x16xf32, #tpu.memory_space<vmem>> -> memref<128x16xf32, #tpu.memory_space<vmem>>
        %dma_start3A_292 = arith.constant 0 : i32
        %dma_start3A_293 = tpu.memref_slice %arg10[%add3A_275, %dma_start3A_292] : memref<82x128xi32, #tpu.memory_space<vmem>> -> memref<1x128xi32, #tpu.memory_space<vmem>>
        %dma_start3A_294 = tpu.memref_squeeze %dma_start3A_293 : memref<1x128xi32, #tpu.memory_space<vmem>> -> memref<128xi32, #tpu.memory_space<vmem>>
        %dma_start3A_295 = arith.constant 0 : i32
        %dma_start3A_296 = arith.constant 0 : i32
        %dma_start3A_297 = tpu.memref_slice %arg5[%dma_start3A_295, %dma_start3A_296] : memref<10240x16xf32, #tpu.memory_space<hbm>> -> memref<10240x16xf32, #tpu.memory_space<hbm>>
        tpu.enqueue_indirect_dma source(%dma_start3A_297 : memref<10240x16xf32, #tpu.memory_space<hbm>>) target(%dma_start3A_291 : memref<128x16xf32, #tpu.memory_space<vmem>>) offsets(%dma_start3A_294 : memref<128xi32, #tpu.memory_space<vmem>>) semaphore(%arg17 : memref<!tpu.dma_semaphore, #tpu.memory_space<semaphore_mem>>)
        %dma_start3A_298 = arith.constant 0 : i32
        %dma_start3A_299 = arith.constant 0 : i32
        %dma_start3A_300 = arith.constant 0 : i32
        %dma_start3A_301 = tpu.memref_slice %arg13[%dma_start3A_298, %dma_start3A_299, %dma_start3A_300] : memref<2x128x64xbf16, #tpu.memory_space<vmem>> -> memref<1x128x64xbf16, #tpu.memory_space<vmem>>
        %dma_start3A_302 = tpu.memref_squeeze %dma_start3A_301 : memref<1x128x64xbf16, #tpu.memory_space<vmem>> -> memref<128x64xbf16, #tpu.memory_space<vmem>>
        %dma_start3A_303 = arith.constant 0 : i32
        %dma_start3A_304 = tpu.memref_slice %arg9[%add3A_275, %dma_start3A_303] : memref<82x128xi32, #tpu.memory_space<vmem>> -> memref<1x128xi32, #tpu.memory_space<vmem>>
        %dma_start3A_305 = tpu.memref_squeeze %dma_start3A_304 : memref<1x128xi32, #tpu.memory_space<vmem>> -> memref<128xi32, #tpu.memory_space<vmem>>
        %dma_start3A_306 = arith.constant 0 : i32
        %dma_start3A_307 = arith.constant 0 : i32
        %dma_start3A_308 = tpu.memref_slice %arg6[%dma_start3A_306, %dma_start3A_307] : memref<10240x64xbf16, #tpu.memory_space<hbm>> -> memref<10240x64xbf16, #tpu.memory_space<hbm>>
        tpu.enqueue_indirect_dma source(%dma_start3A_308 : memref<10240x64xbf16, #tpu.memory_space<hbm>>) target(%dma_start3A_302 : memref<128x64xbf16, #tpu.memory_space<vmem>>) offsets(%dma_start3A_305 : memref<128xi32, #tpu.memory_space<vmem>>) semaphore(%arg17 : memref<!tpu.dma_semaphore, #tpu.memory_space<semaphore_mem>>)
      } else {
      }
      %mul3A_205 = arith.constant 2 : i32
      %mul3A_206 = arith.muli %mul3A_205, %scan3A_140 : i32
      %add3A_207 = arith.constant 1 : i32
      %add3A_208 = arith.addi %mul3A_206, %add3A_207 : i32
      %dma_wait3A_209 = arith.constant 1 : i32
      %dma_wait3A_210 = arith.constant 0 : i32
      %dma_wait3A_211 = arith.constant 0 : i32
      %dma_wait3A_212 = tpu.memref_slice %arg11[%dma_wait3A_209, %dma_wait3A_210, %dma_wait3A_211] : memref<2x128x16xf32, #tpu.memory_space<vmem>> -> memref<1x128x16xf32, #tpu.memory_space<vmem>>
      %dma_wait3A_213 = tpu.memref_squeeze %dma_wait3A_212 : memref<1x128x16xf32, #tpu.memory_space<vmem>> -> memref<128x16xf32, #tpu.memory_space<vmem>>
      %dma_wait3A_214 = arith.constant 0 : i32
      %dma_wait3A_215 = tpu.memref_slice %arg9[%add3A_208, %dma_wait3A_214] : memref<82x128xi32, #tpu.memory_space<vmem>> -> memref<1x128xi32, #tpu.memory_space<vmem>>
      %dma_wait3A_216 = tpu.memref_squeeze %dma_wait3A_215 : memref<1x128xi32, #tpu.memory_space<vmem>> -> memref<128xi32, #tpu.memory_space<vmem>>
      %dma_wait3A_217 = arith.constant 0 : i32
      %dma_wait3A_218 = arith.constant 0 : i32
      %dma_wait3A_219 = tpu.memref_slice %arg4[%dma_wait3A_217, %dma_wait3A_218] : memref<10240x16xf32, #tpu.memory_space<hbm>> -> memref<10240x16xf32, #tpu.memory_space<hbm>>
      tpu.wait_indirect_dma semaphore(%arg18 : memref<!tpu.dma_semaphore, #tpu.memory_space<semaphore_mem>>) src(%dma_wait3A_219 : memref<10240x16xf32, #tpu.memory_space<hbm>>) dst(%dma_wait3A_213 : memref<128x16xf32, #tpu.memory_space<vmem>>)
      %dma_wait3A_220 = arith.constant 1 : i32
      %dma_wait3A_221 = arith.constant 0 : i32
      %dma_wait3A_222 = arith.constant 0 : i32
      %dma_wait3A_223 = tpu.memref_slice %arg12[%dma_wait3A_220, %dma_wait3A_221, %dma_wait3A_222] : memref<2x128x16xf32, #tpu.memory_space<vmem>> -> memref<1x128x16xf32, #tpu.memory_space<vmem>>
      %dma_wait3A_224 = tpu.memref_squeeze %dma_wait3A_223 : memref<1x128x16xf32, #tpu.memory_space<vmem>> -> memref<128x16xf32, #tpu.memory_space<vmem>>
      %dma_wait3A_225 = arith.constant 0 : i32
      %dma_wait3A_226 = tpu.memref_slice %arg10[%add3A_208, %dma_wait3A_225] : memref<82x128xi32, #tpu.memory_space<vmem>> -> memref<1x128xi32, #tpu.memory_space<vmem>>
      %dma_wait3A_227 = tpu.memref_squeeze %dma_wait3A_226 : memref<1x128xi32, #tpu.memory_space<vmem>> -> memref<128xi32, #tpu.memory_space<vmem>>
      %dma_wait3A_228 = arith.constant 0 : i32
      %dma_wait3A_229 = arith.constant 0 : i32
      %dma_wait3A_230 = tpu.memref_slice %arg5[%dma_wait3A_228, %dma_wait3A_229] : memref<10240x16xf32, #tpu.memory_space<hbm>> -> memref<10240x16xf32, #tpu.memory_space<hbm>>
      tpu.wait_indirect_dma semaphore(%arg18 : memref<!tpu.dma_semaphore, #tpu.memory_space<semaphore_mem>>) src(%dma_wait3A_230 : memref<10240x16xf32, #tpu.memory_space<hbm>>) dst(%dma_wait3A_224 : memref<128x16xf32, #tpu.memory_space<vmem>>)
      %dma_wait3A_231 = arith.constant 1 : i32
      %dma_wait3A_232 = arith.constant 0 : i32
      %dma_wait3A_233 = arith.constant 0 : i32
      %dma_wait3A_234 = tpu.memref_slice %arg13[%dma_wait3A_231, %dma_wait3A_232, %dma_wait3A_233] : memref<2x128x64xbf16, #tpu.memory_space<vmem>> -> memref<1x128x64xbf16, #tpu.memory_space<vmem>>
      %dma_wait3A_235 = tpu.memref_squeeze %dma_wait3A_234 : memref<1x128x64xbf16, #tpu.memory_space<vmem>> -> memref<128x64xbf16, #tpu.memory_space<vmem>>
      %dma_wait3A_236 = arith.constant 0 : i32
      %dma_wait3A_237 = tpu.memref_slice %arg9[%add3A_208, %dma_wait3A_236] : memref<82x128xi32, #tpu.memory_space<vmem>> -> memref<1x128xi32, #tpu.memory_space<vmem>>
      %dma_wait3A_238 = tpu.memref_squeeze %dma_wait3A_237 : memref<1x128xi32, #tpu.memory_space<vmem>> -> memref<128xi32, #tpu.memory_space<vmem>>
      %dma_wait3A_239 = arith.constant 0 : i32
      %dma_wait3A_240 = arith.constant 0 : i32
      %dma_wait3A_241 = tpu.memref_slice %arg6[%dma_wait3A_239, %dma_wait3A_240] : memref<10240x64xbf16, #tpu.memory_space<hbm>> -> memref<10240x64xbf16, #tpu.memory_space<hbm>>
      tpu.wait_indirect_dma semaphore(%arg18 : memref<!tpu.dma_semaphore, #tpu.memory_space<semaphore_mem>>) src(%dma_wait3A_241 : memref<10240x64xbf16, #tpu.memory_space<hbm>>) dst(%dma_wait3A_235 : memref<128x64xbf16, #tpu.memory_space<vmem>>)
      %ge3A_242 = arith.constant 2 : i32
      %ge3A_243 = arith.cmpi sge, %add3A_208, %ge3A_242 : i32
      %convert_element_type3A_244 = arith.extui %ge3A_243 : i1 to i32
      %cond3A_245 = arith.constant 1 : i32
      %cond3A_246 = arith.constant 0 : i32
      %cond3A_247 = arith.cmpi ne, %convert_element_type3A_244, %cond3A_246 : i32
      scf.if %cond3A_247 {
        %dma_wait3A_274 = arith.constant 0 : i32
        %dma_wait3A_275 = arith.constant 0 : i32
        %dma_wait3A_276 = tpu.memref_slice %arg14[%cond3A_245, %dma_wait3A_274, %dma_wait3A_275] : memref<2x128x80xf32, #tpu.memory_space<vmem>> -> memref<1x128x80xf32, #tpu.memory_space<vmem>>
        %dma_wait3A_277 = tpu.memref_squeeze %dma_wait3A_276 : memref<1x128x80xf32, #tpu.memory_space<vmem>> -> memref<128x80xf32, #tpu.memory_space<vmem>>
        %dma_wait3A_278 = arith.constant 0 : i32
        %dma_wait3A_279 = tpu.memref_slice %arg10[%add3A_208, %dma_wait3A_278] : memref<82x128xi32, #tpu.memory_space<vmem>> -> memref<1x128xi32, #tpu.memory_space<vmem>>
        %dma_wait3A_280 = tpu.memref_squeeze %dma_wait3A_279 : memref<1x128xi32, #tpu.memory_space<vmem>> -> memref<128xi32, #tpu.memory_space<vmem>>
        %dma_wait3A_281 = arith.constant 0 : i32
        %dma_wait3A_282 = arith.constant 0 : i32
        %dma_wait3A_283 = tpu.memref_slice %arg16[%dma_wait3A_281, %dma_wait3A_282] : memref<10240x80xf32, #tpu.memory_space<vmem_shared>> -> memref<10240x80xf32, #tpu.memory_space<vmem_shared>>
        tpu.wait_indirect_dma semaphore(%arg20 : memref<!tpu.dma_semaphore, #tpu.memory_space<semaphore_mem>>) src(%dma_wait3A_277 : memref<128x80xf32, #tpu.memory_space<vmem>>) dst(%dma_wait3A_283 : memref<10240x80xf32, #tpu.memory_space<vmem_shared>>)
      } else {
      }
      %parallel_loop3A_248 = arith.constant 0 : i32
      %parallel_loop3A_249 = arith.constant 128 : i32
      %parallel_loop3A_250 = arith.constant 1 : i32
      %parallel_loop3A_251 = arith.constant 1 : i32
      %parallel_loop3A_252 = arith.constant 1 : i32
      %parallel_loop3A_253 = arith.constant 1 : i32
      %parallel_loop3A_254 = arith.constant 1 : i32
      scf.for %parallel_loop3A_274 = %parallel_loop3A_248 to %parallel_loop3A_249 step %parallel_loop3A_250  : i32 {
        %parallel_loop3A_275 = arith.constant 0 : i32
        %parallel_loop3A_276 = arith.constant 0 : i32
        %parallel_loop3A_277 = tpu.memref_slice %arg11[%parallel_loop3A_251, %parallel_loop3A_275, %parallel_loop3A_276] : memref<2x128x16xf32, #tpu.memory_space<vmem>> -> memref<1x128x16xf32, #tpu.memory_space<vmem>>
        %parallel_loop3A_278 = tpu.memref_squeeze %parallel_loop3A_277 : memref<1x128x16xf32, #tpu.memory_space<vmem>> -> memref<128x16xf32, #tpu.memory_space<vmem>>
        %parallel_loop3A_279 = arith.index_cast %parallel_loop3A_274 : i32 to index
        %parallel_loop3A_280 = arith.constant 0 : index
        %parallel_loop3A_281 = tpu.vector_load %parallel_loop3A_278[%parallel_loop3A_279, %parallel_loop3A_280] {strides = array<i32>} : memref<128x16xf32, #tpu.memory_space<vmem>>, vector<16xf32>,
        %parallel_loop3A_282 = arith.constant 0 : i32
        %parallel_loop3A_283 = arith.constant 0 : i32
        %parallel_loop3A_284 = tpu.memref_slice %arg12[%parallel_loop3A_252, %parallel_loop3A_282, %parallel_loop3A_283] : memref<2x128x16xf32, #tpu.memory_space<vmem>> -> memref<1x128x16xf32, #tpu.memory_space<vmem>>
        %parallel_loop3A_285 = tpu.memref_squeeze %parallel_loop3A_284 : memref<1x128x16xf32, #tpu.memory_space<vmem>> -> memref<128x16xf32, #tpu.memory_space<vmem>>
        %parallel_loop3A_286 = arith.index_cast %parallel_loop3A_274 : i32 to index
        %parallel_loop3A_287 = arith.constant 0 : index
        %parallel_loop3A_288 = tpu.vector_load %parallel_loop3A_285[%parallel_loop3A_286, %parallel_loop3A_287] {strides = array<i32>} : memref<128x16xf32, #tpu.memory_space<vmem>>, vector<16xf32>,
        %parallel_loop3A_289 = arith.addf %parallel_loop3A_281, %parallel_loop3A_288 : vector<16xf32>
        %parallel_loop3A_290 = arith.constant 0.000000e+00 : f32
        %parallel_loop3A_291 = vector.broadcast %parallel_loop3A_290 : f32 to vector<16xf32>
        %parallel_loop3A_292 = arith.cmpf oge, %parallel_loop3A_289, %parallel_loop3A_291 : vector<16xf32>
        %parallel_loop3A_293 = arith.constant 2.000000e-01 : f32
        %parallel_loop3A_294 = vector.broadcast %parallel_loop3A_293 : f32 to vector<16xf32>
        %parallel_loop3A_295 = arith.mulf %parallel_loop3A_289, %parallel_loop3A_294 : vector<16xf32>
        %parallel_loop3A_296 = arith.select %parallel_loop3A_292, %parallel_loop3A_289, %parallel_loop3A_295 : vector<16xi1>, vector<16xf32>
        %parallel_loop3A_297 = arith.subf %parallel_loop3A_296, %get3A_2 : vector<16xf32>
        %parallel_loop3A_298 = math.exp %parallel_loop3A_297 : vector<16xf32>
        %parallel_loop3A_299 = arith.constant 0 : i32
        %parallel_loop3A_300 = arith.constant 0 : i32
        %parallel_loop3A_301 = tpu.memref_slice %arg14[%parallel_loop3A_253, %parallel_loop3A_299, %parallel_loop3A_300] : memref<2x128x80xf32, #tpu.memory_space<vmem>> -> memref<1x128x80xf32, #tpu.memory_space<vmem>>
        %parallel_loop3A_302 = tpu.memref_squeeze %parallel_loop3A_301 : memref<1x128x80xf32, #tpu.memory_space<vmem>> -> memref<128x80xf32, #tpu.memory_space<vmem>>
        %parallel_loop3A_303 = arith.index_cast %parallel_loop3A_274 : i32 to index
        %parallel_loop3A_304 = arith.constant 64 : index
        %parallel_loop3A_305 = tpu.vector_load %parallel_loop3A_302[%parallel_loop3A_303, %parallel_loop3A_304] {strides = array<i32>} : memref<128x80xf32, #tpu.memory_space<vmem>>, vector<16xf32>,
        tpu.vector_store %parallel_loop3A_302[%parallel_loop3A_303, %parallel_loop3A_304], %parallel_loop3A_298 {strides = array<i32>} : memref<128x80xf32, #tpu.memory_space<vmem>>, vector<16xf32>,
        %parallel_loop3A_306 = arith.constant 0 : i32
        %parallel_loop3A_307 = arith.constant 0 : i32
        %parallel_loop3A_308 = tpu.memref_slice %arg13[%parallel_loop3A_254, %parallel_loop3A_306, %parallel_loop3A_307] : memref<2x128x64xbf16, #tpu.memory_space<vmem>> -> memref<1x128x64xbf16, #tpu.memory_space<vmem>>
        %parallel_loop3A_309 = tpu.memref_squeeze %parallel_loop3A_308 : memref<1x128x64xbf16, #tpu.memory_space<vmem>> -> memref<128x64xbf16, #tpu.memory_space<vmem>>
        %parallel_loop3A_310 = arith.index_cast %parallel_loop3A_274 : i32 to index
        %parallel_loop3A_311 = arith.constant 0 : index
        %parallel_loop3A_312 = tpu.vector_load %parallel_loop3A_309[%parallel_loop3A_310, %parallel_loop3A_311] {strides = array<i32>} : memref<128x64xbf16, #tpu.memory_space<vmem>>, vector<32xbf16>,
        %parallel_loop3A_313 = tpu.unpack_subelements %parallel_loop3A_312, 0 {pack_format = #tpu.pack_format<interleaved>} : vector<32xbf16> -> vector<16xf32>
        %parallel_loop3A_314 = tpu.unpack_subelements %parallel_loop3A_312, 1 {pack_format = #tpu.pack_format<interleaved>} : vector<32xbf16> -> vector<16xf32>
        %parallel_loop3A_315 = arith.constant 0 : i32
        %parallel_loop3A_316 = arith.constant 0 : i32
        %parallel_loop3A_317 = tpu.memref_slice %arg13[%parallel_loop3A_254, %parallel_loop3A_315, %parallel_loop3A_316] : memref<2x128x64xbf16, #tpu.memory_space<vmem>> -> memref<1x128x64xbf16, #tpu.memory_space<vmem>>
        %parallel_loop3A_318 = tpu.memref_squeeze %parallel_loop3A_317 : memref<1x128x64xbf16, #tpu.memory_space<vmem>> -> memref<128x64xbf16, #tpu.memory_space<vmem>>
        %parallel_loop3A_319 = arith.index_cast %parallel_loop3A_274 : i32 to index
        %parallel_loop3A_320 = arith.constant 32 : index
        %parallel_loop3A_321 = tpu.vector_load %parallel_loop3A_318[%parallel_loop3A_319, %parallel_loop3A_320] {strides = array<i32>} : memref<128x64xbf16, #tpu.memory_space<vmem>>, vector<32xbf16>,
        %parallel_loop3A_322 = tpu.unpack_subelements %parallel_loop3A_321, 0 {pack_format = #tpu.pack_format<interleaved>} : vector<32xbf16> -> vector<16xf32>
        %parallel_loop3A_323 = tpu.unpack_subelements %parallel_loop3A_321, 1 {pack_format = #tpu.pack_format<interleaved>} : vector<32xbf16> -> vector<16xf32>
        %parallel_loop3A_324 = arith.mulf %parallel_loop3A_298, %parallel_loop3A_313 : vector<16xf32>
        %parallel_loop3A_325 = arith.constant 0 : i32
        %parallel_loop3A_326 = arith.constant 0 : i32
        %parallel_loop3A_327 = tpu.memref_slice %arg14[%parallel_loop3A_253, %parallel_loop3A_325, %parallel_loop3A_326] : memref<2x128x80xf32, #tpu.memory_space<vmem>> -> memref<1x128x80xf32, #tpu.memory_space<vmem>>
        %parallel_loop3A_328 = tpu.memref_squeeze %parallel_loop3A_327 : memref<1x128x80xf32, #tpu.memory_space<vmem>> -> memref<128x80xf32, #tpu.memory_space<vmem>>
        %parallel_loop3A_329 = arith.index_cast %parallel_loop3A_274 : i32 to index
        %parallel_loop3A_330 = arith.constant 0 : index
        %parallel_loop3A_331 = tpu.vector_load %parallel_loop3A_328[%parallel_loop3A_329, %parallel_loop3A_330] {strides = array<i32>} : memref<128x80xf32, #tpu.memory_space<vmem>>, vector<16xf32>,
        tpu.vector_store %parallel_loop3A_328[%parallel_loop3A_329, %parallel_loop3A_330], %parallel_loop3A_324 {strides = array<i32>} : memref<128x80xf32, #tpu.memory_space<vmem>>, vector<16xf32>,
        %parallel_loop3A_332 = arith.mulf %parallel_loop3A_298, %parallel_loop3A_314 : vector<16xf32>
        %parallel_loop3A_333 = arith.constant 0 : i32
        %parallel_loop3A_334 = arith.constant 0 : i32
        %parallel_loop3A_335 = tpu.memref_slice %arg14[%parallel_loop3A_253, %parallel_loop3A_333, %parallel_loop3A_334] : memref<2x128x80xf32, #tpu.memory_space<vmem>> -> memref<1x128x80xf32, #tpu.memory_space<vmem>>
        %parallel_loop3A_336 = tpu.memref_squeeze %parallel_loop3A_335 : memref<1x128x80xf32, #tpu.memory_space<vmem>> -> memref<128x80xf32, #tpu.memory_space<vmem>>
        %parallel_loop3A_337 = arith.index_cast %parallel_loop3A_274 : i32 to index
        %parallel_loop3A_338 = arith.constant 16 : index
        %parallel_loop3A_339 = tpu.vector_load %parallel_loop3A_336[%parallel_loop3A_337, %parallel_loop3A_338] {strides = array<i32>} : memref<128x80xf32, #tpu.memory_space<vmem>>, vector<16xf32>,
        tpu.vector_store %parallel_loop3A_336[%parallel_loop3A_337, %parallel_loop3A_338], %parallel_loop3A_332 {strides = array<i32>} : memref<128x80xf32, #tpu.memory_space<vmem>>, vector<16xf32>,
        %parallel_loop3A_340 = arith.mulf %parallel_loop3A_298, %parallel_loop3A_322 : vector<16xf32>
        %parallel_loop3A_341 = arith.constant 0 : i32
        %parallel_loop3A_342 = arith.constant 0 : i32
        %parallel_loop3A_343 = tpu.memref_slice %arg14[%parallel_loop3A_253, %parallel_loop3A_341, %parallel_loop3A_342] : memref<2x128x80xf32, #tpu.memory_space<vmem>> -> memref<1x128x80xf32, #tpu.memory_space<vmem>>
        %parallel_loop3A_344 = tpu.memref_squeeze %parallel_loop3A_343 : memref<1x128x80xf32, #tpu.memory_space<vmem>> -> memref<128x80xf32, #tpu.memory_space<vmem>>
        %parallel_loop3A_345 = arith.index_cast %parallel_loop3A_274 : i32 to index
        %parallel_loop3A_346 = arith.constant 32 : index
        %parallel_loop3A_347 = tpu.vector_load %parallel_loop3A_344[%parallel_loop3A_345, %parallel_loop3A_346] {strides = array<i32>} : memref<128x80xf32, #tpu.memory_space<vmem>>, vector<16xf32>,
        tpu.vector_store %parallel_loop3A_344[%parallel_loop3A_345, %parallel_loop3A_346], %parallel_loop3A_340 {strides = array<i32>} : memref<128x80xf32, #tpu.memory_space<vmem>>, vector<16xf32>,
        %parallel_loop3A_348 = arith.mulf %parallel_loop3A_298, %parallel_loop3A_323 : vector<16xf32>
        %parallel_loop3A_349 = arith.constant 0 : i32
        %parallel_loop3A_350 = arith.constant 0 : i32
        %parallel_loop3A_351 = tpu.memref_slice %arg14[%parallel_loop3A_253, %parallel_loop3A_349, %parallel_loop3A_350] : memref<2x128x80xf32, #tpu.memory_space<vmem>> -> memref<1x128x80xf32, #tpu.memory_space<vmem>>
        %parallel_loop3A_352 = tpu.memref_squeeze %parallel_loop3A_351 : memref<1x128x80xf32, #tpu.memory_space<vmem>> -> memref<128x80xf32, #tpu.memory_space<vmem>>
        %parallel_loop3A_353 = arith.index_cast %parallel_loop3A_274 : i32 to index
        %parallel_loop3A_354 = arith.constant 48 : index
        %parallel_loop3A_355 = tpu.vector_load %parallel_loop3A_352[%parallel_loop3A_353, %parallel_loop3A_354] {strides = array<i32>} : memref<128x80xf32, #tpu.memory_space<vmem>>, vector<16xf32>,
        tpu.vector_store %parallel_loop3A_352[%parallel_loop3A_353, %parallel_loop3A_354], %parallel_loop3A_348 {strides = array<i32>} : memref<128x80xf32, #tpu.memory_space<vmem>>, vector<16xf32>,
      } {sc.loop_unroll_factor = 8 : i64, sc.parallel_access}
      %dma_start3A_255 = arith.constant 1 : i32
      %dma_start3A_256 = arith.constant 0 : i32
      %dma_start3A_257 = arith.constant 0 : i32
      %dma_start3A_258 = tpu.memref_slice %arg14[%dma_start3A_255, %dma_start3A_256, %dma_start3A_257] : memref<2x128x80xf32, #tpu.memory_space<vmem>> -> memref<1x128x80xf32, #tpu.memory_space<vmem>>
      %dma_start3A_259 = tpu.memref_squeeze %dma_start3A_258 : memref<1x128x80xf32, #tpu.memory_space<vmem>> -> memref<128x80xf32, #tpu.memory_space<vmem>>
      %dma_start3A_260 = arith.constant 0 : i32
      %dma_start3A_261 = tpu.memref_slice %arg10[%add3A_208, %dma_start3A_260] : memref<82x128xi32, #tpu.memory_space<vmem>> -> memref<1x128xi32, #tpu.memory_space<vmem>>
      %dma_start3A_262 = tpu.memref_squeeze %dma_start3A_261 : memref<1x128xi32, #tpu.memory_space<vmem>> -> memref<128xi32, #tpu.memory_space<vmem>>
      %dma_start3A_263 = arith.constant 0 : i32
      %dma_start3A_264 = arith.constant 0 : i32
      %dma_start3A_265 = tpu.memref_slice %arg16[%dma_start3A_263, %dma_start3A_264] : memref<10240x80xf32, #tpu.memory_space<vmem_shared>> -> memref<10240x80xf32, #tpu.memory_space<vmem_shared>>
      tpu.enqueue_indirect_dma source(%dma_start3A_259 : memref<128x80xf32, #tpu.memory_space<vmem>>) target(%dma_start3A_265 : memref<10240x80xf32, #tpu.memory_space<vmem_shared>>) offsets(%dma_start3A_262 : memref<128xi32, #tpu.memory_space<vmem>>) semaphore(%arg20 : memref<!tpu.dma_semaphore, #tpu.memory_space<semaphore_mem>>) {add = true}
      %add3A_266 = arith.constant 2 : i32
      %add3A_267 = arith.addi %add3A_208, %add3A_266 : i32
      %lt3A_268 = arith.constant 82 : i32
      %lt3A_269 = arith.cmpi slt, %add3A_267, %lt3A_268 : i32
      %convert_element_type3A_270 = arith.extui %lt3A_269 : i1 to i32
      %cond3A_271 = arith.constant 0 : i32
      %cond3A_272 = arith.cmpi ne, %convert_element_type3A_270, %cond3A_271 : i32
      scf.if %cond3A_272 {
        %add3A_274 = arith.constant 2 : i32
        %add3A_275 = arith.addi %add3A_208, %add3A_274 : i32
        %dma_start3A_276 = arith.constant 1 : i32
        %dma_start3A_277 = arith.constant 0 : i32
        %dma_start3A_278 = arith.constant 0 : i32
        %dma_start3A_279 = tpu.memref_slice %arg11[%dma_start3A_276, %dma_start3A_277, %dma_start3A_278] : memref<2x128x16xf32, #tpu.memory_space<vmem>> -> memref<1x128x16xf32, #tpu.memory_space<vmem>>
        %dma_start3A_280 = tpu.memref_squeeze %dma_start3A_279 : memref<1x128x16xf32, #tpu.memory_space<vmem>> -> memref<128x16xf32, #tpu.memory_space<vmem>>
        %dma_start3A_281 = arith.constant 0 : i32
        %dma_start3A_282 = tpu.memref_slice %arg9[%add3A_275, %dma_start3A_281] : memref<82x128xi32, #tpu.memory_space<vmem>> -> memref<1x128xi32, #tpu.memory_space<vmem>>
        %dma_start3A_283 = tpu.memref_squeeze %dma_start3A_282 : memref<1x128xi32, #tpu.memory_space<vmem>> -> memref<128xi32, #tpu.memory_space<vmem>>
        %dma_start3A_284 = arith.constant 0 : i32
        %dma_start3A_285 = arith.constant 0 : i32
        %dma_start3A_286 = tpu.memref_slice %arg4[%dma_start3A_284, %dma_start3A_285] : memref<10240x16xf32, #tpu.memory_space<hbm>> -> memref<10240x16xf32, #tpu.memory_space<hbm>>
        tpu.enqueue_indirect_dma source(%dma_start3A_286 : memref<10240x16xf32, #tpu.memory_space<hbm>>) target(%dma_start3A_280 : memref<128x16xf32, #tpu.memory_space<vmem>>) offsets(%dma_start3A_283 : memref<128xi32, #tpu.memory_space<vmem>>) semaphore(%arg18 : memref<!tpu.dma_semaphore, #tpu.memory_space<semaphore_mem>>)
        %dma_start3A_287 = arith.constant 1 : i32
        %dma_start3A_288 = arith.constant 0 : i32
        %dma_start3A_289 = arith.constant 0 : i32
        %dma_start3A_290 = tpu.memref_slice %arg12[%dma_start3A_287, %dma_start3A_288, %dma_start3A_289] : memref<2x128x16xf32, #tpu.memory_space<vmem>> -> memref<1x128x16xf32, #tpu.memory_space<vmem>>
        %dma_start3A_291 = tpu.memref_squeeze %dma_start3A_290 : memref<1x128x16xf32, #tpu.memory_space<vmem>> -> memref<128x16xf32, #tpu.memory_space<vmem>>
        %dma_start3A_292 = arith.constant 0 : i32
        %dma_start3A_293 = tpu.memref_slice %arg10[%add3A_275, %dma_start3A_292] : memref<82x128xi32, #tpu.memory_space<vmem>> -> memref<1x128xi32, #tpu.memory_space<vmem>>
        %dma_start3A_294 = tpu.memref_squeeze %dma_start3A_293 : memref<1x128xi32, #tpu.memory_space<vmem>> -> memref<128xi32, #tpu.memory_space<vmem>>
        %dma_start3A_295 = arith.constant 0 : i32
        %dma_start3A_296 = arith.constant 0 : i32
        %dma_start3A_297 = tpu.memref_slice %arg5[%dma_start3A_295, %dma_start3A_296] : memref<10240x16xf32, #tpu.memory_space<hbm>> -> memref<10240x16xf32, #tpu.memory_space<hbm>>
        tpu.enqueue_indirect_dma source(%dma_start3A_297 : memref<10240x16xf32, #tpu.memory_space<hbm>>) target(%dma_start3A_291 : memref<128x16xf32, #tpu.memory_space<vmem>>) offsets(%dma_start3A_294 : memref<128xi32, #tpu.memory_space<vmem>>) semaphore(%arg18 : memref<!tpu.dma_semaphore, #tpu.memory_space<semaphore_mem>>)
        %dma_start3A_298 = arith.constant 1 : i32
        %dma_start3A_299 = arith.constant 0 : i32
        %dma_start3A_300 = arith.constant 0 : i32
        %dma_start3A_301 = tpu.memref_slice %arg13[%dma_start3A_298, %dma_start3A_299, %dma_start3A_300] : memref<2x128x64xbf16, #tpu.memory_space<vmem>> -> memref<1x128x64xbf16, #tpu.memory_space<vmem>>
        %dma_start3A_302 = tpu.memref_squeeze %dma_start3A_301 : memref<1x128x64xbf16, #tpu.memory_space<vmem>> -> memref<128x64xbf16, #tpu.memory_space<vmem>>
        %dma_start3A_303 = arith.constant 0 : i32
        %dma_start3A_304 = tpu.memref_slice %arg9[%add3A_275, %dma_start3A_303] : memref<82x128xi32, #tpu.memory_space<vmem>> -> memref<1x128xi32, #tpu.memory_space<vmem>>
        %dma_start3A_305 = tpu.memref_squeeze %dma_start3A_304 : memref<1x128xi32, #tpu.memory_space<vmem>> -> memref<128xi32, #tpu.memory_space<vmem>>
        %dma_start3A_306 = arith.constant 0 : i32
        %dma_start3A_307 = arith.constant 0 : i32
        %dma_start3A_308 = tpu.memref_slice %arg6[%dma_start3A_306, %dma_start3A_307] : memref<10240x64xbf16, #tpu.memory_space<hbm>> -> memref<10240x64xbf16, #tpu.memory_space<hbm>>
        tpu.enqueue_indirect_dma source(%dma_start3A_308 : memref<10240x64xbf16, #tpu.memory_space<hbm>>) target(%dma_start3A_302 : memref<128x64xbf16, #tpu.memory_space<vmem>>) offsets(%dma_start3A_305 : memref<128xi32, #tpu.memory_space<vmem>>) semaphore(%arg18 : memref<!tpu.dma_semaphore, #tpu.memory_space<semaphore_mem>>)
      } else {
      }
      %scan3A_273 = arith.constant 0 : i32
      scf.yield %scan3A_273 : i32
    }
    %scan3A_111 = arith.constant 41 : i32
    %dma_wait3A = arith.constant 0 : i32
    %dma_wait3A_112 = arith.constant 80 : i32
    %dma_wait3A_113 = arith.constant 0 : i32
    %dma_wait3A_114 = arith.constant 0 : i32
    %dma_wait3A_115 = tpu.memref_slice %arg14[%dma_wait3A, %dma_wait3A_113, %dma_wait3A_114] : memref<2x128x80xf32, #tpu.memory_space<vmem>> -> memref<1x128x80xf32, #tpu.memory_space<vmem>>
    %dma_wait3A_116 = tpu.memref_squeeze %dma_wait3A_115 : memref<1x128x80xf32, #tpu.memory_space<vmem>> -> memref<128x80xf32, #tpu.memory_space<vmem>>
    %dma_wait3A_117 = arith.constant 0 : i32
    %dma_wait3A_118 = tpu.memref_slice %arg10[%dma_wait3A_112, %dma_wait3A_117] : memref<82x128xi32, #tpu.memory_space<vmem>> -> memref<1x128xi32, #tpu.memory_space<vmem>>
    %dma_wait3A_119 = tpu.memref_squeeze %dma_wait3A_118 : memref<1x128xi32, #tpu.memory_space<vmem>> -> memref<128xi32, #tpu.memory_space<vmem>>
    %dma_wait3A_120 = arith.constant 0 : i32
    %dma_wait3A_121 = arith.constant 0 : i32
    %dma_wait3A_122 = tpu.memref_slice %arg16[%dma_wait3A_120, %dma_wait3A_121] : memref<10240x80xf32, #tpu.memory_space<vmem_shared>> -> memref<10240x80xf32, #tpu.memory_space<vmem_shared>>
    tpu.wait_indirect_dma semaphore(%arg19 : memref<!tpu.dma_semaphore, #tpu.memory_space<semaphore_mem>>) src(%dma_wait3A_116 : memref<128x80xf32, #tpu.memory_space<vmem>>) dst(%dma_wait3A_122 : memref<10240x80xf32, #tpu.memory_space<vmem_shared>>)
    %dma_wait3A_123 = arith.constant 1 : i32
    %dma_wait3A_124 = arith.constant 81 : i32
    %dma_wait3A_125 = arith.constant 0 : i32
    %dma_wait3A_126 = arith.constant 0 : i32
    %dma_wait3A_127 = tpu.memref_slice %arg14[%dma_wait3A_123, %dma_wait3A_125, %dma_wait3A_126] : memref<2x128x80xf32, #tpu.memory_space<vmem>> -> memref<1x128x80xf32, #tpu.memory_space<vmem>>
    %dma_wait3A_128 = tpu.memref_squeeze %dma_wait3A_127 : memref<1x128x80xf32, #tpu.memory_space<vmem>> -> memref<128x80xf32, #tpu.memory_space<vmem>>
    %dma_wait3A_129 = arith.constant 0 : i32
    %dma_wait3A_130 = tpu.memref_slice %arg10[%dma_wait3A_124, %dma_wait3A_129] : memref<82x128xi32, #tpu.memory_space<vmem>> -> memref<1x128xi32, #tpu.memory_space<vmem>>
    %dma_wait3A_131 = tpu.memref_squeeze %dma_wait3A_130 : memref<1x128xi32, #tpu.memory_space<vmem>> -> memref<128xi32, #tpu.memory_space<vmem>>
    %dma_wait3A_132 = arith.constant 0 : i32
    %dma_wait3A_133 = arith.constant 0 : i32
    %dma_wait3A_134 = tpu.memref_slice %arg16[%dma_wait3A_132, %dma_wait3A_133] : memref<10240x80xf32, #tpu.memory_space<vmem_shared>> -> memref<10240x80xf32, #tpu.memory_space<vmem_shared>>
    tpu.wait_indirect_dma semaphore(%arg20 : memref<!tpu.dma_semaphore, #tpu.memory_space<semaphore_mem>>) src(%dma_wait3A_128 : memref<128x80xf32, #tpu.memory_space<vmem>>) dst(%dma_wait3A_134 : memref<10240x80xf32, #tpu.memory_space<vmem_shared>>)
    %barrier3A_135 = arith.constant 0 : index
    tpu.barrier barrier_id(%barrier3A_135)
    %mul3A_136 = arith.constant 640 : i32
    %mul3A_137 = arith.muli %arg1, %mul3A_136 : i32
    %mul3A_138 = arith.constant 640 : i32
    %mul3A_139 = arith.muli %arg1, %mul3A_138 : i32
    "tpu.region"() ({
      %run_scoped3A_140 = tpu.sem_alloc : memref<!tpu.dma_semaphore, #tpu.memory_space<semaphore_mem>>
      %dma_start3A_141 = arith.constant 0 : i32
      %dma_start3A_142 = tpu.memref_slice %arg8[%arg0, %mul3A_139, %dma_start3A_141] : memref<2x10240x80xf32, #tpu.memory_space<hbm>> -> memref<1x640x80xf32, #tpu.memory_space<hbm>>
      %dma_start3A_143 = tpu.memref_squeeze %dma_start3A_142 : memref<1x640x80xf32, #tpu.memory_space<hbm>> -> memref<640x80xf32, #tpu.memory_space<hbm>>
      %dma_start3A_144 = arith.constant 0 : i32
      %dma_start3A_145 = tpu.memref_slice %arg16[%mul3A_137, %dma_start3A_144] : memref<10240x80xf32, #tpu.memory_space<vmem_shared>> -> memref<640x80xf32, #tpu.memory_space<vmem_shared>>
      tpu.enqueue_dma source(%dma_start3A_145 : memref<640x80xf32, #tpu.memory_space<vmem_shared>>) target(%dma_start3A_143 : memref<640x80xf32, #tpu.memory_space<hbm>>) target_semaphore(%run_scoped3A_140 : memref<!tpu.dma_semaphore, #tpu.memory_space<semaphore_mem>>)
      %dma_wait3A_146 = arith.constant 0 : i32
      %dma_wait3A_147 = tpu.memref_slice %arg8[%arg0, %mul3A_139, %dma_wait3A_146] : memref<2x10240x80xf32, #tpu.memory_space<hbm>> -> memref<1x640x80xf32, #tpu.memory_space<hbm>>
      %dma_wait3A_148 = tpu.memref_squeeze %dma_wait3A_147 : memref<1x640x80xf32, #tpu.memory_space<hbm>> -> memref<640x80xf32, #tpu.memory_space<hbm>>
      %dma_wait3A_149 = arith.constant 0 : i32
      %dma_wait3A_150 = tpu.memref_slice %arg16[%mul3A_137, %dma_wait3A_149] : memref<10240x80xf32, #tpu.memory_space<vmem_shared>> -> memref<640x80xf32, #tpu.memory_space<vmem_shared>>
      tpu.wait_dma2 semaphore(%run_scoped3A_140 : memref<!tpu.dma_semaphore, #tpu.memory_space<semaphore_mem>>) src(%dma_wait3A_150 : memref<640x80xf32, #tpu.memory_space<vmem_shared>>) dst(%dma_wait3A_148 : memref<640x80xf32, #tpu.memory_space<hbm>>)
      tpu.yield
    }) : () -> ()
    return
  }
}

#map = affine_map<(d0, d1) -> (0, 0, 0)>
#map1 = affine_map<(d0, d1) -> (0)>
#map2 = affine_map<(d0, d1) -> (0, 0)>
module attributes {stable_mosaic.version = 14 : i64} {
  func.func @_sc2_body(%arg0: i32, %arg1: i32, %arg2: memref<32x82x128xi32, #tpu.memory_space<hbm>>, %arg3: memref<32x82x128xi32, #tpu.memory_space<hbm>>, %arg4: memref<10240xf32, #tpu.memory_space<hbm>>, %arg5: memref<10240xf32, #tpu.memory_space<hbm>>, %arg6: memref<10240x16xf32, #tpu.memory_space<hbm>>, %arg7: memref<16xf32, #tpu.memory_space<hbm>>, %arg8: memref<2x10240x32xf32, #tpu.memory_space<hbm>>, %arg9: memref<82x128xi32, #tpu.memory_space<vmem>>, %arg10: memref<82x128xi32, #tpu.memory_space<vmem>>, %arg11: memref<10240xf32, #tpu.memory_space<vmem>>, %arg12: memref<10240xf32, #tpu.memory_space<vmem>>, %arg13: memref<2x128x16xf32, #tpu.memory_space<vmem>>, %arg14: memref<256xf32, #tpu.memory_space<vmem>>, %arg15: memref<2x128x32xf32, #tpu.memory_space<vmem>>, %arg16: memref<16xf32, #tpu.memory_space<vmem>>, %arg17: memref<10240x32xf32, #tpu.memory_space<vmem_shared>>, %arg18: memref<!tpu.dma_semaphore, #tpu.memory_space<semaphore_mem>>, %arg19: memref<!tpu.dma_semaphore, #tpu.memory_space<semaphore_mem>>, %arg20: memref<!tpu.dma_semaphore, #tpu.memory_space<semaphore_mem>>, %arg21: memref<!tpu.dma_semaphore, #tpu.memory_space<semaphore_mem>>) attributes {dimension_semantics = [#tpu.dimension_semantics<core_parallel>, #tpu.dimension_semantics<subcore_parallel>], iteration_bounds = array<i64: 2, 16>, scalar_prefetch = 0 : i64, scratch_operands = 13 : i64, tpu.core_type = #tpu.core_type<sc_vector_subcore>, window_params = [{transform_indices = #map}, {transform_indices = #map}, {transform_indices = #map1}, {transform_indices = #map1}, {transform_indices = #map2}, {transform_indices = #map1}, {transform_indices = #map}]} {
    %mul3A = arith.constant 2 : i32
    %mul3A_0 = arith.muli %arg1, %mul3A : i32
    %add3A = arith.addi %mul3A_0, %arg0 : i32
    %broadcast_in_dim3A = arith.constant 0.000000e+00 : f32
    %broadcast_in_dim3A_1 = vector.broadcast %broadcast_in_dim3A : f32 to vector<16xf32>
    "tpu.region"() ({
      %run_scoped3A_92 = tpu.sem_alloc : memref<!tpu.dma_semaphore, #tpu.memory_space<semaphore_mem>>
      tpu.enqueue_dma source(%arg7 : memref<16xf32, #tpu.memory_space<hbm>>) target(%arg16 : memref<16xf32, #tpu.memory_space<vmem>>) target_semaphore(%run_scoped3A_92 : memref<!tpu.dma_semaphore, #tpu.memory_space<semaphore_mem>>)
      tpu.wait_dma2 semaphore(%run_scoped3A_92 : memref<!tpu.dma_semaphore, #tpu.memory_space<semaphore_mem>>) src(%arg7 : memref<16xf32, #tpu.memory_space<hbm>>) dst(%arg16 : memref<16xf32, #tpu.memory_space<vmem>>)
      tpu.yield
    }) : () -> ()
    "tpu.region"() ({
      %run_scoped3A_92 = tpu.sem_alloc : memref<!tpu.dma_semaphore, #tpu.memory_space<semaphore_mem>>
      tpu.enqueue_dma source(%arg4 : memref<10240xf32, #tpu.memory_space<hbm>>) target(%arg11 : memref<10240xf32, #tpu.memory_space<vmem>>) target_semaphore(%run_scoped3A_92 : memref<!tpu.dma_semaphore, #tpu.memory_space<semaphore_mem>>)
      tpu.wait_dma2 semaphore(%run_scoped3A_92 : memref<!tpu.dma_semaphore, #tpu.memory_space<semaphore_mem>>) src(%arg4 : memref<10240xf32, #tpu.memory_space<hbm>>) dst(%arg11 : memref<10240xf32, #tpu.memory_space<vmem>>)
      tpu.yield
    }) : () -> ()
    "tpu.region"() ({
      %run_scoped3A_92 = tpu.sem_alloc : memref<!tpu.dma_semaphore, #tpu.memory_space<semaphore_mem>>
      tpu.enqueue_dma source(%arg5 : memref<10240xf32, #tpu.memory_space<hbm>>) target(%arg12 : memref<10240xf32, #tpu.memory_space<vmem>>) target_semaphore(%run_scoped3A_92 : memref<!tpu.dma_semaphore, #tpu.memory_space<semaphore_mem>>)
      tpu.wait_dma2 semaphore(%run_scoped3A_92 : memref<!tpu.dma_semaphore, #tpu.memory_space<semaphore_mem>>) src(%arg5 : memref<10240xf32, #tpu.memory_space<hbm>>) dst(%arg12 : memref<10240xf32, #tpu.memory_space<vmem>>)
      tpu.yield
    }) : () -> ()
    %get3A = arith.constant 0 : index
    %get3A_2 = tpu.vector_load %arg16[%get3A] {strides = array<i32>} : memref<16xf32, #tpu.memory_space<vmem>>, vector<16xf32>,
    %slice3A = vector.extract_strided_slice %get3A_2 {offsets = [0], sizes = [1], strides = [1]} : vector<16xf32> to vector<1xf32>
    %squeeze3A = vector.extract %slice3A[0] : f32 from vector<1xf32>
    "tpu.region"() ({
      %run_scoped3A_92 = tpu.sem_alloc : memref<!tpu.dma_semaphore, #tpu.memory_space<semaphore_mem>>
      %dma_start3A_93 = arith.constant 0 : i32
      %dma_start3A_94 = arith.constant 0 : i32
      %dma_start3A_95 = tpu.memref_slice %arg2[%add3A, %dma_start3A_93, %dma_start3A_94] : memref<32x82x128xi32, #tpu.memory_space<hbm>> -> memref<1x82x128xi32, #tpu.memory_space<hbm>>
      %dma_start3A_96 = tpu.memref_squeeze %dma_start3A_95 : memref<1x82x128xi32, #tpu.memory_space<hbm>> -> memref<82x128xi32, #tpu.memory_space<hbm>>
      %dma_start3A_97 = arith.constant 0 : i32
      %dma_start3A_98 = arith.constant 0 : i32
      %dma_start3A_99 = tpu.memref_slice %arg2[%add3A, %dma_start3A_97, %dma_start3A_98] : memref<32x82x128xi32, #tpu.memory_space<hbm>> -> memref<1x82x128xi32, #tpu.memory_space<hbm>>
      %dma_start3A_100 = tpu.memref_squeeze %dma_start3A_99 : memref<1x82x128xi32, #tpu.memory_space<hbm>> -> memref<82x128xi32, #tpu.memory_space<hbm>>
      tpu.enqueue_dma source(%dma_start3A_100 : memref<82x128xi32, #tpu.memory_space<hbm>>) target(%arg9 : memref<82x128xi32, #tpu.memory_space<vmem>>) target_semaphore(%run_scoped3A_92 : memref<!tpu.dma_semaphore, #tpu.memory_space<semaphore_mem>>)
      %dma_wait3A_101 = arith.constant 0 : i32
      %dma_wait3A_102 = arith.constant 0 : i32
      %dma_wait3A_103 = tpu.memref_slice %arg2[%add3A, %dma_wait3A_101, %dma_wait3A_102] : memref<32x82x128xi32, #tpu.memory_space<hbm>> -> memref<1x82x128xi32, #tpu.memory_space<hbm>>
      %dma_wait3A_104 = tpu.memref_squeeze %dma_wait3A_103 : memref<1x82x128xi32, #tpu.memory_space<hbm>> -> memref<82x128xi32, #tpu.memory_space<hbm>>
      %dma_wait3A_105 = arith.constant 0 : i32
      %dma_wait3A_106 = arith.constant 0 : i32
      %dma_wait3A_107 = tpu.memref_slice %arg2[%add3A, %dma_wait3A_105, %dma_wait3A_106] : memref<32x82x128xi32, #tpu.memory_space<hbm>> -> memref<1x82x128xi32, #tpu.memory_space<hbm>>
      %dma_wait3A_108 = tpu.memref_squeeze %dma_wait3A_107 : memref<1x82x128xi32, #tpu.memory_space<hbm>> -> memref<82x128xi32, #tpu.memory_space<hbm>>
      tpu.wait_dma2 semaphore(%run_scoped3A_92 : memref<!tpu.dma_semaphore, #tpu.memory_space<semaphore_mem>>) src(%dma_wait3A_108 : memref<82x128xi32, #tpu.memory_space<hbm>>) dst(%arg9 : memref<82x128xi32, #tpu.memory_space<vmem>>)
      tpu.yield
    }) : () -> ()
    "tpu.region"() ({
      %run_scoped3A_92 = tpu.sem_alloc : memref<!tpu.dma_semaphore, #tpu.memory_space<semaphore_mem>>
      %dma_start3A_93 = arith.constant 0 : i32
      %dma_start3A_94 = arith.constant 0 : i32
      %dma_start3A_95 = tpu.memref_slice %arg3[%add3A, %dma_start3A_93, %dma_start3A_94] : memref<32x82x128xi32, #tpu.memory_space<hbm>> -> memref<1x82x128xi32, #tpu.memory_space<hbm>>
      %dma_start3A_96 = tpu.memref_squeeze %dma_start3A_95 : memref<1x82x128xi32, #tpu.memory_space<hbm>> -> memref<82x128xi32, #tpu.memory_space<hbm>>
      %dma_start3A_97 = arith.constant 0 : i32
      %dma_start3A_98 = arith.constant 0 : i32
      %dma_start3A_99 = tpu.memref_slice %arg3[%add3A, %dma_start3A_97, %dma_start3A_98] : memref<32x82x128xi32, #tpu.memory_space<hbm>> -> memref<1x82x128xi32, #tpu.memory_space<hbm>>
      %dma_start3A_100 = tpu.memref_squeeze %dma_start3A_99 : memref<1x82x128xi32, #tpu.memory_space<hbm>> -> memref<82x128xi32, #tpu.memory_space<hbm>>
      tpu.enqueue_dma source(%dma_start3A_100 : memref<82x128xi32, #tpu.memory_space<hbm>>) target(%arg10 : memref<82x128xi32, #tpu.memory_space<vmem>>) target_semaphore(%run_scoped3A_92 : memref<!tpu.dma_semaphore, #tpu.memory_space<semaphore_mem>>)
      %dma_wait3A_101 = arith.constant 0 : i32
      %dma_wait3A_102 = arith.constant 0 : i32
      %dma_wait3A_103 = tpu.memref_slice %arg3[%add3A, %dma_wait3A_101, %dma_wait3A_102] : memref<32x82x128xi32, #tpu.memory_space<hbm>> -> memref<1x82x128xi32, #tpu.memory_space<hbm>>
      %dma_wait3A_104 = tpu.memref_squeeze %dma_wait3A_103 : memref<1x82x128xi32, #tpu.memory_space<hbm>> -> memref<82x128xi32, #tpu.memory_space<hbm>>
      %dma_wait3A_105 = arith.constant 0 : i32
      %dma_wait3A_106 = arith.constant 0 : i32
      %dma_wait3A_107 = tpu.memref_slice %arg3[%add3A, %dma_wait3A_105, %dma_wait3A_106] : memref<32x82x128xi32, #tpu.memory_space<hbm>> -> memref<1x82x128xi32, #tpu.memory_space<hbm>>
      %dma_wait3A_108 = tpu.memref_squeeze %dma_wait3A_107 : memref<1x82x128xi32, #tpu.memory_space<hbm>> -> memref<82x128xi32, #tpu.memory_space<hbm>>
      tpu.wait_dma2 semaphore(%run_scoped3A_92 : memref<!tpu.dma_semaphore, #tpu.memory_space<semaphore_mem>>) src(%dma_wait3A_108 : memref<82x128xi32, #tpu.memory_space<hbm>>) dst(%arg10 : memref<82x128xi32, #tpu.memory_space<vmem>>)
      tpu.yield
    }) : () -> ()
    %scan3A = arith.constant 0 : i32
    %scan3A_3 = arith.constant 0 : i32
    %scan3A_4 = arith.constant 0 : i32
    %scan3A_5 = arith.constant 256 : i32
    %scan3A_6 = arith.addi %scan3A_4, %scan3A_5 : i32
    %scan3A_7 = arith.constant 1 : i32
    %scan3A_8 = scf.for %scan3A_92 = %scan3A_4 to %scan3A_6 step %scan3A_7 iter_args(%scan3A_93 = %scan3A_3) -> (i32)  : i32 {
      %shift_right_arithmetic3A = arith.constant 1 : i32
      %shift_right_arithmetic3A_94 = arith.shrsi %scan3A_92, %shift_right_arithmetic3A : i32
      %and3A = arith.constant 1 : i32
      %and3A_95 = arith.andi %scan3A_92, %and3A : i32
      %mul3A_96 = arith.constant 16 : i32
      %mul3A_97 = arith.muli %and3A_95, %mul3A_96 : i32
      %swap3A = arith.constant 0 : i32
      %swap3A_98 = arith.constant 0 : i32
      %swap3A_99 = tpu.memref_slice %arg15[%scan3A, %swap3A, %swap3A_98] : memref<2x128x32xf32, #tpu.memory_space<vmem>> -> memref<1x128x32xf32, #tpu.memory_space<vmem>>
      %swap3A_100 = tpu.memref_squeeze %swap3A_99 : memref<1x128x32xf32, #tpu.memory_space<vmem>> -> memref<128x32xf32, #tpu.memory_space<vmem>>
      %swap3A_101 = arith.index_cast %shift_right_arithmetic3A_94 : i32 to index
      %swap3A_102 = arith.index_cast %mul3A_97 : i32 to index
      %swap3A_103 = tpu.vector_load %swap3A_100[%swap3A_101, %swap3A_102] {strides = array<i32>} : memref<128x32xf32, #tpu.memory_space<vmem>>, vector<16xf32>,
      tpu.vector_store %swap3A_100[%swap3A_101, %swap3A_102], %broadcast_in_dim3A_1 {strides = array<i32>} : memref<128x32xf32, #tpu.memory_space<vmem>>, vector<16xf32>,
      %scan3A_104 = arith.constant 0 : i32
      scf.yield %scan3A_104 : i32
    }
    %scan3A_9 = arith.constant 256 : i32
    %mul3A_10 = arith.constant 640 : i32
    %mul3A_11 = arith.muli %arg1, %mul3A_10 : i32
    %add3A_12 = arith.constant 0 : i32
    %add3A_13 = arith.addi %mul3A_11, %add3A_12 : i32
    %run_scoped3A = arith.constant 0 : i32
    "tpu.region"() ({
      %run_scoped3A_92 = tpu.sem_alloc : memref<!tpu.dma_semaphore, #tpu.memory_space<semaphore_mem>>
      %dma_start3A_93 = arith.constant 0 : i32
      %dma_start3A_94 = arith.constant 0 : i32
      %dma_start3A_95 = tpu.memref_slice %arg15[%run_scoped3A, %dma_start3A_93, %dma_start3A_94] : memref<2x128x32xf32, #tpu.memory_space<vmem>> -> memref<1x128x32xf32, #tpu.memory_space<vmem>>
      %dma_start3A_96 = tpu.memref_squeeze %dma_start3A_95 : memref<1x128x32xf32, #tpu.memory_space<vmem>> -> memref<128x32xf32, #tpu.memory_space<vmem>>
      %dma_start3A_97 = arith.constant 0 : i32
      %dma_start3A_98 = tpu.memref_slice %arg17[%add3A_13, %dma_start3A_97] : memref<10240x32xf32, #tpu.memory_space<vmem_shared>> -> memref<128x32xf32, #tpu.memory_space<vmem_shared>>
      %dma_start3A_99 = arith.constant 0 : i32
      %dma_start3A_100 = tpu.memref_slice %arg17[%add3A_13, %dma_start3A_99] : memref<10240x32xf32, #tpu.memory_space<vmem_shared>> -> memref<128x32xf32, #tpu.memory_space<vmem_shared>>
      %dma_start3A_101 = arith.constant 0 : i32
      %dma_start3A_102 = arith.constant 0 : i32
      %dma_start3A_103 = tpu.memref_slice %arg15[%run_scoped3A, %dma_start3A_101, %dma_start3A_102] : memref<2x128x32xf32, #tpu.memory_space<vmem>> -> memref<1x128x32xf32, #tpu.memory_space<vmem>>
      %dma_start3A_104 = tpu.memref_squeeze %dma_start3A_103 : memref<1x128x32xf32, #tpu.memory_space<vmem>> -> memref<128x32xf32, #tpu.memory_space<vmem>>
      tpu.enqueue_dma source(%dma_start3A_104 : memref<128x32xf32, #tpu.memory_space<vmem>>) target(%dma_start3A_100 : memref<128x32xf32, #tpu.memory_space<vmem_shared>>) target_semaphore(%run_scoped3A_92 : memref<!tpu.dma_semaphore, #tpu.memory_space<semaphore_mem>>)
      %dma_wait3A_105 = arith.constant 0 : i32
      %dma_wait3A_106 = arith.constant 0 : i32
      %dma_wait3A_107 = tpu.memref_slice %arg15[%run_scoped3A, %dma_wait3A_105, %dma_wait3A_106] : memref<2x128x32xf32, #tpu.memory_space<vmem>> -> memref<1x128x32xf32, #tpu.memory_space<vmem>>
      %dma_wait3A_108 = tpu.memref_squeeze %dma_wait3A_107 : memref<1x128x32xf32, #tpu.memory_space<vmem>> -> memref<128x32xf32, #tpu.memory_space<vmem>>
      %dma_wait3A_109 = arith.constant 0 : i32
      %dma_wait3A_110 = tpu.memref_slice %arg17[%add3A_13, %dma_wait3A_109] : memref<10240x32xf32, #tpu.memory_space<vmem_shared>> -> memref<128x32xf32, #tpu.memory_space<vmem_shared>>
      %dma_wait3A_111 = arith.constant 0 : i32
      %dma_wait3A_112 = tpu.memref_slice %arg17[%add3A_13, %dma_wait3A_111] : memref<10240x32xf32, #tpu.memory_space<vmem_shared>> -> memref<128x32xf32, #tpu.memory_space<vmem_shared>>
      %dma_wait3A_113 = arith.constant 0 : i32
      %dma_wait3A_114 = arith.constant 0 : i32
      %dma_wait3A_115 = tpu.memref_slice %arg15[%run_scoped3A, %dma_wait3A_113, %dma_wait3A_114] : memref<2x128x32xf32, #tpu.memory_space<vmem>> -> memref<1x128x32xf32, #tpu.memory_space<vmem>>
      %dma_wait3A_116 = tpu.memref_squeeze %dma_wait3A_115 : memref<1x128x32xf32, #tpu.memory_space<vmem>> -> memref<128x32xf32, #tpu.memory_space<vmem>>
      tpu.wait_dma2 semaphore(%run_scoped3A_92 : memref<!tpu.dma_semaphore, #tpu.memory_space<semaphore_mem>>) src(%dma_wait3A_116 : memref<128x32xf32, #tpu.memory_space<vmem>>) dst(%dma_wait3A_112 : memref<128x32xf32, #tpu.memory_space<vmem_shared>>)
      tpu.yield
    }) : () -> ()
    %mul3A_14 = arith.constant 640 : i32
    %mul3A_15 = arith.muli %arg1, %mul3A_14 : i32
    %add3A_16 = arith.constant 128 : i32
    %add3A_17 = arith.addi %mul3A_15, %add3A_16 : i32
    %run_scoped3A_18 = arith.constant 0 : i32
    "tpu.region"() ({
      %run_scoped3A_92 = tpu.sem_alloc : memref<!tpu.dma_semaphore, #tpu.memory_space<semaphore_mem>>
      %dma_start3A_93 = arith.constant 0 : i32
      %dma_start3A_94 = arith.constant 0 : i32
      %dma_start3A_95 = tpu.memref_slice %arg15[%run_scoped3A_18, %dma_start3A_93, %dma_start3A_94] : memref<2x128x32xf32, #tpu.memory_space<vmem>> -> memref<1x128x32xf32, #tpu.memory_space<vmem>>
      %dma_start3A_96 = tpu.memref_squeeze %dma_start3A_95 : memref<1x128x32xf32, #tpu.memory_space<vmem>> -> memref<128x32xf32, #tpu.memory_space<vmem>>
      %dma_start3A_97 = arith.constant 0 : i32
      %dma_start3A_98 = tpu.memref_slice %arg17[%add3A_17, %dma_start3A_97] : memref<10240x32xf32, #tpu.memory_space<vmem_shared>> -> memref<128x32xf32, #tpu.memory_space<vmem_shared>>
      %dma_start3A_99 = arith.constant 0 : i32
      %dma_start3A_100 = tpu.memref_slice %arg17[%add3A_17, %dma_start3A_99] : memref<10240x32xf32, #tpu.memory_space<vmem_shared>> -> memref<128x32xf32, #tpu.memory_space<vmem_shared>>
      %dma_start3A_101 = arith.constant 0 : i32
      %dma_start3A_102 = arith.constant 0 : i32
      %dma_start3A_103 = tpu.memref_slice %arg15[%run_scoped3A_18, %dma_start3A_101, %dma_start3A_102] : memref<2x128x32xf32, #tpu.memory_space<vmem>> -> memref<1x128x32xf32, #tpu.memory_space<vmem>>
      %dma_start3A_104 = tpu.memref_squeeze %dma_start3A_103 : memref<1x128x32xf32, #tpu.memory_space<vmem>> -> memref<128x32xf32, #tpu.memory_space<vmem>>
      tpu.enqueue_dma source(%dma_start3A_104 : memref<128x32xf32, #tpu.memory_space<vmem>>) target(%dma_start3A_100 : memref<128x32xf32, #tpu.memory_space<vmem_shared>>) target_semaphore(%run_scoped3A_92 : memref<!tpu.dma_semaphore, #tpu.memory_space<semaphore_mem>>)
      %dma_wait3A_105 = arith.constant 0 : i32
      %dma_wait3A_106 = arith.constant 0 : i32
      %dma_wait3A_107 = tpu.memref_slice %arg15[%run_scoped3A_18, %dma_wait3A_105, %dma_wait3A_106] : memref<2x128x32xf32, #tpu.memory_space<vmem>> -> memref<1x128x32xf32, #tpu.memory_space<vmem>>
      %dma_wait3A_108 = tpu.memref_squeeze %dma_wait3A_107 : memref<1x128x32xf32, #tpu.memory_space<vmem>> -> memref<128x32xf32, #tpu.memory_space<vmem>>
      %dma_wait3A_109 = arith.constant 0 : i32
      %dma_wait3A_110 = tpu.memref_slice %arg17[%add3A_17, %dma_wait3A_109] : memref<10240x32xf32, #tpu.memory_space<vmem_shared>> -> memref<128x32xf32, #tpu.memory_space<vmem_shared>>
      %dma_wait3A_111 = arith.constant 0 : i32
      %dma_wait3A_112 = tpu.memref_slice %arg17[%add3A_17, %dma_wait3A_111] : memref<10240x32xf32, #tpu.memory_space<vmem_shared>> -> memref<128x32xf32, #tpu.memory_space<vmem_shared>>
      %dma_wait3A_113 = arith.constant 0 : i32
      %dma_wait3A_114 = arith.constant 0 : i32
      %dma_wait3A_115 = tpu.memref_slice %arg15[%run_scoped3A_18, %dma_wait3A_113, %dma_wait3A_114] : memref<2x128x32xf32, #tpu.memory_space<vmem>> -> memref<1x128x32xf32, #tpu.memory_space<vmem>>
      %dma_wait3A_116 = tpu.memref_squeeze %dma_wait3A_115 : memref<1x128x32xf32, #tpu.memory_space<vmem>> -> memref<128x32xf32, #tpu.memory_space<vmem>>
      tpu.wait_dma2 semaphore(%run_scoped3A_92 : memref<!tpu.dma_semaphore, #tpu.memory_space<semaphore_mem>>) src(%dma_wait3A_116 : memref<128x32xf32, #tpu.memory_space<vmem>>) dst(%dma_wait3A_112 : memref<128x32xf32, #tpu.memory_space<vmem_shared>>)
      tpu.yield
    }) : () -> ()
    %mul3A_19 = arith.constant 640 : i32
    %mul3A_20 = arith.muli %arg1, %mul3A_19 : i32
    %add3A_21 = arith.constant 256 : i32
    %add3A_22 = arith.addi %mul3A_20, %add3A_21 : i32
    %run_scoped3A_23 = arith.constant 0 : i32
    "tpu.region"() ({
      %run_scoped3A_92 = tpu.sem_alloc : memref<!tpu.dma_semaphore, #tpu.memory_space<semaphore_mem>>
      %dma_start3A_93 = arith.constant 0 : i32
      %dma_start3A_94 = arith.constant 0 : i32
      %dma_start3A_95 = tpu.memref_slice %arg15[%run_scoped3A_23, %dma_start3A_93, %dma_start3A_94] : memref<2x128x32xf32, #tpu.memory_space<vmem>> -> memref<1x128x32xf32, #tpu.memory_space<vmem>>
      %dma_start3A_96 = tpu.memref_squeeze %dma_start3A_95 : memref<1x128x32xf32, #tpu.memory_space<vmem>> -> memref<128x32xf32, #tpu.memory_space<vmem>>
      %dma_start3A_97 = arith.constant 0 : i32
      %dma_start3A_98 = tpu.memref_slice %arg17[%add3A_22, %dma_start3A_97] : memref<10240x32xf32, #tpu.memory_space<vmem_shared>> -> memref<128x32xf32, #tpu.memory_space<vmem_shared>>
      %dma_start3A_99 = arith.constant 0 : i32
      %dma_start3A_100 = tpu.memref_slice %arg17[%add3A_22, %dma_start3A_99] : memref<10240x32xf32, #tpu.memory_space<vmem_shared>> -> memref<128x32xf32, #tpu.memory_space<vmem_shared>>
      %dma_start3A_101 = arith.constant 0 : i32
      %dma_start3A_102 = arith.constant 0 : i32
      %dma_start3A_103 = tpu.memref_slice %arg15[%run_scoped3A_23, %dma_start3A_101, %dma_start3A_102] : memref<2x128x32xf32, #tpu.memory_space<vmem>> -> memref<1x128x32xf32, #tpu.memory_space<vmem>>
      %dma_start3A_104 = tpu.memref_squeeze %dma_start3A_103 : memref<1x128x32xf32, #tpu.memory_space<vmem>> -> memref<128x32xf32, #tpu.memory_space<vmem>>
      tpu.enqueue_dma source(%dma_start3A_104 : memref<128x32xf32, #tpu.memory_space<vmem>>) target(%dma_start3A_100 : memref<128x32xf32, #tpu.memory_space<vmem_shared>>) target_semaphore(%run_scoped3A_92 : memref<!tpu.dma_semaphore, #tpu.memory_space<semaphore_mem>>)
      %dma_wait3A_105 = arith.constant 0 : i32
      %dma_wait3A_106 = arith.constant 0 : i32
      %dma_wait3A_107 = tpu.memref_slice %arg15[%run_scoped3A_23, %dma_wait3A_105, %dma_wait3A_106] : memref<2x128x32xf32, #tpu.memory_space<vmem>> -> memref<1x128x32xf32, #tpu.memory_space<vmem>>
      %dma_wait3A_108 = tpu.memref_squeeze %dma_wait3A_107 : memref<1x128x32xf32, #tpu.memory_space<vmem>> -> memref<128x32xf32, #tpu.memory_space<vmem>>
      %dma_wait3A_109 = arith.constant 0 : i32
      %dma_wait3A_110 = tpu.memref_slice %arg17[%add3A_22, %dma_wait3A_109] : memref<10240x32xf32, #tpu.memory_space<vmem_shared>> -> memref<128x32xf32, #tpu.memory_space<vmem_shared>>
      %dma_wait3A_111 = arith.constant 0 : i32
      %dma_wait3A_112 = tpu.memref_slice %arg17[%add3A_22, %dma_wait3A_111] : memref<10240x32xf32, #tpu.memory_space<vmem_shared>> -> memref<128x32xf32, #tpu.memory_space<vmem_shared>>
      %dma_wait3A_113 = arith.constant 0 : i32
      %dma_wait3A_114 = arith.constant 0 : i32
      %dma_wait3A_115 = tpu.memref_slice %arg15[%run_scoped3A_23, %dma_wait3A_113, %dma_wait3A_114] : memref<2x128x32xf32, #tpu.memory_space<vmem>> -> memref<1x128x32xf32, #tpu.memory_space<vmem>>
      %dma_wait3A_116 = tpu.memref_squeeze %dma_wait3A_115 : memref<1x128x32xf32, #tpu.memory_space<vmem>> -> memref<128x32xf32, #tpu.memory_space<vmem>>
      tpu.wait_dma2 semaphore(%run_scoped3A_92 : memref<!tpu.dma_semaphore, #tpu.memory_space<semaphore_mem>>) src(%dma_wait3A_116 : memref<128x32xf32, #tpu.memory_space<vmem>>) dst(%dma_wait3A_112 : memref<128x32xf32, #tpu.memory_space<vmem_shared>>)
      tpu.yield
    }) : () -> ()
    %mul3A_24 = arith.constant 640 : i32
    %mul3A_25 = arith.muli %arg1, %mul3A_24 : i32
    %add3A_26 = arith.constant 384 : i32
    %add3A_27 = arith.addi %mul3A_25, %add3A_26 : i32
    %run_scoped3A_28 = arith.constant 0 : i32
    "tpu.region"() ({
      %run_scoped3A_92 = tpu.sem_alloc : memref<!tpu.dma_semaphore, #tpu.memory_space<semaphore_mem>>
      %dma_start3A_93 = arith.constant 0 : i32
      %dma_start3A_94 = arith.constant 0 : i32
      %dma_start3A_95 = tpu.memref_slice %arg15[%run_scoped3A_28, %dma_start3A_93, %dma_start3A_94] : memref<2x128x32xf32, #tpu.memory_space<vmem>> -> memref<1x128x32xf32, #tpu.memory_space<vmem>>
      %dma_start3A_96 = tpu.memref_squeeze %dma_start3A_95 : memref<1x128x32xf32, #tpu.memory_space<vmem>> -> memref<128x32xf32, #tpu.memory_space<vmem>>
      %dma_start3A_97 = arith.constant 0 : i32
      %dma_start3A_98 = tpu.memref_slice %arg17[%add3A_27, %dma_start3A_97] : memref<10240x32xf32, #tpu.memory_space<vmem_shared>> -> memref<128x32xf32, #tpu.memory_space<vmem_shared>>
      %dma_start3A_99 = arith.constant 0 : i32
      %dma_start3A_100 = tpu.memref_slice %arg17[%add3A_27, %dma_start3A_99] : memref<10240x32xf32, #tpu.memory_space<vmem_shared>> -> memref<128x32xf32, #tpu.memory_space<vmem_shared>>
      %dma_start3A_101 = arith.constant 0 : i32
      %dma_start3A_102 = arith.constant 0 : i32
      %dma_start3A_103 = tpu.memref_slice %arg15[%run_scoped3A_28, %dma_start3A_101, %dma_start3A_102] : memref<2x128x32xf32, #tpu.memory_space<vmem>> -> memref<1x128x32xf32, #tpu.memory_space<vmem>>
      %dma_start3A_104 = tpu.memref_squeeze %dma_start3A_103 : memref<1x128x32xf32, #tpu.memory_space<vmem>> -> memref<128x32xf32, #tpu.memory_space<vmem>>
      tpu.enqueue_dma source(%dma_start3A_104 : memref<128x32xf32, #tpu.memory_space<vmem>>) target(%dma_start3A_100 : memref<128x32xf32, #tpu.memory_space<vmem_shared>>) target_semaphore(%run_scoped3A_92 : memref<!tpu.dma_semaphore, #tpu.memory_space<semaphore_mem>>)
      %dma_wait3A_105 = arith.constant 0 : i32
      %dma_wait3A_106 = arith.constant 0 : i32
      %dma_wait3A_107 = tpu.memref_slice %arg15[%run_scoped3A_28, %dma_wait3A_105, %dma_wait3A_106] : memref<2x128x32xf32, #tpu.memory_space<vmem>> -> memref<1x128x32xf32, #tpu.memory_space<vmem>>
      %dma_wait3A_108 = tpu.memref_squeeze %dma_wait3A_107 : memref<1x128x32xf32, #tpu.memory_space<vmem>> -> memref<128x32xf32, #tpu.memory_space<vmem>>
      %dma_wait3A_109 = arith.constant 0 : i32
      %dma_wait3A_110 = tpu.memref_slice %arg17[%add3A_27, %dma_wait3A_109] : memref<10240x32xf32, #tpu.memory_space<vmem_shared>> -> memref<128x32xf32, #tpu.memory_space<vmem_shared>>
      %dma_wait3A_111 = arith.constant 0 : i32
      %dma_wait3A_112 = tpu.memref_slice %arg17[%add3A_27, %dma_wait3A_111] : memref<10240x32xf32, #tpu.memory_space<vmem_shared>> -> memref<128x32xf32, #tpu.memory_space<vmem_shared>>
      %dma_wait3A_113 = arith.constant 0 : i32
      %dma_wait3A_114 = arith.constant 0 : i32
      %dma_wait3A_115 = tpu.memref_slice %arg15[%run_scoped3A_28, %dma_wait3A_113, %dma_wait3A_114] : memref<2x128x32xf32, #tpu.memory_space<vmem>> -> memref<1x128x32xf32, #tpu.memory_space<vmem>>
      %dma_wait3A_116 = tpu.memref_squeeze %dma_wait3A_115 : memref<1x128x32xf32, #tpu.memory_space<vmem>> -> memref<128x32xf32, #tpu.memory_space<vmem>>
      tpu.wait_dma2 semaphore(%run_scoped3A_92 : memref<!tpu.dma_semaphore, #tpu.memory_space<semaphore_mem>>) src(%dma_wait3A_116 : memref<128x32xf32, #tpu.memory_space<vmem>>) dst(%dma_wait3A_112 : memref<128x32xf32, #tpu.memory_space<vmem_shared>>)
      tpu.yield
    }) : () -> ()
    %mul3A_29 = arith.constant 640 : i32
    %mul3A_30 = arith.muli %arg1, %mul3A_29 : i32
    %add3A_31 = arith.constant 512 : i32
    %add3A_32 = arith.addi %mul3A_30, %add3A_31 : i32
    %run_scoped3A_33 = arith.constant 0 : i32
    "tpu.region"() ({
      %run_scoped3A_92 = tpu.sem_alloc : memref<!tpu.dma_semaphore, #tpu.memory_space<semaphore_mem>>
      %dma_start3A_93 = arith.constant 0 : i32
      %dma_start3A_94 = arith.constant 0 : i32
      %dma_start3A_95 = tpu.memref_slice %arg15[%run_scoped3A_33, %dma_start3A_93, %dma_start3A_94] : memref<2x128x32xf32, #tpu.memory_space<vmem>> -> memref<1x128x32xf32, #tpu.memory_space<vmem>>
      %dma_start3A_96 = tpu.memref_squeeze %dma_start3A_95 : memref<1x128x32xf32, #tpu.memory_space<vmem>> -> memref<128x32xf32, #tpu.memory_space<vmem>>
      %dma_start3A_97 = arith.constant 0 : i32
      %dma_start3A_98 = tpu.memref_slice %arg17[%add3A_32, %dma_start3A_97] : memref<10240x32xf32, #tpu.memory_space<vmem_shared>> -> memref<128x32xf32, #tpu.memory_space<vmem_shared>>
      %dma_start3A_99 = arith.constant 0 : i32
      %dma_start3A_100 = tpu.memref_slice %arg17[%add3A_32, %dma_start3A_99] : memref<10240x32xf32, #tpu.memory_space<vmem_shared>> -> memref<128x32xf32, #tpu.memory_space<vmem_shared>>
      %dma_start3A_101 = arith.constant 0 : i32
      %dma_start3A_102 = arith.constant 0 : i32
      %dma_start3A_103 = tpu.memref_slice %arg15[%run_scoped3A_33, %dma_start3A_101, %dma_start3A_102] : memref<2x128x32xf32, #tpu.memory_space<vmem>> -> memref<1x128x32xf32, #tpu.memory_space<vmem>>
      %dma_start3A_104 = tpu.memref_squeeze %dma_start3A_103 : memref<1x128x32xf32, #tpu.memory_space<vmem>> -> memref<128x32xf32, #tpu.memory_space<vmem>>
      tpu.enqueue_dma source(%dma_start3A_104 : memref<128x32xf32, #tpu.memory_space<vmem>>) target(%dma_start3A_100 : memref<128x32xf32, #tpu.memory_space<vmem_shared>>) target_semaphore(%run_scoped3A_92 : memref<!tpu.dma_semaphore, #tpu.memory_space<semaphore_mem>>)
      %dma_wait3A_105 = arith.constant 0 : i32
      %dma_wait3A_106 = arith.constant 0 : i32
      %dma_wait3A_107 = tpu.memref_slice %arg15[%run_scoped3A_33, %dma_wait3A_105, %dma_wait3A_106] : memref<2x128x32xf32, #tpu.memory_space<vmem>> -> memref<1x128x32xf32, #tpu.memory_space<vmem>>
      %dma_wait3A_108 = tpu.memref_squeeze %dma_wait3A_107 : memref<1x128x32xf32, #tpu.memory_space<vmem>> -> memref<128x32xf32, #tpu.memory_space<vmem>>
      %dma_wait3A_109 = arith.constant 0 : i32
      %dma_wait3A_110 = tpu.memref_slice %arg17[%add3A_32, %dma_wait3A_109] : memref<10240x32xf32, #tpu.memory_space<vmem_shared>> -> memref<128x32xf32, #tpu.memory_space<vmem_shared>>
      %dma_wait3A_111 = arith.constant 0 : i32
      %dma_wait3A_112 = tpu.memref_slice %arg17[%add3A_32, %dma_wait3A_111] : memref<10240x32xf32, #tpu.memory_space<vmem_shared>> -> memref<128x32xf32, #tpu.memory_space<vmem_shared>>
      %dma_wait3A_113 = arith.constant 0 : i32
      %dma_wait3A_114 = arith.constant 0 : i32
      %dma_wait3A_115 = tpu.memref_slice %arg15[%run_scoped3A_33, %dma_wait3A_113, %dma_wait3A_114] : memref<2x128x32xf32, #tpu.memory_space<vmem>> -> memref<1x128x32xf32, #tpu.memory_space<vmem>>
      %dma_wait3A_116 = tpu.memref_squeeze %dma_wait3A_115 : memref<1x128x32xf32, #tpu.memory_space<vmem>> -> memref<128x32xf32, #tpu.memory_space<vmem>>
      tpu.wait_dma2 semaphore(%run_scoped3A_92 : memref<!tpu.dma_semaphore, #tpu.memory_space<semaphore_mem>>) src(%dma_wait3A_116 : memref<128x32xf32, #tpu.memory_space<vmem>>) dst(%dma_wait3A_112 : memref<128x32xf32, #tpu.memory_space<vmem_shared>>)
      tpu.yield
    }) : () -> ()
    %barrier3A = arith.constant 0 : index
    tpu.barrier barrier_id(%barrier3A)
    %dma_start3A = arith.constant 0 : i32
    %dma_start3A_34 = arith.constant 0 : i32
    %dma_start3A_35 = arith.constant 0 : i32
    %dma_start3A_36 = arith.constant 0 : i32
    %dma_start3A_37 = tpu.memref_slice %arg13[%dma_start3A_34, %dma_start3A_35, %dma_start3A_36] : memref<2x128x16xf32, #tpu.memory_space<vmem>> -> memref<1x128x16xf32, #tpu.memory_space<vmem>>
    %dma_start3A_38 = tpu.memref_squeeze %dma_start3A_37 : memref<1x128x16xf32, #tpu.memory_space<vmem>> -> memref<128x16xf32, #tpu.memory_space<vmem>>
    %dma_start3A_39 = arith.constant 0 : i32
    %dma_start3A_40 = tpu.memref_slice %arg9[%dma_start3A, %dma_start3A_39] : memref<82x128xi32, #tpu.memory_space<vmem>> -> memref<1x128xi32, #tpu.memory_space<vmem>>
    %dma_start3A_41 = tpu.memref_squeeze %dma_start3A_40 : memref<1x128xi32, #tpu.memory_space<vmem>> -> memref<128xi32, #tpu.memory_space<vmem>>
    %dma_start3A_42 = arith.constant 0 : i32
    %dma_start3A_43 = arith.constant 0 : i32
    %dma_start3A_44 = tpu.memref_slice %arg6[%dma_start3A_42, %dma_start3A_43] : memref<10240x16xf32, #tpu.memory_space<hbm>> -> memref<10240x16xf32, #tpu.memory_space<hbm>>
    tpu.enqueue_indirect_dma source(%dma_start3A_44 : memref<10240x16xf32, #tpu.memory_space<hbm>>) target(%dma_start3A_38 : memref<128x16xf32, #tpu.memory_space<vmem>>) offsets(%dma_start3A_41 : memref<128xi32, #tpu.memory_space<vmem>>) semaphore(%arg18 : memref<!tpu.dma_semaphore, #tpu.memory_space<semaphore_mem>>)
    %dma_start3A_45 = arith.constant 1 : i32
    %dma_start3A_46 = arith.constant 1 : i32
    %dma_start3A_47 = arith.constant 0 : i32
    %dma_start3A_48 = arith.constant 0 : i32
    %dma_start3A_49 = tpu.memref_slice %arg13[%dma_start3A_46, %dma_start3A_47, %dma_start3A_48] : memref<2x128x16xf32, #tpu.memory_space<vmem>> -> memref<1x128x16xf32, #tpu.memory_space<vmem>>
    %dma_start3A_50 = tpu.memref_squeeze %dma_start3A_49 : memref<1x128x16xf32, #tpu.memory_space<vmem>> -> memref<128x16xf32, #tpu.memory_space<vmem>>
    %dma_start3A_51 = arith.constant 0 : i32
    %dma_start3A_52 = tpu.memref_slice %arg9[%dma_start3A_45, %dma_start3A_51] : memref<82x128xi32, #tpu.memory_space<vmem>> -> memref<1x128xi32, #tpu.memory_space<vmem>>
    %dma_start3A_53 = tpu.memref_squeeze %dma_start3A_52 : memref<1x128xi32, #tpu.memory_space<vmem>> -> memref<128xi32, #tpu.memory_space<vmem>>
    %dma_start3A_54 = arith.constant 0 : i32
    %dma_start3A_55 = arith.constant 0 : i32
    %dma_start3A_56 = tpu.memref_slice %arg6[%dma_start3A_54, %dma_start3A_55] : memref<10240x16xf32, #tpu.memory_space<hbm>> -> memref<10240x16xf32, #tpu.memory_space<hbm>>
    tpu.enqueue_indirect_dma source(%dma_start3A_56 : memref<10240x16xf32, #tpu.memory_space<hbm>>) target(%dma_start3A_50 : memref<128x16xf32, #tpu.memory_space<vmem>>) offsets(%dma_start3A_53 : memref<128xi32, #tpu.memory_space<vmem>>) semaphore(%arg19 : memref<!tpu.dma_semaphore, #tpu.memory_space<semaphore_mem>>)
    %scan3A_57 = arith.constant 0 : i32
    %scan3A_58 = arith.constant 0 : i32
    %scan3A_59 = arith.constant 41 : i32
    %scan3A_60 = arith.addi %scan3A_58, %scan3A_59 : i32
    %scan3A_61 = arith.constant 1 : i32
    %scan3A_62 = scf.for %scan3A_92 = %scan3A_58 to %scan3A_60 step %scan3A_61 iter_args(%scan3A_93 = %scan3A_57) -> (i32)  : i32 {
      %mul3A_94 = arith.constant 2 : i32
      %mul3A_95 = arith.muli %mul3A_94, %scan3A_92 : i32
      %add3A_96 = arith.constant 0 : i32
      %add3A_97 = arith.addi %mul3A_95, %add3A_96 : i32
      %parallel_loop3A = arith.constant 0 : i32
      %parallel_loop3A_98 = arith.constant 8 : i32
      %parallel_loop3A_99 = arith.constant 1 : i32
      scf.for %parallel_loop3A_184 = %parallel_loop3A to %parallel_loop3A_98 step %parallel_loop3A_99  : i32 {
        %parallel_loop3A_185 = arith.constant 16 : i32
        %parallel_loop3A_186 = arith.muli %parallel_loop3A_184, %parallel_loop3A_185 : i32
        %parallel_loop3A_187 = arith.index_cast %add3A_97 : i32 to index
        %parallel_loop3A_188 = arith.index_cast %parallel_loop3A_186 : i32 to index
        %parallel_loop3A_189 = tpu.vector_load %arg9[%parallel_loop3A_187, %parallel_loop3A_188] {strides = array<i32>} : memref<82x128xi32, #tpu.memory_space<vmem>>, vector<16xi32>,
        %parallel_loop3A_190 = arith.constant 16 : i32
        %parallel_loop3A_191 = arith.muli %parallel_loop3A_184, %parallel_loop3A_190 : i32
        %parallel_loop3A_192 = arith.index_cast %add3A_97 : i32 to index
        %parallel_loop3A_193 = arith.index_cast %parallel_loop3A_191 : i32 to index
        %parallel_loop3A_194 = tpu.vector_load %arg10[%parallel_loop3A_192, %parallel_loop3A_193] {strides = array<i32>} : memref<82x128xi32, #tpu.memory_space<vmem>>, vector<16xi32>,
        %parallel_loop3A_195 = tpu.vector_load_idx %arg11[%parallel_loop3A_189] : memref<10240xf32, #tpu.memory_space<vmem>>[vector<16xi32>], vector<16xf32>,
        %parallel_loop3A_196 = tpu.vector_load_idx %arg12[%parallel_loop3A_194] : memref<10240xf32, #tpu.memory_space<vmem>>[vector<16xi32>], vector<16xf32>,
        %parallel_loop3A_197 = arith.addf %parallel_loop3A_195, %parallel_loop3A_196 : vector<16xf32>
        %parallel_loop3A_198 = arith.constant 0.000000e+00 : f32
        %parallel_loop3A_199 = vector.broadcast %parallel_loop3A_198 : f32 to vector<16xf32>
        %parallel_loop3A_200 = arith.cmpf oge, %parallel_loop3A_197, %parallel_loop3A_199 : vector<16xf32>
        %parallel_loop3A_201 = arith.constant 2.000000e-01 : f32
        %parallel_loop3A_202 = vector.broadcast %parallel_loop3A_201 : f32 to vector<16xf32>
        %parallel_loop3A_203 = arith.mulf %parallel_loop3A_197, %parallel_loop3A_202 : vector<16xf32>
        %parallel_loop3A_204 = arith.select %parallel_loop3A_200, %parallel_loop3A_197, %parallel_loop3A_203 : vector<16xi1>, vector<16xf32>
        %parallel_loop3A_205 = vector.broadcast %squeeze3A : f32 to vector<16xf32>
        %parallel_loop3A_206 = arith.subf %parallel_loop3A_204, %parallel_loop3A_205 : vector<16xf32>
        %parallel_loop3A_207 = math.exp %parallel_loop3A_206 : vector<16xf32>
        %parallel_loop3A_208 = arith.constant 16 : i32
        %parallel_loop3A_209 = arith.muli %parallel_loop3A_184, %parallel_loop3A_208 : i32
        %parallel_loop3A_210 = arith.constant 0 : i32
        %parallel_loop3A_211 = arith.addi %parallel_loop3A_210, %parallel_loop3A_209 : i32
        %parallel_loop3A_212 = arith.index_cast %parallel_loop3A_211 : i32 to index
        %parallel_loop3A_213 = tpu.vector_load %arg14[%parallel_loop3A_212] {strides = array<i32>} : memref<256xf32, #tpu.memory_space<vmem>>, vector<16xf32>,
        tpu.vector_store %arg14[%parallel_loop3A_212], %parallel_loop3A_207 {strides = array<i32>} : memref<256xf32, #tpu.memory_space<vmem>>, vector<16xf32>,
      } {sc.loop_unroll_factor = 2 : i64, sc.parallel_access}
      %dma_wait3A_100 = arith.constant 0 : i32
      %dma_wait3A_101 = arith.constant 0 : i32
      %dma_wait3A_102 = arith.constant 0 : i32
      %dma_wait3A_103 = tpu.memref_slice %arg13[%dma_wait3A_100, %dma_wait3A_101, %dma_wait3A_102] : memref<2x128x16xf32, #tpu.memory_space<vmem>> -> memref<1x128x16xf32, #tpu.memory_space<vmem>>
      %dma_wait3A_104 = tpu.memref_squeeze %dma_wait3A_103 : memref<1x128x16xf32, #tpu.memory_space<vmem>> -> memref<128x16xf32, #tpu.memory_space<vmem>>
      %dma_wait3A_105 = arith.constant 0 : i32
      %dma_wait3A_106 = tpu.memref_slice %arg9[%add3A_97, %dma_wait3A_105] : memref<82x128xi32, #tpu.memory_space<vmem>> -> memref<1x128xi32, #tpu.memory_space<vmem>>
      %dma_wait3A_107 = tpu.memref_squeeze %dma_wait3A_106 : memref<1x128xi32, #tpu.memory_space<vmem>> -> memref<128xi32, #tpu.memory_space<vmem>>
      %dma_wait3A_108 = arith.constant 0 : i32
      %dma_wait3A_109 = arith.constant 0 : i32
      %dma_wait3A_110 = tpu.memref_slice %arg6[%dma_wait3A_108, %dma_wait3A_109] : memref<10240x16xf32, #tpu.memory_space<hbm>> -> memref<10240x16xf32, #tpu.memory_space<hbm>>
      tpu.wait_indirect_dma semaphore(%arg18 : memref<!tpu.dma_semaphore, #tpu.memory_space<semaphore_mem>>) src(%dma_wait3A_110 : memref<10240x16xf32, #tpu.memory_space<hbm>>) dst(%dma_wait3A_104 : memref<128x16xf32, #tpu.memory_space<vmem>>)
      %ge3A = arith.constant 2 : i32
      %ge3A_111 = arith.cmpi sge, %add3A_97, %ge3A : i32
      %convert_element_type3A = arith.extui %ge3A_111 : i1 to i32
      %cond3A = arith.constant 0 : i32
      %cond3A_112 = arith.constant 0 : i32
      %cond3A_113 = arith.cmpi ne, %convert_element_type3A, %cond3A_112 : i32
      scf.if %cond3A_113 {
        %dma_wait3A_184 = arith.constant 0 : i32
        %dma_wait3A_185 = arith.constant 0 : i32
        %dma_wait3A_186 = tpu.memref_slice %arg15[%cond3A, %dma_wait3A_184, %dma_wait3A_185] : memref<2x128x32xf32, #tpu.memory_space<vmem>> -> memref<1x128x32xf32, #tpu.memory_space<vmem>>
        %dma_wait3A_187 = tpu.memref_squeeze %dma_wait3A_186 : memref<1x128x32xf32, #tpu.memory_space<vmem>> -> memref<128x32xf32, #tpu.memory_space<vmem>>
        %dma_wait3A_188 = arith.constant 0 : i32
        %dma_wait3A_189 = tpu.memref_slice %arg10[%add3A_97, %dma_wait3A_188] : memref<82x128xi32, #tpu.memory_space<vmem>> -> memref<1x128xi32, #tpu.memory_space<vmem>>
        %dma_wait3A_190 = tpu.memref_squeeze %dma_wait3A_189 : memref<1x128xi32, #tpu.memory_space<vmem>> -> memref<128xi32, #tpu.memory_space<vmem>>
        %dma_wait3A_191 = arith.constant 0 : i32
        %dma_wait3A_192 = arith.constant 0 : i32
        %dma_wait3A_193 = tpu.memref_slice %arg17[%dma_wait3A_191, %dma_wait3A_192] : memref<10240x32xf32, #tpu.memory_space<vmem_shared>> -> memref<10240x32xf32, #tpu.memory_space<vmem_shared>>
        tpu.wait_indirect_dma semaphore(%arg20 : memref<!tpu.dma_semaphore, #tpu.memory_space<semaphore_mem>>) src(%dma_wait3A_187 : memref<128x32xf32, #tpu.memory_space<vmem>>) dst(%dma_wait3A_193 : memref<10240x32xf32, #tpu.memory_space<vmem_shared>>)
      } else {
      }
      %parallel_loop3A_114 = arith.constant 0 : i32
      %parallel_loop3A_115 = arith.constant 128 : i32
      %parallel_loop3A_116 = arith.constant 1 : i32
      %parallel_loop3A_117 = arith.constant 0 : i32
      %parallel_loop3A_118 = arith.constant 0 : i32
      scf.for %parallel_loop3A_184 = %parallel_loop3A_114 to %parallel_loop3A_115 step %parallel_loop3A_116  : i32 {
        %parallel_loop3A_185 = arith.constant 0 : i32
        %parallel_loop3A_186 = arith.addi %parallel_loop3A_185, %parallel_loop3A_184 : i32
        %parallel_loop3A_187 = vector.broadcast %parallel_loop3A_186 : i32 to vector<16xi32>
        %parallel_loop3A_188 = tpu.vector_load_idx %arg14[%parallel_loop3A_187] : memref<256xf32, #tpu.memory_space<vmem>>[vector<16xi32>], vector<16xf32>,
        %parallel_loop3A_189 = arith.constant 0 : i32
        %parallel_loop3A_190 = arith.constant 0 : i32
        %parallel_loop3A_191 = tpu.memref_slice %arg13[%parallel_loop3A_117, %parallel_loop3A_189, %parallel_loop3A_190] : memref<2x128x16xf32, #tpu.memory_space<vmem>> -> memref<1x128x16xf32, #tpu.memory_space<vmem>>
        %parallel_loop3A_192 = tpu.memref_squeeze %parallel_loop3A_191 : memref<1x128x16xf32, #tpu.memory_space<vmem>> -> memref<128x16xf32, #tpu.memory_space<vmem>>
        %parallel_loop3A_193 = arith.index_cast %parallel_loop3A_184 : i32 to index
        %parallel_loop3A_194 = arith.constant 0 : index
        %parallel_loop3A_195 = tpu.vector_load %parallel_loop3A_192[%parallel_loop3A_193, %parallel_loop3A_194] {strides = array<i32>} : memref<128x16xf32, #tpu.memory_space<vmem>>, vector<16xf32>,
        %parallel_loop3A_196 = arith.mulf %parallel_loop3A_188, %parallel_loop3A_195 : vector<16xf32>
        %parallel_loop3A_197 = arith.constant 0 : i32
        %parallel_loop3A_198 = arith.constant 0 : i32
        %parallel_loop3A_199 = tpu.memref_slice %arg15[%parallel_loop3A_118, %parallel_loop3A_197, %parallel_loop3A_198] : memref<2x128x32xf32, #tpu.memory_space<vmem>> -> memref<1x128x32xf32, #tpu.memory_space<vmem>>
        %parallel_loop3A_200 = tpu.memref_squeeze %parallel_loop3A_199 : memref<1x128x32xf32, #tpu.memory_space<vmem>> -> memref<128x32xf32, #tpu.memory_space<vmem>>
        %parallel_loop3A_201 = arith.index_cast %parallel_loop3A_184 : i32 to index
        %parallel_loop3A_202 = arith.constant 0 : index
        %parallel_loop3A_203 = tpu.vector_load %parallel_loop3A_200[%parallel_loop3A_201, %parallel_loop3A_202] {strides = array<i32>} : memref<128x32xf32, #tpu.memory_space<vmem>>, vector<16xf32>,
        tpu.vector_store %parallel_loop3A_200[%parallel_loop3A_201, %parallel_loop3A_202], %parallel_loop3A_196 {strides = array<i32>} : memref<128x32xf32, #tpu.memory_space<vmem>>, vector<16xf32>,
        %parallel_loop3A_204 = arith.constant 0 : i32
        %parallel_loop3A_205 = arith.constant 0 : i32
        %parallel_loop3A_206 = tpu.memref_slice %arg15[%parallel_loop3A_118, %parallel_loop3A_204, %parallel_loop3A_205] : memref<2x128x32xf32, #tpu.memory_space<vmem>> -> memref<1x128x32xf32, #tpu.memory_space<vmem>>
        %parallel_loop3A_207 = tpu.memref_squeeze %parallel_loop3A_206 : memref<1x128x32xf32, #tpu.memory_space<vmem>> -> memref<128x32xf32, #tpu.memory_space<vmem>>
        %parallel_loop3A_208 = arith.index_cast %parallel_loop3A_184 : i32 to index
        %parallel_loop3A_209 = arith.constant 16 : index
        %parallel_loop3A_210 = tpu.vector_load %parallel_loop3A_207[%parallel_loop3A_208, %parallel_loop3A_209] {strides = array<i32>} : memref<128x32xf32, #tpu.memory_space<vmem>>, vector<16xf32>,
        tpu.vector_store %parallel_loop3A_207[%parallel_loop3A_208, %parallel_loop3A_209], %parallel_loop3A_188 {strides = array<i32>} : memref<128x32xf32, #tpu.memory_space<vmem>>, vector<16xf32>,
      } {sc.loop_unroll_factor = 4 : i64, sc.parallel_access}
      %dma_start3A_119 = arith.constant 0 : i32
      %dma_start3A_120 = arith.constant 0 : i32
      %dma_start3A_121 = arith.constant 0 : i32
      %dma_start3A_122 = tpu.memref_slice %arg15[%dma_start3A_119, %dma_start3A_120, %dma_start3A_121] : memref<2x128x32xf32, #tpu.memory_space<vmem>> -> memref<1x128x32xf32, #tpu.memory_space<vmem>>
      %dma_start3A_123 = tpu.memref_squeeze %dma_start3A_122 : memref<1x128x32xf32, #tpu.memory_space<vmem>> -> memref<128x32xf32, #tpu.memory_space<vmem>>
      %dma_start3A_124 = arith.constant 0 : i32
      %dma_start3A_125 = tpu.memref_slice %arg10[%add3A_97, %dma_start3A_124] : memref<82x128xi32, #tpu.memory_space<vmem>> -> memref<1x128xi32, #tpu.memory_space<vmem>>
      %dma_start3A_126 = tpu.memref_squeeze %dma_start3A_125 : memref<1x128xi32, #tpu.memory_space<vmem>> -> memref<128xi32, #tpu.memory_space<vmem>>
      %dma_start3A_127 = arith.constant 0 : i32
      %dma_start3A_128 = arith.constant 0 : i32
      %dma_start3A_129 = tpu.memref_slice %arg17[%dma_start3A_127, %dma_start3A_128] : memref<10240x32xf32, #tpu.memory_space<vmem_shared>> -> memref<10240x32xf32, #tpu.memory_space<vmem_shared>>
      tpu.enqueue_indirect_dma source(%dma_start3A_123 : memref<128x32xf32, #tpu.memory_space<vmem>>) target(%dma_start3A_129 : memref<10240x32xf32, #tpu.memory_space<vmem_shared>>) offsets(%dma_start3A_126 : memref<128xi32, #tpu.memory_space<vmem>>) semaphore(%arg20 : memref<!tpu.dma_semaphore, #tpu.memory_space<semaphore_mem>>) {add = true}
      %add3A_130 = arith.constant 2 : i32
      %add3A_131 = arith.addi %add3A_97, %add3A_130 : i32
      %lt3A = arith.constant 82 : i32
      %lt3A_132 = arith.cmpi slt, %add3A_131, %lt3A : i32
      %convert_element_type3A_133 = arith.extui %lt3A_132 : i1 to i32
      %cond3A_134 = arith.constant 0 : i32
      %cond3A_135 = arith.cmpi ne, %convert_element_type3A_133, %cond3A_134 : i32
      scf.if %cond3A_135 {
        %add3A_184 = arith.constant 2 : i32
        %add3A_185 = arith.addi %add3A_97, %add3A_184 : i32
        %dma_start3A_186 = arith.constant 0 : i32
        %dma_start3A_187 = arith.constant 0 : i32
        %dma_start3A_188 = arith.constant 0 : i32
        %dma_start3A_189 = tpu.memref_slice %arg13[%dma_start3A_186, %dma_start3A_187, %dma_start3A_188] : memref<2x128x16xf32, #tpu.memory_space<vmem>> -> memref<1x128x16xf32, #tpu.memory_space<vmem>>
        %dma_start3A_190 = tpu.memref_squeeze %dma_start3A_189 : memref<1x128x16xf32, #tpu.memory_space<vmem>> -> memref<128x16xf32, #tpu.memory_space<vmem>>
        %dma_start3A_191 = arith.constant 0 : i32
        %dma_start3A_192 = tpu.memref_slice %arg9[%add3A_185, %dma_start3A_191] : memref<82x128xi32, #tpu.memory_space<vmem>> -> memref<1x128xi32, #tpu.memory_space<vmem>>
        %dma_start3A_193 = tpu.memref_squeeze %dma_start3A_192 : memref<1x128xi32, #tpu.memory_space<vmem>> -> memref<128xi32, #tpu.memory_space<vmem>>
        %dma_start3A_194 = arith.constant 0 : i32
        %dma_start3A_195 = arith.constant 0 : i32
        %dma_start3A_196 = tpu.memref_slice %arg6[%dma_start3A_194, %dma_start3A_195] : memref<10240x16xf32, #tpu.memory_space<hbm>> -> memref<10240x16xf32, #tpu.memory_space<hbm>>
        tpu.enqueue_indirect_dma source(%dma_start3A_196 : memref<10240x16xf32, #tpu.memory_space<hbm>>) target(%dma_start3A_190 : memref<128x16xf32, #tpu.memory_space<vmem>>) offsets(%dma_start3A_193 : memref<128xi32, #tpu.memory_space<vmem>>) semaphore(%arg18 : memref<!tpu.dma_semaphore, #tpu.memory_space<semaphore_mem>>)
      } else {
      }
      %mul3A_136 = arith.constant 2 : i32
      %mul3A_137 = arith.muli %mul3A_136, %scan3A_92 : i32
      %add3A_138 = arith.constant 1 : i32
      %add3A_139 = arith.addi %mul3A_137, %add3A_138 : i32
      %parallel_loop3A_140 = arith.constant 0 : i32
      %parallel_loop3A_141 = arith.constant 8 : i32
      %parallel_loop3A_142 = arith.constant 1 : i32
      scf.for %parallel_loop3A_184 = %parallel_loop3A_140 to %parallel_loop3A_141 step %parallel_loop3A_142  : i32 {
        %parallel_loop3A_185 = arith.constant 16 : i32
        %parallel_loop3A_186 = arith.muli %parallel_loop3A_184, %parallel_loop3A_185 : i32
        %parallel_loop3A_187 = arith.index_cast %add3A_139 : i32 to index
        %parallel_loop3A_188 = arith.index_cast %parallel_loop3A_186 : i32 to index
        %parallel_loop3A_189 = tpu.vector_load %arg9[%parallel_loop3A_187, %parallel_loop3A_188] {strides = array<i32>} : memref<82x128xi32, #tpu.memory_space<vmem>>, vector<16xi32>,
        %parallel_loop3A_190 = arith.constant 16 : i32
        %parallel_loop3A_191 = arith.muli %parallel_loop3A_184, %parallel_loop3A_190 : i32
        %parallel_loop3A_192 = arith.index_cast %add3A_139 : i32 to index
        %parallel_loop3A_193 = arith.index_cast %parallel_loop3A_191 : i32 to index
        %parallel_loop3A_194 = tpu.vector_load %arg10[%parallel_loop3A_192, %parallel_loop3A_193] {strides = array<i32>} : memref<82x128xi32, #tpu.memory_space<vmem>>, vector<16xi32>,
        %parallel_loop3A_195 = tpu.vector_load_idx %arg11[%parallel_loop3A_189] : memref<10240xf32, #tpu.memory_space<vmem>>[vector<16xi32>], vector<16xf32>,
        %parallel_loop3A_196 = tpu.vector_load_idx %arg12[%parallel_loop3A_194] : memref<10240xf32, #tpu.memory_space<vmem>>[vector<16xi32>], vector<16xf32>,
        %parallel_loop3A_197 = arith.addf %parallel_loop3A_195, %parallel_loop3A_196 : vector<16xf32>
        %parallel_loop3A_198 = arith.constant 0.000000e+00 : f32
        %parallel_loop3A_199 = vector.broadcast %parallel_loop3A_198 : f32 to vector<16xf32>
        %parallel_loop3A_200 = arith.cmpf oge, %parallel_loop3A_197, %parallel_loop3A_199 : vector<16xf32>
        %parallel_loop3A_201 = arith.constant 2.000000e-01 : f32
        %parallel_loop3A_202 = vector.broadcast %parallel_loop3A_201 : f32 to vector<16xf32>
        %parallel_loop3A_203 = arith.mulf %parallel_loop3A_197, %parallel_loop3A_202 : vector<16xf32>
        %parallel_loop3A_204 = arith.select %parallel_loop3A_200, %parallel_loop3A_197, %parallel_loop3A_203 : vector<16xi1>, vector<16xf32>
        %parallel_loop3A_205 = vector.broadcast %squeeze3A : f32 to vector<16xf32>
        %parallel_loop3A_206 = arith.subf %parallel_loop3A_204, %parallel_loop3A_205 : vector<16xf32>
        %parallel_loop3A_207 = math.exp %parallel_loop3A_206 : vector<16xf32>
        %parallel_loop3A_208 = arith.constant 16 : i32
        %parallel_loop3A_209 = arith.muli %parallel_loop3A_184, %parallel_loop3A_208 : i32
        %parallel_loop3A_210 = arith.constant 128 : i32
        %parallel_loop3A_211 = arith.addi %parallel_loop3A_210, %parallel_loop3A_209 : i32
        %parallel_loop3A_212 = arith.index_cast %parallel_loop3A_211 : i32 to index
        %parallel_loop3A_213 = tpu.vector_load %arg14[%parallel_loop3A_212] {strides = array<i32>} : memref<256xf32, #tpu.memory_space<vmem>>, vector<16xf32>,
        tpu.vector_store %arg14[%parallel_loop3A_212], %parallel_loop3A_207 {strides = array<i32>} : memref<256xf32, #tpu.memory_space<vmem>>, vector<16xf32>,
      } {sc.loop_unroll_factor = 2 : i64, sc.parallel_access}
      %dma_wait3A_143 = arith.constant 1 : i32
      %dma_wait3A_144 = arith.constant 0 : i32
      %dma_wait3A_145 = arith.constant 0 : i32
      %dma_wait3A_146 = tpu.memref_slice %arg13[%dma_wait3A_143, %dma_wait3A_144, %dma_wait3A_145] : memref<2x128x16xf32, #tpu.memory_space<vmem>> -> memref<1x128x16xf32, #tpu.memory_space<vmem>>
      %dma_wait3A_147 = tpu.memref_squeeze %dma_wait3A_146 : memref<1x128x16xf32, #tpu.memory_space<vmem>> -> memref<128x16xf32, #tpu.memory_space<vmem>>
      %dma_wait3A_148 = arith.constant 0 : i32
      %dma_wait3A_149 = tpu.memref_slice %arg9[%add3A_139, %dma_wait3A_148] : memref<82x128xi32, #tpu.memory_space<vmem>> -> memref<1x128xi32, #tpu.memory_space<vmem>>
      %dma_wait3A_150 = tpu.memref_squeeze %dma_wait3A_149 : memref<1x128xi32, #tpu.memory_space<vmem>> -> memref<128xi32, #tpu.memory_space<vmem>>
      %dma_wait3A_151 = arith.constant 0 : i32
      %dma_wait3A_152 = arith.constant 0 : i32
      %dma_wait3A_153 = tpu.memref_slice %arg6[%dma_wait3A_151, %dma_wait3A_152] : memref<10240x16xf32, #tpu.memory_space<hbm>> -> memref<10240x16xf32, #tpu.memory_space<hbm>>
      tpu.wait_indirect_dma semaphore(%arg19 : memref<!tpu.dma_semaphore, #tpu.memory_space<semaphore_mem>>) src(%dma_wait3A_153 : memref<10240x16xf32, #tpu.memory_space<hbm>>) dst(%dma_wait3A_147 : memref<128x16xf32, #tpu.memory_space<vmem>>)
      %ge3A_154 = arith.constant 2 : i32
      %ge3A_155 = arith.cmpi sge, %add3A_139, %ge3A_154 : i32
      %convert_element_type3A_156 = arith.extui %ge3A_155 : i1 to i32
      %cond3A_157 = arith.constant 1 : i32
      %cond3A_158 = arith.constant 0 : i32
      %cond3A_159 = arith.cmpi ne, %convert_element_type3A_156, %cond3A_158 : i32
      scf.if %cond3A_159 {
        %dma_wait3A_184 = arith.constant 0 : i32
        %dma_wait3A_185 = arith.constant 0 : i32
        %dma_wait3A_186 = tpu.memref_slice %arg15[%cond3A_157, %dma_wait3A_184, %dma_wait3A_185] : memref<2x128x32xf32, #tpu.memory_space<vmem>> -> memref<1x128x32xf32, #tpu.memory_space<vmem>>
        %dma_wait3A_187 = tpu.memref_squeeze %dma_wait3A_186 : memref<1x128x32xf32, #tpu.memory_space<vmem>> -> memref<128x32xf32, #tpu.memory_space<vmem>>
        %dma_wait3A_188 = arith.constant 0 : i32
        %dma_wait3A_189 = tpu.memref_slice %arg10[%add3A_139, %dma_wait3A_188] : memref<82x128xi32, #tpu.memory_space<vmem>> -> memref<1x128xi32, #tpu.memory_space<vmem>>
        %dma_wait3A_190 = tpu.memref_squeeze %dma_wait3A_189 : memref<1x128xi32, #tpu.memory_space<vmem>> -> memref<128xi32, #tpu.memory_space<vmem>>
        %dma_wait3A_191 = arith.constant 0 : i32
        %dma_wait3A_192 = arith.constant 0 : i32
        %dma_wait3A_193 = tpu.memref_slice %arg17[%dma_wait3A_191, %dma_wait3A_192] : memref<10240x32xf32, #tpu.memory_space<vmem_shared>> -> memref<10240x32xf32, #tpu.memory_space<vmem_shared>>
        tpu.wait_indirect_dma semaphore(%arg21 : memref<!tpu.dma_semaphore, #tpu.memory_space<semaphore_mem>>) src(%dma_wait3A_187 : memref<128x32xf32, #tpu.memory_space<vmem>>) dst(%dma_wait3A_193 : memref<10240x32xf32, #tpu.memory_space<vmem_shared>>)
      } else {
      }
      %parallel_loop3A_160 = arith.constant 0 : i32
      %parallel_loop3A_161 = arith.constant 128 : i32
      %parallel_loop3A_162 = arith.constant 1 : i32
      %parallel_loop3A_163 = arith.constant 1 : i32
      %parallel_loop3A_164 = arith.constant 1 : i32
      scf.for %parallel_loop3A_184 = %parallel_loop3A_160 to %parallel_loop3A_161 step %parallel_loop3A_162  : i32 {
        %parallel_loop3A_185 = arith.constant 128 : i32
        %parallel_loop3A_186 = arith.addi %parallel_loop3A_185, %parallel_loop3A_184 : i32
        %parallel_loop3A_187 = vector.broadcast %parallel_loop3A_186 : i32 to vector<16xi32>
        %parallel_loop3A_188 = tpu.vector_load_idx %arg14[%parallel_loop3A_187] : memref<256xf32, #tpu.memory_space<vmem>>[vector<16xi32>], vector<16xf32>,
        %parallel_loop3A_189 = arith.constant 0 : i32
        %parallel_loop3A_190 = arith.constant 0 : i32
        %parallel_loop3A_191 = tpu.memref_slice %arg13[%parallel_loop3A_163, %parallel_loop3A_189, %parallel_loop3A_190] : memref<2x128x16xf32, #tpu.memory_space<vmem>> -> memref<1x128x16xf32, #tpu.memory_space<vmem>>
        %parallel_loop3A_192 = tpu.memref_squeeze %parallel_loop3A_191 : memref<1x128x16xf32, #tpu.memory_space<vmem>> -> memref<128x16xf32, #tpu.memory_space<vmem>>
        %parallel_loop3A_193 = arith.index_cast %parallel_loop3A_184 : i32 to index
        %parallel_loop3A_194 = arith.constant 0 : index
        %parallel_loop3A_195 = tpu.vector_load %parallel_loop3A_192[%parallel_loop3A_193, %parallel_loop3A_194] {strides = array<i32>} : memref<128x16xf32, #tpu.memory_space<vmem>>, vector<16xf32>,
        %parallel_loop3A_196 = arith.mulf %parallel_loop3A_188, %parallel_loop3A_195 : vector<16xf32>
        %parallel_loop3A_197 = arith.constant 0 : i32
        %parallel_loop3A_198 = arith.constant 0 : i32
        %parallel_loop3A_199 = tpu.memref_slice %arg15[%parallel_loop3A_164, %parallel_loop3A_197, %parallel_loop3A_198] : memref<2x128x32xf32, #tpu.memory_space<vmem>> -> memref<1x128x32xf32, #tpu.memory_space<vmem>>
        %parallel_loop3A_200 = tpu.memref_squeeze %parallel_loop3A_199 : memref<1x128x32xf32, #tpu.memory_space<vmem>> -> memref<128x32xf32, #tpu.memory_space<vmem>>
        %parallel_loop3A_201 = arith.index_cast %parallel_loop3A_184 : i32 to index
        %parallel_loop3A_202 = arith.constant 0 : index
        %parallel_loop3A_203 = tpu.vector_load %parallel_loop3A_200[%parallel_loop3A_201, %parallel_loop3A_202] {strides = array<i32>} : memref<128x32xf32, #tpu.memory_space<vmem>>, vector<16xf32>,
        tpu.vector_store %parallel_loop3A_200[%parallel_loop3A_201, %parallel_loop3A_202], %parallel_loop3A_196 {strides = array<i32>} : memref<128x32xf32, #tpu.memory_space<vmem>>, vector<16xf32>,
        %parallel_loop3A_204 = arith.constant 0 : i32
        %parallel_loop3A_205 = arith.constant 0 : i32
        %parallel_loop3A_206 = tpu.memref_slice %arg15[%parallel_loop3A_164, %parallel_loop3A_204, %parallel_loop3A_205] : memref<2x128x32xf32, #tpu.memory_space<vmem>> -> memref<1x128x32xf32, #tpu.memory_space<vmem>>
        %parallel_loop3A_207 = tpu.memref_squeeze %parallel_loop3A_206 : memref<1x128x32xf32, #tpu.memory_space<vmem>> -> memref<128x32xf32, #tpu.memory_space<vmem>>
        %parallel_loop3A_208 = arith.index_cast %parallel_loop3A_184 : i32 to index
        %parallel_loop3A_209 = arith.constant 16 : index
        %parallel_loop3A_210 = tpu.vector_load %parallel_loop3A_207[%parallel_loop3A_208, %parallel_loop3A_209] {strides = array<i32>} : memref<128x32xf32, #tpu.memory_space<vmem>>, vector<16xf32>,
        tpu.vector_store %parallel_loop3A_207[%parallel_loop3A_208, %parallel_loop3A_209], %parallel_loop3A_188 {strides = array<i32>} : memref<128x32xf32, #tpu.memory_space<vmem>>, vector<16xf32>,
      } {sc.loop_unroll_factor = 4 : i64, sc.parallel_access}
      %dma_start3A_165 = arith.constant 1 : i32
      %dma_start3A_166 = arith.constant 0 : i32
      %dma_start3A_167 = arith.constant 0 : i32
      %dma_start3A_168 = tpu.memref_slice %arg15[%dma_start3A_165, %dma_start3A_166, %dma_start3A_167] : memref<2x128x32xf32, #tpu.memory_space<vmem>> -> memref<1x128x32xf32, #tpu.memory_space<vmem>>
      %dma_start3A_169 = tpu.memref_squeeze %dma_start3A_168 : memref<1x128x32xf32, #tpu.memory_space<vmem>> -> memref<128x32xf32, #tpu.memory_space<vmem>>
      %dma_start3A_170 = arith.constant 0 : i32
      %dma_start3A_171 = tpu.memref_slice %arg10[%add3A_139, %dma_start3A_170] : memref<82x128xi32, #tpu.memory_space<vmem>> -> memref<1x128xi32, #tpu.memory_space<vmem>>
      %dma_start3A_172 = tpu.memref_squeeze %dma_start3A_171 : memref<1x128xi32, #tpu.memory_space<vmem>> -> memref<128xi32, #tpu.memory_space<vmem>>
      %dma_start3A_173 = arith.constant 0 : i32
      %dma_start3A_174 = arith.constant 0 : i32
      %dma_start3A_175 = tpu.memref_slice %arg17[%dma_start3A_173, %dma_start3A_174] : memref<10240x32xf32, #tpu.memory_space<vmem_shared>> -> memref<10240x32xf32, #tpu.memory_space<vmem_shared>>
      tpu.enqueue_indirect_dma source(%dma_start3A_169 : memref<128x32xf32, #tpu.memory_space<vmem>>) target(%dma_start3A_175 : memref<10240x32xf32, #tpu.memory_space<vmem_shared>>) offsets(%dma_start3A_172 : memref<128xi32, #tpu.memory_space<vmem>>) semaphore(%arg21 : memref<!tpu.dma_semaphore, #tpu.memory_space<semaphore_mem>>) {add = true}
      %add3A_176 = arith.constant 2 : i32
      %add3A_177 = arith.addi %add3A_139, %add3A_176 : i32
      %lt3A_178 = arith.constant 82 : i32
      %lt3A_179 = arith.cmpi slt, %add3A_177, %lt3A_178 : i32
      %convert_element_type3A_180 = arith.extui %lt3A_179 : i1 to i32
      %cond3A_181 = arith.constant 0 : i32
      %cond3A_182 = arith.cmpi ne, %convert_element_type3A_180, %cond3A_181 : i32
      scf.if %cond3A_182 {
        %add3A_184 = arith.constant 2 : i32
        %add3A_185 = arith.addi %add3A_139, %add3A_184 : i32
        %dma_start3A_186 = arith.constant 1 : i32
        %dma_start3A_187 = arith.constant 0 : i32
        %dma_start3A_188 = arith.constant 0 : i32
        %dma_start3A_189 = tpu.memref_slice %arg13[%dma_start3A_186, %dma_start3A_187, %dma_start3A_188] : memref<2x128x16xf32, #tpu.memory_space<vmem>> -> memref<1x128x16xf32, #tpu.memory_space<vmem>>
        %dma_start3A_190 = tpu.memref_squeeze %dma_start3A_189 : memref<1x128x16xf32, #tpu.memory_space<vmem>> -> memref<128x16xf32, #tpu.memory_space<vmem>>
        %dma_start3A_191 = arith.constant 0 : i32
        %dma_start3A_192 = tpu.memref_slice %arg9[%add3A_185, %dma_start3A_191] : memref<82x128xi32, #tpu.memory_space<vmem>> -> memref<1x128xi32, #tpu.memory_space<vmem>>
        %dma_start3A_193 = tpu.memref_squeeze %dma_start3A_192 : memref<1x128xi32, #tpu.memory_space<vmem>> -> memref<128xi32, #tpu.memory_space<vmem>>
        %dma_start3A_194 = arith.constant 0 : i32
        %dma_start3A_195 = arith.constant 0 : i32
        %dma_start3A_196 = tpu.memref_slice %arg6[%dma_start3A_194, %dma_start3A_195] : memref<10240x16xf32, #tpu.memory_space<hbm>> -> memref<10240x16xf32, #tpu.memory_space<hbm>>
        tpu.enqueue_indirect_dma source(%dma_start3A_196 : memref<10240x16xf32, #tpu.memory_space<hbm>>) target(%dma_start3A_190 : memref<128x16xf32, #tpu.memory_space<vmem>>) offsets(%dma_start3A_193 : memref<128xi32, #tpu.memory_space<vmem>>) semaphore(%arg19 : memref<!tpu.dma_semaphore, #tpu.memory_space<semaphore_mem>>)
      } else {
      }
      %scan3A_183 = arith.constant 0 : i32
      scf.yield %scan3A_183 : i32
    }
    %scan3A_63 = arith.constant 41 : i32
    %dma_wait3A = arith.constant 0 : i32
    %dma_wait3A_64 = arith.constant 80 : i32
    %dma_wait3A_65 = arith.constant 0 : i32
    %dma_wait3A_66 = arith.constant 0 : i32
    %dma_wait3A_67 = tpu.memref_slice %arg15[%dma_wait3A, %dma_wait3A_65, %dma_wait3A_66] : memref<2x128x32xf32, #tpu.memory_space<vmem>> -> memref<1x128x32xf32, #tpu.memory_space<vmem>>
    %dma_wait3A_68 = tpu.memref_squeeze %dma_wait3A_67 : memref<1x128x32xf32, #tpu.memory_space<vmem>> -> memref<128x32xf32, #tpu.memory_space<vmem>>
    %dma_wait3A_69 = arith.constant 0 : i32
    %dma_wait3A_70 = tpu.memref_slice %arg10[%dma_wait3A_64, %dma_wait3A_69] : memref<82x128xi32, #tpu.memory_space<vmem>> -> memref<1x128xi32, #tpu.memory_space<vmem>>
    %dma_wait3A_71 = tpu.memref_squeeze %dma_wait3A_70 : memref<1x128xi32, #tpu.memory_space<vmem>> -> memref<128xi32, #tpu.memory_space<vmem>>
    %dma_wait3A_72 = arith.constant 0 : i32
    %dma_wait3A_73 = arith.constant 0 : i32
    %dma_wait3A_74 = tpu.memref_slice %arg17[%dma_wait3A_72, %dma_wait3A_73] : memref<10240x32xf32, #tpu.memory_space<vmem_shared>> -> memref<10240x32xf32, #tpu.memory_space<vmem_shared>>
    tpu.wait_indirect_dma semaphore(%arg20 : memref<!tpu.dma_semaphore, #tpu.memory_space<semaphore_mem>>) src(%dma_wait3A_68 : memref<128x32xf32, #tpu.memory_space<vmem>>) dst(%dma_wait3A_74 : memref<10240x32xf32, #tpu.memory_space<vmem_shared>>)
    %dma_wait3A_75 = arith.constant 1 : i32
    %dma_wait3A_76 = arith.constant 81 : i32
    %dma_wait3A_77 = arith.constant 0 : i32
    %dma_wait3A_78 = arith.constant 0 : i32
    %dma_wait3A_79 = tpu.memref_slice %arg15[%dma_wait3A_75, %dma_wait3A_77, %dma_wait3A_78] : memref<2x128x32xf32, #tpu.memory_space<vmem>> -> memref<1x128x32xf32, #tpu.memory_space<vmem>>
    %dma_wait3A_80 = tpu.memref_squeeze %dma_wait3A_79 : memref<1x128x32xf32, #tpu.memory_space<vmem>> -> memref<128x32xf32, #tpu.memory_space<vmem>>
    %dma_wait3A_81 = arith.constant 0 : i32
    %dma_wait3A_82 = tpu.memref_slice %arg10[%dma_wait3A_76, %dma_wait3A_81] : memref<82x128xi32, #tpu.memory_space<vmem>> -> memref<1x128xi32, #tpu.memory_space<vmem>>
    %dma_wait3A_83 = tpu.memref_squeeze %dma_wait3A_82 : memref<1x128xi32, #tpu.memory_space<vmem>> -> memref<128xi32, #tpu.memory_space<vmem>>
    %dma_wait3A_84 = arith.constant 0 : i32
    %dma_wait3A_85 = arith.constant 0 : i32
    %dma_wait3A_86 = tpu.memref_slice %arg17[%dma_wait3A_84, %dma_wait3A_85] : memref<10240x32xf32, #tpu.memory_space<vmem_shared>> -> memref<10240x32xf32, #tpu.memory_space<vmem_shared>>
    tpu.wait_indirect_dma semaphore(%arg21 : memref<!tpu.dma_semaphore, #tpu.memory_space<semaphore_mem>>) src(%dma_wait3A_80 : memref<128x32xf32, #tpu.memory_space<vmem>>) dst(%dma_wait3A_86 : memref<10240x32xf32, #tpu.memory_space<vmem_shared>>)
    %barrier3A_87 = arith.constant 0 : index
    tpu.barrier barrier_id(%barrier3A_87)
    %mul3A_88 = arith.constant 640 : i32
    %mul3A_89 = arith.muli %arg1, %mul3A_88 : i32
    %mul3A_90 = arith.constant 640 : i32
    %mul3A_91 = arith.muli %arg1, %mul3A_90 : i32
    "tpu.region"() ({
      %run_scoped3A_92 = tpu.sem_alloc : memref<!tpu.dma_semaphore, #tpu.memory_space<semaphore_mem>>
      %dma_start3A_93 = arith.constant 0 : i32
      %dma_start3A_94 = tpu.memref_slice %arg8[%arg0, %mul3A_91, %dma_start3A_93] : memref<2x10240x32xf32, #tpu.memory_space<hbm>> -> memref<1x640x32xf32, #tpu.memory_space<hbm>>
      %dma_start3A_95 = tpu.memref_squeeze %dma_start3A_94 : memref<1x640x32xf32, #tpu.memory_space<hbm>> -> memref<640x32xf32, #tpu.memory_space<hbm>>
      %dma_start3A_96 = arith.constant 0 : i32
      %dma_start3A_97 = tpu.memref_slice %arg17[%mul3A_89, %dma_start3A_96] : memref<10240x32xf32, #tpu.memory_space<vmem_shared>> -> memref<640x32xf32, #tpu.memory_space<vmem_shared>>
      tpu.enqueue_dma source(%dma_start3A_97 : memref<640x32xf32, #tpu.memory_space<vmem_shared>>) target(%dma_start3A_95 : memref<640x32xf32, #tpu.memory_space<hbm>>) target_semaphore(%run_scoped3A_92 : memref<!tpu.dma_semaphore, #tpu.memory_space<semaphore_mem>>)
      %dma_wait3A_98 = arith.constant 0 : i32
      %dma_wait3A_99 = tpu.memref_slice %arg8[%arg0, %mul3A_91, %dma_wait3A_98] : memref<2x10240x32xf32, #tpu.memory_space<hbm>> -> memref<1x640x32xf32, #tpu.memory_space<hbm>>
      %dma_wait3A_100 = tpu.memref_squeeze %dma_wait3A_99 : memref<1x640x32xf32, #tpu.memory_space<hbm>> -> memref<640x32xf32, #tpu.memory_space<hbm>>
      %dma_wait3A_101 = arith.constant 0 : i32
      %dma_wait3A_102 = tpu.memref_slice %arg17[%mul3A_89, %dma_wait3A_101] : memref<10240x32xf32, #tpu.memory_space<vmem_shared>> -> memref<640x32xf32, #tpu.memory_space<vmem_shared>>
      tpu.wait_dma2 semaphore(%run_scoped3A_92 : memref<!tpu.dma_semaphore, #tpu.memory_space<semaphore_mem>>) src(%dma_wait3A_102 : memref<640x32xf32, #tpu.memory_space<vmem_shared>>) dst(%dma_wait3A_100 : memref<640x32xf32, #tpu.memory_space<hbm>>)
      tpu.yield
    }) : () -> ()
    return
  }
}

module attributes {stable_mosaic.version = 14 : i64} {
  func.func @_tc1_body(%arg0: memref<10240x128xf32, #tpu.memory_space<vmem>>, %arg1: memref<128x64xf32, #tpu.memory_space<vmem>>, %arg2: memref<64x16xf32, #tpu.memory_space<vmem>>, %arg3: memref<64x16xf32, #tpu.memory_space<vmem>>, %arg4: memref<64x64xf32, #tpu.memory_space<vmem>>, %arg5: memref<10240x64xbf16, #tpu.memory_space<vmem>>, %arg6: memref<10240x16xf32, #tpu.memory_space<vmem>>, %arg7: memref<10240x16xf32, #tpu.memory_space<vmem>>, %arg8: memref<8x16xf32, #tpu.memory_space<vmem>>) attributes {dimension_semantics = [], scalar_prefetch = 0 : i64, scratch_operands = 0 : i64, tpu.core_type = #tpu.core_type<tc>} {
    %get3A = arith.constant 0 : index
    %get3A_0 = arith.constant 0 : index
    %get3A_1 = vector.load %arg0[%get3A, %get3A_0] : memref<10240x128xf32, #tpu.memory_space<vmem>>, vector<10240x128xf32>
    %get3A_2 = arith.constant 0 : index
    %get3A_3 = arith.constant 0 : index
    %get3A_4 = vector.load %arg1[%get3A_2, %get3A_3] : memref<128x64xf32, #tpu.memory_space<vmem>>, vector<128x64xf32>
    %dot_general3A = arith.constant dense<0.000000e+00> : vector<10240x64xf32>
    %dot_general3A_5 = tpu.matmul %get3A_1, %get3A_4, %dot_general3A {dimension_numbers = #tpu.dot_dimension_numbers<[1], [0], [0], [1], [0, 0, 1, 1], [], []>, transpose_lhs_hint = false} : vector<10240x128xf32>, vector<128x64xf32>, vector<10240x64xf32> -> vector<10240x64xf32>
    %get3A_6 = arith.constant 0 : index
    %get3A_7 = arith.constant 0 : index
    %get3A_8 = vector.load %arg2[%get3A_6, %get3A_7] : memref<64x16xf32, #tpu.memory_space<vmem>>, vector<64x16xf32>
    %dot_general3A_9 = arith.constant dense<0.000000e+00> : vector<10240x16xf32>
    %dot_general3A_10 = tpu.matmul %dot_general3A_5, %get3A_8, %dot_general3A_9 {dimension_numbers = #tpu.dot_dimension_numbers<[1], [0], [0], [1], [0, 0, 1, 1], [], []>, transpose_lhs_hint = false} : vector<10240x64xf32>, vector<64x16xf32>, vector<10240x16xf32> -> vector<10240x16xf32>
    %get3A_11 = arith.constant 0 : index
    %get3A_12 = arith.constant 0 : index
    %get3A_13 = vector.load %arg3[%get3A_11, %get3A_12] : memref<64x16xf32, #tpu.memory_space<vmem>>, vector<64x16xf32>
    %dot_general3A_14 = arith.constant dense<0.000000e+00> : vector<10240x16xf32>
    %dot_general3A_15 = tpu.matmul %dot_general3A_5, %get3A_13, %dot_general3A_14 {dimension_numbers = #tpu.dot_dimension_numbers<[1], [0], [0], [1], [0, 0, 1, 1], [], []>, transpose_lhs_hint = false} : vector<10240x64xf32>, vector<64x16xf32>, vector<10240x16xf32> -> vector<10240x16xf32>
    %get3A_16 = arith.constant 0 : index
    %get3A_17 = arith.constant 0 : index
    %get3A_18 = vector.load %arg4[%get3A_16, %get3A_17] : memref<64x64xf32, #tpu.memory_space<vmem>>, vector<64x64xf32>
    %dot_general3A_19 = arith.constant dense<0.000000e+00> : vector<10240x64xf32>
    %dot_general3A_20 = tpu.matmul %dot_general3A_5, %get3A_18, %dot_general3A_19 {dimension_numbers = #tpu.dot_dimension_numbers<[1], [0], [0], [1], [0, 0, 1, 1], [], []>, transpose_lhs_hint = false} : vector<10240x64xf32>, vector<64x64xf32>, vector<10240x64xf32> -> vector<10240x64xf32>
    %convert_element_type3A = arith.truncf %dot_general3A_20 : vector<10240x64xf32> to vector<10240x64xbf16>
    %swap3A = arith.constant 0 : index
    %swap3A_21 = arith.constant 0 : index
    %swap3A_22 = vector.load %arg5[%swap3A, %swap3A_21] : memref<10240x64xbf16, #tpu.memory_space<vmem>>, vector<10240x64xbf16>
    tpu.vector_store %arg5[%swap3A, %swap3A_21], %convert_element_type3A {strides = array<i32>} : memref<10240x64xbf16, #tpu.memory_space<vmem>>, vector<10240x64xbf16>,
    %swap3A_23 = arith.constant 0 : index
    %swap3A_24 = arith.constant 0 : index
    %swap3A_25 = vector.load %arg6[%swap3A_23, %swap3A_24] : memref<10240x16xf32, #tpu.memory_space<vmem>>, vector<10240x16xf32>
    tpu.vector_store %arg6[%swap3A_23, %swap3A_24], %dot_general3A_10 {strides = array<i32>} : memref<10240x16xf32, #tpu.memory_space<vmem>>, vector<10240x16xf32>,
    %swap3A_26 = arith.constant 0 : index
    %swap3A_27 = arith.constant 0 : index
    %swap3A_28 = vector.load %arg7[%swap3A_26, %swap3A_27] : memref<10240x16xf32, #tpu.memory_space<vmem>>, vector<10240x16xf32>
    tpu.vector_store %arg7[%swap3A_26, %swap3A_27], %dot_general3A_15 {strides = array<i32>} : memref<10240x16xf32, #tpu.memory_space<vmem>>, vector<10240x16xf32>,
    %reduce_max3A = arith.constant dense<0xFF800000> : vector<16xf32>
    %reduce_max3A_29 = vector.multi_reduction <maximumf>, %dot_general3A_10, %reduce_max3A [0] : vector<10240x16xf32> to vector<16xf32>
    %broadcast_in_dim3A = vector.shape_cast %reduce_max3A_29 : vector<16xf32> to vector<1x16xf32>
    %reduce_max3A_30 = arith.constant dense<0xFF800000> : vector<16xf32>
    %reduce_max3A_31 = vector.multi_reduction <maximumf>, %dot_general3A_15, %reduce_max3A_30 [0] : vector<10240x16xf32> to vector<16xf32>
    %broadcast_in_dim3A_32 = vector.shape_cast %reduce_max3A_31 : vector<16xf32> to vector<1x16xf32>
    %add3A = arith.addf %broadcast_in_dim3A, %broadcast_in_dim3A_32 : vector<1x16xf32>
    %ge3A = arith.constant 0.000000e+00 : f32
    %ge3A_33 = vector.broadcast %ge3A : f32 to vector<1x16xf32>
    %ge3A_34 = arith.cmpf oge, %add3A, %ge3A_33 : vector<1x16xf32>
    %mul3A = arith.constant 2.000000e-01 : f32
    %mul3A_35 = vector.broadcast %mul3A : f32 to vector<1x16xf32>
    %mul3A_36 = arith.mulf %add3A, %mul3A_35 : vector<1x16xf32>
    %select_n3A = arith.select %ge3A_34, %add3A, %mul3A_36 : vector<1x16xi1>, vector<1x16xf32>
    %broadcast_in_dim3A_37 = vector.shape_cast %select_n3A : vector<1x16xf32> to vector<1x16xf32>
    %broadcast_in_dim3A_38 = vector.broadcast %broadcast_in_dim3A_37 : vector<1x16xf32> to vector<8x16xf32>
    %swap3A_39 = arith.constant 0 : index
    %swap3A_40 = arith.constant 0 : index
    %swap3A_41 = vector.load %arg8[%swap3A_39, %swap3A_40] : memref<8x16xf32, #tpu.memory_space<vmem>>, vector<8x16xf32>
    tpu.vector_store %arg8[%swap3A_39, %swap3A_40], %broadcast_in_dim3A_38 {strides = array<i32>} : memref<8x16xf32, #tpu.memory_space<vmem>>, vector<8x16xf32>,
    return
  }
}

module attributes {stable_mosaic.version = 14 : i64} {
  func.func @_tc2_body(%arg0: memref<2x10240x80xf32, #tpu.memory_space<vmem>>, %arg1: memref<64xf32, #tpu.memory_space<vmem>>, %arg2: memref<64xf32, #tpu.memory_space<vmem>>, %arg3: memref<64xf32, #tpu.memory_space<vmem>>, %arg4: memref<64x16xf32, #tpu.memory_space<vmem>>, %arg5: memref<16x8xf32, #tpu.memory_space<vmem>>, %arg6: memref<8x64xf32, #tpu.memory_space<vmem>>, %arg7: memref<64x64xf32, #tpu.memory_space<vmem>>, %arg8: memref<10240x16xf32, #tpu.memory_space<vmem>>, %arg9: memref<10240x8xf32, #tpu.memory_space<vmem>>, %arg10: memref<8x16xf32, #tpu.memory_space<vmem>>) attributes {dimension_semantics = [], scalar_prefetch = 0 : i64, scratch_operands = 0 : i64, tpu.core_type = #tpu.core_type<tc>} {
    %get3A = arith.constant 0 : index
    %get3A_0 = arith.constant 0 : index
    %get3A_1 = arith.constant 0 : index
    %get3A_2 = vector.load %arg0[%get3A, %get3A_0, %get3A_1] : memref<2x10240x80xf32, #tpu.memory_space<vmem>>, vector<1x10240x80xf32>
    %get3A_3 = vector.shape_cast %get3A_2 : vector<1x10240x80xf32> to vector<10240x80xf32>
    %get3A_4 = arith.constant 1 : index
    %get3A_5 = arith.constant 0 : index
    %get3A_6 = arith.constant 0 : index
    %get3A_7 = vector.load %arg0[%get3A_4, %get3A_5, %get3A_6] : memref<2x10240x80xf32, #tpu.memory_space<vmem>>, vector<1x10240x80xf32>
    %get3A_8 = vector.shape_cast %get3A_7 : vector<1x10240x80xf32> to vector<10240x80xf32>
    %add3A = arith.addf %get3A_3, %get3A_8 : vector<10240x80xf32>
    %slice3A = vector.extract_strided_slice %add3A {offsets = [0, 0], sizes = [10240, 64], strides = [1, 1]} : vector<10240x80xf32> to vector<10240x64xf32>
    %slice3A_9 = vector.extract_strided_slice %add3A {offsets = [0, 64], sizes = [10240, 8], strides = [1, 1]} : vector<10240x80xf32> to vector<10240x8xf32>
    %add3A_10 = arith.constant 1.000000e-16 : f32
    %add3A_11 = vector.broadcast %add3A_10 : f32 to vector<10240x8xf32>
    %add3A_12 = arith.addf %slice3A_9, %add3A_11 : vector<10240x8xf32>
    %div3A = arith.constant 1.000000e+00 : f32
    %div3A_13 = vector.broadcast %div3A : f32 to vector<10240x8xf32>
    %div3A_14 = arith.divf %div3A_13, %add3A_12 : vector<10240x8xf32>
    %get3A_15 = arith.constant 0 : index
    %get3A_16 = arith.constant 0 : index
    %get3A_17 = vector.load %arg6[%get3A_15, %get3A_16] : memref<8x64xf32, #tpu.memory_space<vmem>>, vector<8x64xf32>
    %dot_general3A = arith.constant dense<0.000000e+00> : vector<10240x64xf32>
    %dot_general3A_18 = tpu.matmul %div3A_14, %get3A_17, %dot_general3A {dimension_numbers = #tpu.dot_dimension_numbers<[1], [0], [0], [1], [0, 0, 1, 1], [], []>, transpose_lhs_hint = false} : vector<10240x8xf32>, vector<8x64xf32>, vector<10240x64xf32> -> vector<10240x64xf32>
    %mul3A = arith.mulf %slice3A, %dot_general3A_18 : vector<10240x64xf32>
    %get3A_19 = arith.constant 0 : index
    %get3A_20 = arith.constant 0 : index
    %get3A_21 = vector.load %arg7[%get3A_19, %get3A_20] : memref<64x64xf32, #tpu.memory_space<vmem>>, vector<64x64xf32>
    %dot_general3A_22 = arith.constant dense<0.000000e+00> : vector<10240x64xf32>
    %dot_general3A_23 = tpu.matmul %mul3A, %get3A_21, %dot_general3A_22 {dimension_numbers = #tpu.dot_dimension_numbers<[1], [0], [0], [1], [0, 0, 1, 1], [], []>, transpose_lhs_hint = false} : vector<10240x64xf32>, vector<64x64xf32>, vector<10240x64xf32> -> vector<10240x64xf32>
    %get3A_24 = arith.constant 0 : index
    %get3A_25 = vector.load %arg1[%get3A_24] : memref<64xf32, #tpu.memory_space<vmem>>, vector<64xf32>
    %broadcast_in_dim3A = vector.shape_cast %get3A_25 : vector<64xf32> to vector<1x64xf32>
    %add3A_26 = vector.broadcast %broadcast_in_dim3A : vector<1x64xf32> to vector<10240x64xf32>
    %add3A_27 = arith.addf %dot_general3A_23, %add3A_26 : vector<10240x64xf32>
    %max3A = arith.constant 0.000000e+00 : f32
    %max3A_28 = vector.broadcast %max3A : f32 to vector<10240x64xf32>
    %max3A_29 = arith.maximumf %add3A_27, %max3A_28 : vector<10240x64xf32>
    %iota3A = tpu.iota {dimensions = array<i32: 0>} : vector<10240x1xi32>
    %lt3A = arith.constant 10000 : i32
    %lt3A_30 = vector.broadcast %lt3A : i32 to vector<10240x1xi32>
    %lt3A_31 = arith.cmpi slt, %iota3A, %lt3A_30 : vector<10240x1xi32>
    %jit3A = arith.constant 0.000000e+00 : f32
    %broadcast_in_dim3A_32 = vector.shape_cast %lt3A_31 : vector<10240x1xi1> to vector<10240x1xi1>
    %broadcast_in_dim3A_33 = vector.broadcast %broadcast_in_dim3A_32 : vector<10240x1xi1> to vector<10240x64xi1>
    %broadcast_in_dim3A_34 = vector.broadcast %jit3A : f32 to vector<10240x64xf32>
    %select_n3A = arith.select %broadcast_in_dim3A_33, %max3A_29, %broadcast_in_dim3A_34 : vector<10240x64xi1>, vector<10240x64xf32>
    %reduce_sum3A = arith.constant dense<0.000000e+00> : vector<64xf32>
    %reduce_sum3A_35 = vector.multi_reduction <add>, %select_n3A, %reduce_sum3A [0] : vector<10240x64xf32> to vector<64xf32>
    %broadcast_in_dim3A_36 = vector.shape_cast %reduce_sum3A_35 : vector<64xf32> to vector<1x64xf32>
    %div3A_37 = arith.constant 1.000000e+04 : f32
    %div3A_38 = vector.broadcast %div3A_37 : f32 to vector<1x64xf32>
    %div3A_39 = arith.divf %broadcast_in_dim3A_36, %div3A_38 : vector<1x64xf32>
    %sub3A = vector.broadcast %div3A_39 : vector<1x64xf32> to vector<10240x64xf32>
    %sub3A_40 = arith.subf %max3A_29, %sub3A : vector<10240x64xf32>
    %jit3A_41 = arith.constant 0.000000e+00 : f32
    %broadcast_in_dim3A_42 = vector.shape_cast %lt3A_31 : vector<10240x1xi1> to vector<10240x1xi1>
    %broadcast_in_dim3A_43 = vector.broadcast %broadcast_in_dim3A_42 : vector<10240x1xi1> to vector<10240x64xi1>
    %broadcast_in_dim3A_44 = vector.broadcast %jit3A_41 : f32 to vector<10240x64xf32>
    %select_n3A_45 = arith.select %broadcast_in_dim3A_43, %sub3A_40, %broadcast_in_dim3A_44 : vector<10240x64xi1>, vector<10240x64xf32>
    %mul3A_46 = arith.mulf %select_n3A_45, %select_n3A_45 : vector<10240x64xf32>
    %reduce_sum3A_47 = arith.constant dense<0.000000e+00> : vector<64xf32>
    %reduce_sum3A_48 = vector.multi_reduction <add>, %mul3A_46, %reduce_sum3A_47 [0] : vector<10240x64xf32> to vector<64xf32>
    %broadcast_in_dim3A_49 = vector.shape_cast %reduce_sum3A_48 : vector<64xf32> to vector<1x64xf32>
    %div3A_50 = arith.constant 1.000000e+04 : f32
    %div3A_51 = vector.broadcast %div3A_50 : f32 to vector<1x64xf32>
    %div3A_52 = arith.divf %broadcast_in_dim3A_49, %div3A_51 : vector<1x64xf32>
    %sub3A_53 = vector.broadcast %div3A_39 : vector<1x64xf32> to vector<10240x64xf32>
    %sub3A_54 = arith.subf %max3A_29, %sub3A_53 : vector<10240x64xf32>
    %add3A_55 = arith.constant 9.99999974E-6 : f32
    %add3A_56 = vector.broadcast %add3A_55 : f32 to vector<1x64xf32>
    %add3A_57 = arith.addf %div3A_52, %add3A_56 : vector<1x64xf32>
    %rsqrt3A = math.rsqrt %add3A_57 : vector<1x64xf32>
    %mul3A_58 = vector.broadcast %rsqrt3A : vector<1x64xf32> to vector<10240x64xf32>
    %mul3A_59 = arith.mulf %sub3A_54, %mul3A_58 : vector<10240x64xf32>
    %get3A_60 = arith.constant 0 : index
    %get3A_61 = vector.load %arg2[%get3A_60] : memref<64xf32, #tpu.memory_space<vmem>>, vector<64xf32>
    %broadcast_in_dim3A_62 = vector.shape_cast %get3A_61 : vector<64xf32> to vector<1x64xf32>
    %mul3A_63 = vector.broadcast %broadcast_in_dim3A_62 : vector<1x64xf32> to vector<10240x64xf32>
    %mul3A_64 = arith.mulf %mul3A_59, %mul3A_63 : vector<10240x64xf32>
    %get3A_65 = arith.constant 0 : index
    %get3A_66 = vector.load %arg3[%get3A_65] : memref<64xf32, #tpu.memory_space<vmem>>, vector<64xf32>
    %broadcast_in_dim3A_67 = vector.shape_cast %get3A_66 : vector<64xf32> to vector<1x64xf32>
    %add3A_68 = vector.broadcast %broadcast_in_dim3A_67 : vector<1x64xf32> to vector<10240x64xf32>
    %add3A_69 = arith.addf %mul3A_64, %add3A_68 : vector<10240x64xf32>
    %jit3A_70 = arith.constant 0.000000e+00 : f32
    %broadcast_in_dim3A_71 = vector.shape_cast %lt3A_31 : vector<10240x1xi1> to vector<10240x1xi1>
    %broadcast_in_dim3A_72 = vector.broadcast %broadcast_in_dim3A_71 : vector<10240x1xi1> to vector<10240x64xi1>
    %broadcast_in_dim3A_73 = vector.broadcast %jit3A_70 : f32 to vector<10240x64xf32>
    %select_n3A_74 = arith.select %broadcast_in_dim3A_72, %add3A_69, %broadcast_in_dim3A_73 : vector<10240x64xi1>, vector<10240x64xf32>
    %get3A_75 = arith.constant 0 : index
    %get3A_76 = arith.constant 0 : index
    %get3A_77 = vector.load %arg4[%get3A_75, %get3A_76] : memref<64x16xf32, #tpu.memory_space<vmem>>, vector<64x16xf32>
    %dot_general3A_78 = arith.constant dense<0.000000e+00> : vector<10240x16xf32>
    %dot_general3A_79 = tpu.matmul %select_n3A_74, %get3A_77, %dot_general3A_78 {dimension_numbers = #tpu.dot_dimension_numbers<[1], [0], [0], [1], [0, 0, 1, 1], [], []>, transpose_lhs_hint = false} : vector<10240x64xf32>, vector<64x16xf32>, vector<10240x16xf32> -> vector<10240x16xf32>
    %get3A_80 = arith.constant 0 : index
    %get3A_81 = arith.constant 0 : index
    %get3A_82 = vector.load %arg5[%get3A_80, %get3A_81] : memref<16x8xf32, #tpu.memory_space<vmem>>, vector<16x8xf32>
    %dot_general3A_83 = arith.constant dense<0.000000e+00> : vector<10240x8xf32>
    %dot_general3A_84 = tpu.matmul %dot_general3A_79, %get3A_82, %dot_general3A_83 {dimension_numbers = #tpu.dot_dimension_numbers<[1], [0], [0], [1], [0, 0, 1, 1], [], []>, transpose_lhs_hint = false} : vector<10240x16xf32>, vector<16x8xf32>, vector<10240x8xf32> -> vector<10240x8xf32>
    %swap3A = arith.constant 0 : index
    %swap3A_85 = arith.constant 0 : index
    %swap3A_86 = vector.load %arg8[%swap3A, %swap3A_85] : memref<10240x16xf32, #tpu.memory_space<vmem>>, vector<10240x16xf32>
    tpu.vector_store %arg8[%swap3A, %swap3A_85], %dot_general3A_79 {strides = array<i32>} : memref<10240x16xf32, #tpu.memory_space<vmem>>, vector<10240x16xf32>,
    %swap3A_87 = arith.constant 0 : index
    %swap3A_88 = arith.constant 0 : index
    %swap3A_89 = vector.load %arg9[%swap3A_87, %swap3A_88] : memref<10240x8xf32, #tpu.memory_space<vmem>>, vector<10240x8xf32>
    tpu.vector_store %arg9[%swap3A_87, %swap3A_88], %dot_general3A_84 {strides = array<i32>} : memref<10240x8xf32, #tpu.memory_space<vmem>>, vector<10240x8xf32>,
    %slice3A_90 = vector.extract_strided_slice %dot_general3A_84 {offsets = [0, 0], sizes = [10240, 1], strides = [1, 1]} : vector<10240x8xf32> to vector<10240x1xf32>
    %reduce_max3A = arith.constant dense<0xFF800000> : vector<1xf32>
    %reduce_max3A_91 = vector.multi_reduction <maximumf>, %slice3A_90, %reduce_max3A [0] : vector<10240x1xf32> to vector<1xf32>
    %broadcast_in_dim3A_92 = vector.shape_cast %reduce_max3A_91 : vector<1xf32> to vector<1x1xf32>
    %slice3A_93 = vector.extract_strided_slice %dot_general3A_84 {offsets = [0, 1], sizes = [10240, 1], strides = [1, 1]} : vector<10240x8xf32> to vector<10240x1xf32>
    %reduce_max3A_94 = arith.constant dense<0xFF800000> : vector<1xf32>
    %reduce_max3A_95 = vector.multi_reduction <maximumf>, %slice3A_93, %reduce_max3A_94 [0] : vector<10240x1xf32> to vector<1xf32>
    %broadcast_in_dim3A_96 = vector.shape_cast %reduce_max3A_95 : vector<1xf32> to vector<1x1xf32>
    %add3A_97 = arith.addf %broadcast_in_dim3A_92, %broadcast_in_dim3A_96 : vector<1x1xf32>
    %ge3A = arith.constant 0.000000e+00 : f32
    %ge3A_98 = vector.broadcast %ge3A : f32 to vector<1x1xf32>
    %ge3A_99 = arith.cmpf oge, %add3A_97, %ge3A_98 : vector<1x1xf32>
    %mul3A_100 = arith.constant 2.000000e-01 : f32
    %mul3A_101 = vector.broadcast %mul3A_100 : f32 to vector<1x1xf32>
    %mul3A_102 = arith.mulf %add3A_97, %mul3A_101 : vector<1x1xf32>
    %select_n3A_103 = arith.select %ge3A_99, %add3A_97, %mul3A_102 : vector<1x1xi1>, vector<1x1xf32>
    %broadcast_in_dim3A_104 = vector.shape_cast %select_n3A_103 : vector<1x1xf32> to vector<1x1xf32>
    %broadcast_in_dim3A_105 = vector.broadcast %broadcast_in_dim3A_104 : vector<1x1xf32> to vector<8x16xf32>
    %swap3A_106 = arith.constant 0 : index
    %swap3A_107 = arith.constant 0 : index
    %swap3A_108 = vector.load %arg10[%swap3A_106, %swap3A_107] : memref<8x16xf32, #tpu.memory_space<vmem>>, vector<8x16xf32>
    tpu.vector_store %arg10[%swap3A_106, %swap3A_107], %broadcast_in_dim3A_105 {strides = array<i32>} : memref<8x16xf32, #tpu.memory_space<vmem>>, vector<8x16xf32>,
    return
  }
}

module attributes {stable_mosaic.version = 14 : i64} {
  func.func @_tc3_body(%arg0: memref<2x10240x32xf32, #tpu.memory_space<vmem>>, %arg1: memref<16xf32, #tpu.memory_space<vmem>>, %arg2: memref<10240x16xf32, #tpu.memory_space<vmem>>) attributes {dimension_semantics = [], scalar_prefetch = 0 : i64, scratch_operands = 0 : i64, tpu.core_type = #tpu.core_type<tc>} {
    %get3A = arith.constant 0 : index
    %get3A_0 = arith.constant 0 : index
    %get3A_1 = arith.constant 0 : index
    %get3A_2 = vector.load %arg0[%get3A, %get3A_0, %get3A_1] : memref<2x10240x32xf32, #tpu.memory_space<vmem>>, vector<1x10240x32xf32>
    %get3A_3 = vector.shape_cast %get3A_2 : vector<1x10240x32xf32> to vector<10240x32xf32>
    %get3A_4 = arith.constant 1 : index
    %get3A_5 = arith.constant 0 : index
    %get3A_6 = arith.constant 0 : index
    %get3A_7 = vector.load %arg0[%get3A_4, %get3A_5, %get3A_6] : memref<2x10240x32xf32, #tpu.memory_space<vmem>>, vector<1x10240x32xf32>
    %get3A_8 = vector.shape_cast %get3A_7 : vector<1x10240x32xf32> to vector<10240x32xf32>
    %add3A = arith.addf %get3A_3, %get3A_8 : vector<10240x32xf32>
    %slice3A = vector.extract_strided_slice %add3A {offsets = [0, 0], sizes = [10240, 16], strides = [1, 1]} : vector<10240x32xf32> to vector<10240x16xf32>
    %slice3A_9 = vector.extract_strided_slice %add3A {offsets = [0, 16], sizes = [10240, 1], strides = [1, 1]} : vector<10240x32xf32> to vector<10240x1xf32>
    %add3A_10 = arith.constant 1.000000e-16 : f32
    %add3A_11 = vector.broadcast %add3A_10 : f32 to vector<10240x1xf32>
    %add3A_12 = arith.addf %slice3A_9, %add3A_11 : vector<10240x1xf32>
    %div3A = vector.broadcast %add3A_12 : vector<10240x1xf32> to vector<10240x16xf32>
    %div3A_13 = arith.divf %slice3A, %div3A : vector<10240x16xf32>
    %get3A_14 = arith.constant 0 : index
    %get3A_15 = vector.load %arg1[%get3A_14] : memref<16xf32, #tpu.memory_space<vmem>>, vector<16xf32>
    %broadcast_in_dim3A = vector.shape_cast %get3A_15 : vector<16xf32> to vector<1x16xf32>
    %add3A_16 = vector.broadcast %broadcast_in_dim3A : vector<1x16xf32> to vector<10240x16xf32>
    %add3A_17 = arith.addf %div3A_13, %add3A_16 : vector<10240x16xf32>
    %swap3A = arith.constant 0 : index
    %swap3A_18 = arith.constant 0 : index
    %swap3A_19 = vector.load %arg2[%swap3A, %swap3A_18] : memref<10240x16xf32, #tpu.memory_space<vmem>>, vector<10240x16xf32>
    tpu.vector_store %arg2[%swap3A, %swap3A_18], %add3A_17 {strides = array<i32>} : memref<10240x16xf32, #tpu.memory_space<vmem>>, vector<10240x16xf32>,
    return
  }
}

</mosaic_0001>

<sc_bundles>
// kernel: kernel.10.cloned.1.call-start
scs
__scs_entry_jumppad:
0x0: {  	(pc) =	sbr.rel $0x88, $3  }
0x1: {  	(tag) =	ssettag $0x0;
	lr =	simm.s32 $0x1  }
0x2: {  	[smem:$0x3F95] =	sst lr;
	_ =	strace $0xD0000000  }
0x3: {  	_ = 	snop  }
0x4: {  	_ = 	snop  }
0x5: {  	_ = 	snop  }
0x6: {  	_ = 	snop  }
0x7: {  	_ = 	snop  }
__scs_overlays_trampoline_lowered:
0x8: {  	[smem:$0x3FA4] =	sst s0  }
0x9: {  	[smem:$0x3FA5] =	sst s1  }
0xa: {  	[smem:$0x3FA6] =	sst s2  }
0xb: {  	[smem:$0x3FA7] =	sst s3  }
0xc: {  	[smem:$0x3FA8] =	sst s4  }
0xd: {  	[smem:$0x3FA9] =	sst s5  }
0xe: {  	[smem:$0x3FAA] =	sst s6  }
0xf: {  	[smem:$0x3FAB] =	sst s7  }
0x10: {  	[smem:$0x3FAC] =	sst s8  }
0x11: {  	[smem:$0x3FAD] =	sst s9;
	s0 =	simm.s32 @!p0 $0x0  }
0x12: {  	s1 =	sld [smem:$0x3F93];
	s0 =	simm.s32 @p0 $0x1  }
0x13: {  	[smem:$0x3FAE] =	sst s0;
	s0 =	simm.s32 @!p1 $0x0  }
0x14: {  	s2 =	sld [smem:$0x3F92];
	s0 =	simm.s32 @p1 $0x1  }
0x15: {  	[smem:$0x3FAF] =	sst s0;
	s0 =	simm.s32 @!p2 $0x0  }
0x16: {  	s3 =	sld [smem:$0x3FDB];
	s0 =	simm.s32 @p2 $0x1  }
0x17: {  	s4 =	simm.s32 $0x1BF5;
	[smem:$0x3FB1] =	sst s0  }
0x18: {  	s0 =	sld [smem:$0x3F94];
	_ =	swait.ge [sflag:s4], $0x0  }
0x19: {  	s7 =	sld [smem:$0x3F95]  }
0x1a: {  	s8 =	sadd.s32 $0xFFFFE003, lr  }
0x1b: {  	s9 =	sadd.s32 $0xFFFFFEF7, lr;
	s5 =	simm.s32 $0xFFFFFFFF;
	p2 =	slt.u32 s8, $0xFFFFF086  }
0x1c: {  	p1 =	slt.u32 s9, $0xF7A;
	s5 =	simm.s32 @!p2 $0x0  }
0x1d: {  	s5 =	simm.s32 @p1 $0x1;
	p0 =	seq.s32 s7, s2  }
0x1e: {  	s7 =	smul.u32 @!p0 $0xF7A, s2;
	p2 =	seq.s32 @!p0 s5, $0x0  }
0x1f: {  	s9 =	smul.u32 $0xF7A, s1;
	s8 =	simm.s32 @!p0 $0x1BF5;
	p2 =	por !p2, p0  }
0x20: {  	[sflag:s8] =	ssyncset.s32 @!p0 $0xFFFFF086;
	s6 =	sadd.s32 @!p0 s3, s7;
	s7 =	simm.s32 @!p0 $0x108  }
0x21: {  	s3 =	sadd.s32 s3, s9;
	s6 =	sadd.s32 @!p0 $0x88, s6;
	s7 =	simm.s32 @p2 $0x1082  }
0x22: {  	[simem:s7], [sflag:s8] =	dma.local @!p0 [hbm:s6], $0xF7A  }
0x23: {  	s9 =	sor.u32 $0xD0000000, s2;
	s6 =	simm.s32 $0x108;
	_ =	swait.ge @!p0 [sflag:s8], $0x0  }
0x24: {  	s3 =	sadd.s32 $0x88, s3;
	s6 =	simm.s32 @!p1 $0x1082;
	[sflag:s4] =	ssyncset.s32 $0xFFFFF086  }
0x25: {  	[simem:s6], [sflag:s4] =	dma.local [hbm:s3], $0xF7A  }
0x26: {  	[smem:$0x3F95] =	sst s1;
	(tag) =	ssettag s2;
	_ =	strace s9  }
0x27: {  	s1 =	sld [smem:$0x3FA5]  }
0x28: {  	s2 =	sld [smem:$0x3FA6]  }
0x29: {  	s4 =	sld [smem:$0x3FA8]  }
0x2a: {  	p0 =	seq.s32 s5, $0x0;
	s5 =	sld [smem:$0x3FA9]  }
0x2b: {  	s6 =	sld [smem:$0x3FAA]  }
0x2c: {  	s7 =	sld [smem:$0x3FAB]  }
0x2d: {  	s3 =	simm.s32 $0x108;
	s8 =	sld [smem:$0x3FAC]  }
0x2e: {  	s3 =	simm.s32 @!p0 $0x1082;
	s9 =	sld [smem:$0x3FAD]  }
0x2f: {  	lr =	sadd.s32 s0, s3;
	s0 =	sld [smem:$0x3FA4]  }
0x30: {  	s3 =	sld [smem:$0x3FA7]  }
0x31: {  	[smem:$0x3FB0] =	sst s10  }
0x32: {  	s10 =	sld [smem:$0x3FAE];
	_ =	sdelay $0x3  }
0x33: {  	p0 =	seq.s32 s10, $0x1;
	s10 =	sld [smem:$0x3FB0];
	_ =	sdelay $0x3  }
0x34: {  	[smem:$0x3FB0] =	sst s10  }
0x35: {  	s10 =	sld [smem:$0x3FAF];
	_ =	sdelay $0x3  }
0x36: {  	p1 =	seq.s32 s10, $0x1;
	s10 =	sld [smem:$0x3FB0];
	_ =	sdelay $0x3  }
0x37: {  	[smem:$0x3FB0] =	sst s10  }
0x38: {  	s10 =	sld [smem:$0x3FB1]  }
0x39: {  	_ = 	snop;
	(pc) =	sbr.ind lr, $3  }
0x3a: {  	_ = 	snop  }
0x3b: {  	_ = 	snop  }
0x3c: {  	p2 =	seq.s32 s10, $0x1;
	s10 =	sld [smem:$0x3FB0]  }
0x3d: {  	_ =	shalt  }
0x3e: {  	_ =	shalt  }
0x3f: {  	_ =	shalt  }
0x40: {  	_ =	shalt  }
0x41: {  	_ =	shalt  }
0x42: {  	_ =	shalt  }
0x43: {  	_ =	shalt  }
0x44: {  	_ =	shalt  }
0x45: {  	_ =	shalt  }
0x46: {  	_ =	shalt  }
0x47: {  	_ =	shalt  }
0x48: {  	_ =	shalt  }
0x49: {  	_ =	shalt  }
0x4a: {  	_ =	shalt  }
0x4b: {  	_ =	shalt  }
0x4c: {  	_ =	shalt  }
0x4d: {  	_ =	shalt  }
0x4e: {  	_ =	shalt  }
0x4f: {  	_ =	shalt  }
0x50: {  	_ =	shalt  }
0x51: {  	_ =	shalt  }
0x52: {  	_ =	shalt  }
0x53: {  	_ =	shalt  }
0x54: {  	_ =	shalt  }
0x55: {  	_ =	shalt  }
0x56: {  	_ =	shalt  }
0x57: {  	_ =	shalt  }
0x58: {  	_ =	shalt  }
0x59: {  	_ =	shalt  }
0x5a: {  	_ =	shalt  }
0x5b: {  	_ =	shalt  }
0x5c: {  	_ =	shalt  }
0x5d: {  	_ =	shalt  }
0x5e: {  	_ =	shalt  }
0x5f: {  	_ =	shalt  }
0x60: {  	_ =	shalt  }
0x61: {  	_ =	shalt  }
0x62: {  	_ =	shalt  }
0x63: {  	_ =	shalt  }
0x64: {  	_ =	shalt  }
0x65: {  	_ =	shalt  }
0x66: {  	_ =	shalt  }
0x67: {  	_ =	shalt  }
0x68: {  	_ =	shalt  }
0x69: {  	_ =	shalt  }
0x6a: {  	_ =	shalt  }
0x6b: {  	_ =	shalt  }
0x6c: {  	_ =	shalt  }
0x6d: {  	_ =	shalt  }
0x6e: {  	_ =	shalt  }
0x6f: {  	_ =	shalt  }
0x70: {  	_ =	shalt  }
0x71: {  	_ =	shalt  }
0x72: {  	_ =	shalt  }
0x73: {  	_ =	shalt  }
0x74: {  	_ =	shalt  }
0x75: {  	_ =	shalt  }
0x76: {  	_ =	shalt  }
0x77: {  	_ =	shalt  }
0x78: {  	_ =	shalt  }
0x79: {  	_ =	shalt  }
0x7a: {  	_ =	shalt  }
0x7b: {  	_ =	shalt  }
0x7c: {  	_ =	shalt  }
0x7d: {  	_ =	shalt  }
0x7e: {  	_ =	shalt  }
0x7f: {  	_ =	shalt  }
0x80: {  	_ =	shalt  }
0x81: {  	_ =	shalt  }
0x82: {  	_ =	shalt  }
0x83: {  	_ =	shalt  }
0x84: {  	_ =	shalt  }
0x85: {  	_ =	shalt  }
0x86: {  	_ =	shalt  }
0x87: {  	_ =	shalt  }
.Lfunc_end0:
.L_simem_size_0:
called_computation.1_lowered:
.L_overlay_start_0:
0x88: {  	s2 =	sld [smem:$0x3FD9]  }
0x89: {  	s3 =	sld [smem:$0x3FFE];
	_ =	sdelay $0x1  }
0x8a: {  	s1 =	srdreg.scid  }
0x8b: {  	s0 =	sand.u32 $0x1, s1  }
0x8c: {  	s17 =	sshll.u32 s0, $0xA;
	s2 =	sadd.s32 s3, s2  }
0x8d: {  	s2 =	sadd.s32 s2, s17  }
0x8e: {  	[smem:$0x3FBC] =	sst s2  }
0x8f: {  	_ = 	snop  }
0x90: {  	s2 =	sld [smem:$0x3FD0];
	(tm) =	ssettm $0x1  }
0x91: {  	s18 =	sld [smem:$0x3FFB];
	_ =	sdelay $0x3  }
0x92: {  	_ =	strace s18  }
0x93: {  	s3 =	sld [smem:$0x3FFC];
	_ =	sdelay $0x3  }
0x94: {  	_ =	strace s3  }
0x95: {  	s3 =	sld [smem:$0x3FFD];
	_ =	sdelay $0x3  }
0x96: {  	_ =	strace s3  }
0x97: {  	_ =	strace $0x8FFFFFFF  }
0x98: {  	s19 =	sld [smem:$0x3FDB];
	_ =	sdelay $0x1  }
0x99: {  	s4 =	simm.s32 $_scs_section_size  }
0x9a: {  	s5 =	simm.s32 $_size__tile_overlayer_lowered;
	s6 =	simm.s32 $_tile_overlayer_lowered  }
0x9b: {  	s22 =	simm.s32 $0x1BFF;
	s21 =	sshll.u32 s6, $0x1;
	s3 =	sadd.s32 s4, s19  }
0x9c: {  	s7 =	simm.s32 $0x0;
	s20 =	sshll.u32 s5, $0x1;
	s5 =	sadd.s32 s21, s3  }
0x9d: {  	[timem:s7], [sflag:s22] =	dma.local [hbm:s5], s20  }
0x9e: {  	_ =	swait.ge [sflag:s22], s20  }
0x9f: {  	s4 =	ssub.s32 $0x0, s20;
	[sflag:s22] =	ssyncset.done $0x0  }
0xa0: {  	[sflag:s22] =	ssyncadd.s32 s4;
	_ =	sdelay $0x1  }
0xa1: {  	s23 =	simm.s32 $0x1B8B  }
0xa2: {  	_ =	swait.ge [sflag:s23], $0x1  }
0xa3: {  	[sflag:s23] =	ssyncset.done $0x0  }
0xa4: {  	s25 =	simm.s32 $0x1B8E;
	s24 =	sld [smem:$0x3FFE];
	[sflag:s23] =	ssyncadd.s32 $0xFFFFFFFF  }
0xa5: {  	s26 =	simm.s32 $execute0_lowered;
	[smem:$0x3FD2] =	sst s25  }
0xa6: {  	s5 =	sshll.u32 s26, $0x1;
	_ =	strace $0x80000049;
	[dreg:$0x1] =	wrdreg $0xFFFFFFFF  }
0xa7: {  	s28 =	simm.s32 $_size_execute0_lowered;
	s3 =	sadd.s32 s3, s5;
	[dreg:$0x0] =	wrdreg $0x0  }
0xa8: {  	s5 =	sshll.u32 s28, $0x1;
	[dreg:$0x2] =	wrdreg s3  }
0xa9: {  	[dreg:$0x3] =	wrdreg s5  }
0xaa: {  	[dreg:$0x4] =	wrdreg $0xC0  }
0xab: {  	_ =	task [dreg:s7], $0x5FFFF  }
0xac: {  	[dreg:$0x1] =	wrdreg $0xFFFFFFFF  }
0xad: {  	[dreg:$0x0] =	wrdreg $0x60  }
0xae: {  	[dreg:$0x2] =	wrdreg s24  }
0xaf: {  	[dreg:$0x3] =	wrdreg s2  }
0xb0: {  	[dreg:$0x4] =	wrdreg $0xD3100  }
0xb1: {  	[dreg:$0x5] =	wrdreg $0x9  }
0xb2: {  	_ =	task.clear_ibuf [dreg:s7], $0x6FFFF;
	_ =	strace $0x90000049  }
0xb3: {  	s29 =	simm.s32 $0x9;
	_ =	strace $0x8000004B  }
0xb4: {  	_ =	swait.ge [sflag:s29], $0x1  }
0xb5: {  	[sflag:s29] =	ssyncadd.s32 $0xFFFFFFFF  }
0xb6: {  	_ =	strace $0x9000004B  }
0xb7: {  	_ =	sfence  }
0xb8: {  	s30 =	sld [smem:$0x0];
	_ =	sdelay $0x2  }
0xb9: {  	s31 =	sshll.u32 s1, $0xD;
	s1 =	sshrl.u32 s1, $0x2  }
0xba: {  	s3 =	sand.u32 $0x4000, s31;
	s1 =	sadd.s32 s1, s30  }
0xbb: {  	s0 =	sor.u32 s3, s0;
	s1 =	sshll.u32 s1, $0x11  }
0xbc: {  	s0 =	sor.u32 s1, s0  }
0xbd: {  	s0 =	sadd.s32 $0x8F2B, s0  }
0xbe: {  	[sflag:s0] =	ssyncadd.remote.s32 $0x1  }
0xbf: {  	_ =	sfence.sel $0xFFFF  }
0xc0: {  	[dreg:$0x0] =	wrdreg $0xFFFFFFFF;
	(pc) =	sbr.abs _section_cstart, $3  }
0xc1: {  	[dreg:$0x1] =	wrdreg $0xFFFFFFFF  }
0xc2: {  	_ =	task.clear_ibuf [dreg:s7], $0x2FFFF;
	_ =	strace $0x9FFFFFFF  }
0xc3: {  	(tm) =	ssettm $0x7FFFFFFF  }
tec
execute0_lowered:
.L_overlay_start_1:
0x0: {  	(tag) =	ssettag $0x1  }
0x1: {  	s0 =	srdreg.scid;
	s1 =	rddreg [dreg:$0x0]  }
0x2: {  	s8 =	stileid.u32;
	s3 =	rddreg [dreg:$0x2]  }
0x3: {  	s4 =	simm.s32 $0x0;
	s18 =	simm.s32 $0x5;
	s19 =	simm.s32 $0x5200  }
0x4: {  	s28 =	simm.s32 $0xB200;
	s29 =	simm.s32 $0x2;
	s30 =	simm.s32 $0xC300  }
0x5: {  	s31 =	simm.s32 $0x3;
	s0 =	sand.u32 $0x1, s0;
	s2 =	sshll.u32 s8, $0x1  }
0x6: {  	s5 =	smul.u32 $0x5000, s8;
	[smem:$0x7FF] =	sst s4;
	s6 =	sadd.s32 $0x15000, s1  }
0x7: {  	s8 =	smul.u32 $0x14000, s8;
	s9 =	sadd.s32 $0x15600, s1;
	s2 =	sor.u32 s0, s2  }
0x8: {  	s7 =	smul.u32 $0x50000, s0;
	_ =	strace $0x8000004A;
	[dreg:$0x4] =	wrdreg s6  }
0x9: {  	s6 =	sadd.s32 $0x15800, s1;
	[dreg:$0x5] =	wrdreg s9;
	s0 =	ssub.s32 $0x2, s0  }
0xa: {  	s2 =	smul.u32 $0x520, s2;
	s20 =	sshrl.u32 s0, $0x1;
	s8 =	sshrl.u32 s8, $0x2  }
0xb: {  	s10 =	sadd.s32 s5, s3;
	s7 =	sadd.s32 s5, s7;
	s0 =	ssub.s32 s0, s20  }
0xc: {  	s22 =	sadd.s32 s8, s3;
	s20 =	simm.s32 $0x7A00;
	s2 =	sadd.s32 s2, s1  }
0xd: {  	s7 =	sshrl.u32 s7, $0x3;
	s23 =	sadd.s32 $0x1000, s22;
	s24 =	sadd.s32 $0x2000, s22  }
0xe: {  	s25 =	sadd.s32 $0x3000, s22;
	s26 =	sadd.s32 $0x4000, s22;
	[dreg:$0x8] =	wrdreg s23  }
0xf: {  	s16 =	smax.u32 s0, $0x1;
	s22 =	simm.s32 $0xB300;
	[dreg:$0x9] =	wrdreg s24  }
.Ltmp0:
0x10: {  	s1 =	sadd.s32 s7, s1;
	[dreg:$0xa] =	wrdreg s25;
	(pc) =	sbr.rel .LBB2_1-.Ltmp0, $4  }
0x11: {  	s21 =	sadd.s32 $0xAC00, s2;
	s2 =	sadd.s32 $0x800, s2;
	[dreg:$0xb] =	wrdreg s26  }
0x12: {  	s23 =	simm.s32 $0x80;
	s25 =	simm.s32 $0xAA00;
	[dreg:$0x6] =	wrdreg s21  }
0x13: {  	s26 =	simm.s32 $0x1;
	[dreg:$0x7] =	wrdreg s2;
	s1 =	sadd.s32 $0x1A800, s1  }
0x14: {  	v0 =	vimm.f32 $0.0e+00;
	s2 =	simm.s32 $0x0;
	[dreg:$0xc] =	wrdreg s1;
	s1 =	simm.s32 $0x4  }
.LBB2_14:
0x15: {  	_ =	swait.ge [sflag:s31], $0x1000  }
0x16: {  	[sflag:s31] =	ssyncset.done $0x0  }
0x17: {  	[sflag:s31] =	ssyncadd.s32 $0xFFFFF000  }
0x18: {  	_ =	swait.ge [sflag:s1], $0x1000  }
0x19: {  	s0 =	stileid.u32;
	[sflag:s1] =	ssyncset.done $0x0  }
0x1a: {  	s5 =	sshrl.u32 s10, $0x3;
	s2 =	sadd.s32 $0x1, s2;
	[sflag:s1] =	ssyncadd.s32 $0xFFFFF000  }
0x1b: {  	s0 =	sshll.u32 s0, $0x6;
	p0 =	sne.s32 s2, s16;
	[bflag:$0x0] =	sbarrier.arrive $0xFFFF  }
.Ltmp1:
0x1c: {  	s0 =	sor.u32 $0x1C05, s0;
	s7 =	rddreg [dreg:$0xc];
	(pc) =	sbr.rel @!p0 .LBB2_15-.Ltmp1, $4  }
0x1d: {  	[hbm:s7], [sflag:s0] =	dma.local [spmem:s5], $0xA00  }
0x1e: {  	_ =	swait.ge [sflag:s18], $0xA00  }
0x1f: {  	[sflag:s18] =	ssyncset.done $0x0  }
0x20: {  	[sflag:s18] =	ssyncadd.s32 $0xFFFFF600  }
.LBB2_1:
0x21: {  	s0 =	rddreg [dreg:$0x5];
	s5 =	simm.s32 $0xD300  }
0x22: {  	[tilespmem:s5], [sflag:$0x5] =	stream.linear.gather [hbm4b:s0+s4], $0x10, $0x38;
	[tilespmem:$0x12310] =	vst v63  }
0x23: {  	_ =	swait.ge [sflag:s18], $0x10  }
0x24: {  	[sflag:s18] =	ssyncset.done $0x0  }
0x25: {  	s14 =	rddreg [dreg:$0x4];
	[sflag:s18] =	ssyncadd.s32 $0xFFFFFFF0  }
0x26: {  	[tilespmem:s19], [sflag:$0x5] =	stream.linear.gather [hbm4b:s14+s4], $0x2800, $0x38;
	[tilespmem:$0x12310] =	vst v63  }
0x27: {  	_ =	swait.ge [sflag:s18], $0x2800  }
0x28: {  	[sflag:s18] =	ssyncset.done $0x0  }
0x29: {  	[sflag:s18] =	ssyncadd.s32 $0xFFFFD800  }
0x2a: {  	s15 =	rddreg [dreg:$0x1]  }
0x2b: {  	[tilespmem:s20], [sflag:$0x5] =	stream.linear.gather [hbm4b:s15+s4], $0x2800, $0x38;
	[tilespmem:$0x12310] =	vst v63  }
0x2c: {  	_ =	swait.ge [sflag:s18], $0x2800  }
0x2d: {  	[sflag:s18] =	ssyncset.done $0x0  }
0x2e: {  	s17 =	rddreg [dreg:$0x6];
	[sflag:s18] =	ssyncadd.s32 $0xFFFFD800  }
0x2f: {  	v1 =	vld [tilespmem:$0xD300];
	[tilespmem:s4], [sflag:$0x5] =	stream.linear.gather [hbm4b:s17+s4], $0x2900, $0x38  }
0x30: {  	_ =	swait.ge [sflag:s18], $0x2900  }
0x31: {  	[sflag:s18] =	ssyncset.done $0x0  }
0x32: {  	s24 =	simm.s32 $0x2900;
	s21 =	rddreg [dreg:$0x7];
	[sflag:s18] =	ssyncadd.s32 $0xFFFFD700  }
0x33: {  	[tilespmem:s24], [sflag:$0x5] =	stream.linear.gather [hbm4b:s21+s4], $0x2900, $0x38;
	[tilespmem:$0x12310] =	vst v63  }
0x34: {  	_ =	swait.ge [sflag:s18], $0x2900  }
0x35: {  	[sflag:s18] =	ssyncset.done $0x0  }
0x36: {  	s0 =	simm.s32 $0x10;
	s5 =	sand.u32 $0xFF0, s4;
	[sflag:s18] =	ssyncadd.s32 $0xFFFFD700  }
.LBB2_2:
0x37: {  	p0 =	sne.s32 s0, $0xFF0;
	[tilespmem:s5+$0xB300] =	vst v0;
	s5 =	smov.u32 s0;
	s0 =	sadd.s32 $0x10, s0  }
.Ltmp2:
0x38: {  	(pc) =	sbr.rel @p0 .LBB2_2-.Ltmp2, $2  }
0x39: {  	_ =	sdelay $0x2  }
0x3a: {  	s5 =	sand.u32 $0xFF0, s5  }
0x3b: {  	[tilespmem:s5+$0xB300] =	vst v0  }
0x3c: {  	[spmem:s10] =	stream.linear.scatter [tilespmem:s22], [sflag:$0x5], $0x1000, $0x38;
	[tilespmem:$0x12310] =	vst v63  }
0x3d: {  	_ =	swait.ge [sflag:s18], $0x1000  }
0x3e: {  	[sflag:s18] =	ssyncset.done $0x0  }
0x3f: {  	s0 =	rddreg [dreg:$0x8];
	[sflag:s18] =	ssyncadd.s32 $0xFFFFF000  }
0x40: {  	[spmem:s0] =	stream.linear.scatter [tilespmem:s22], [sflag:$0x5], $0x1000, $0x38;
	[tilespmem:$0x12310] =	vst v63  }
0x41: {  	_ =	swait.ge [sflag:s18], $0x1000  }
0x42: {  	[sflag:s18] =	ssyncset.done $0x0  }
0x43: {  	s15 =	rddreg [dreg:$0x9];
	[sflag:s18] =	ssyncadd.s32 $0xFFFFF000  }
0x44: {  	[spmem:s15] =	stream.linear.scatter [tilespmem:s22], [sflag:$0x5], $0x1000, $0x38;
	[tilespmem:$0x12310] =	vst v63  }
0x45: {  	_ =	swait.ge [sflag:s18], $0x1000  }
0x46: {  	[sflag:s18] =	ssyncset.done $0x0  }
0x47: {  	s17 =	rddreg [dreg:$0xa];
	[sflag:s18] =	ssyncadd.s32 $0xFFFFF000  }
0x48: {  	[spmem:s17] =	stream.linear.scatter [tilespmem:s22], [sflag:$0x5], $0x1000, $0x38;
	[tilespmem:$0x12310] =	vst v63  }
0x49: {  	_ =	swait.ge [sflag:s18], $0x1000  }
0x4a: {  	[sflag:s18] =	ssyncset.done $0x0  }
0x4b: {  	s21 =	rddreg [dreg:$0xb];
	[sflag:s18] =	ssyncadd.s32 $0xFFFFF000  }
0x4c: {  	[spmem:s21] =	stream.linear.scatter [tilespmem:s22], [sflag:$0x5], $0x1000, $0x38;
	[tilespmem:$0x12310] =	vst v63  }
0x4d: {  	_ =	swait.ge [sflag:s18], $0x1000  }
0x4e: {  	[sflag:s18] =	ssyncset.done $0x0  }
0x4f: {  	s24 =	simm.s32 $0xA200;
	[sflag:s18] =	ssyncadd.s32 $0xFFFFF000  }
0x50: {  	s5 =	simm.s32 $0x2990;
	s17 =	simm.s32 $0x0;
	[bflag:$0x0] =	sbarrier.arrive $0xFFFF  }
0x51: {  	[tilespmem:s24], [sflag:$0x1] =	stream.indirect.gather [hbm4b:s6+s23], $0x10, s17, s23, $0xb8;
	[tilespmem:$0x12310] =	vst v63  }
0x52: {  	s0 =	simm.s32 $0x90;
	s21 =	simm.s32 $0x2910;
	s24 =	simm.s32 $0x10  }
0x53: {  	v1 =	vbroadcast v1, $0x0;
	[tilespmem:s25], [sflag:$0x2] =	stream.indirect.gather [hbm4b:s6+s23], $0x10, s23, s23, $0xb8;
	[tilespmem:$0x12310] =	vst v63  }
.LBB2_4:
0x54: {  	v2 =	vld [tilespmem:s24+$0x0]  }
0x55: {  	v3 =	vld [tilespmem:s21+$0x0]  }
0x56: {  	v4 =	vld [tilespmem:s21+$0xFFFFFFF0]  }
0x57: {  	v5 =	vld [tilespmem:s24+$0xFFFFFFF0];
	_ =	sdelay $0x2  }
0x58: {  	s7 =	sadd.s32 $0x20, s24  }
0x59: {  	v6 =	vld [tilespmem:s7+$0x0]  }
0x5a: {  	v2 =	vld.idx.msk [tilespmem:v2+s19+$0x0], $0xffff  }
0x5b: {  	v3 =	vld.idx.msk [tilespmem:v3+s20+$0x0], $0xffff  }
0x5c: {  	v4 =	vld.idx.msk [tilespmem:v4+s20+$0x0], $0xffff  }
0x5d: {  	s8 =	sadd.s32 $0x20, s21;
	v5 =	vld.idx.msk [tilespmem:v5+s19+$0x0], $0xffff  }
0x5e: {  	v7 =	vld [tilespmem:s8+$0x0]  }
0x5f: {  	v8 =	vld [tilespmem:s8+$0xFFFFFFF0]  }
0x60: {  	v9 =	vld [tilespmem:s7+$0xFFFFFFF0]  }
0x61: {  	v2 =	vadd.f32 v3, v2  }
0x62: {  	v3 =	vadd.f32 v4, v5  }
0x63: {  	v4 =	vmul.f32 $2.000000030e-01, v2  }
0x64: {  	vm0 =	vge.f32 v2, $0.0e+00;
	v5 =	vmul.f32 $2.000000030e-01, v3  }
0x65: {  	vm1 =	vge.f32 v3, $0.0e+00;
	v2 =	vsel vm0, v2, v4;
	v4 =	vld.idx.msk [tilespmem:v6+s19+$0x0], $0xffff  }
0x66: {  	v6 =	vld.idx.msk [tilespmem:v7+s20+$0x0], $0xffff;
	v3 =	vsel vm1, v3, v5;
	v2 =	vsub.f32 v2, v1  }
0x67: {  	v5 =	vld.idx.msk [tilespmem:v8+s20+$0x0], $0xffff;
	v3 =	vsub.f32 v3, v1  }
0x68: {  	s11 =	sadd.s32 $0x20, s7;
	v7 =	vld.idx.msk [tilespmem:v9+s19+$0x0], $0xffff;
	v2 =	vmul.f32 $1.442695020e+00, v2  }
0x69: {  	s8 =	sadd.s32 $0x20, s8;
	v8 =	vld [tilespmem:s11+$0x0];
	v3 =	vmul.f32 $1.442695020e+00, v3  }
0x6a: {  	v10 =	vld [tilespmem:s8+$0xFFFFFFF0];
	(erf) = vpow2.f32 v2  }
0x6b: {  	v9 =	vld [tilespmem:s8+$0x0];
	v2 =	vadd.f32 v6, v4;
	(erf) = vpow2.f32 v3  }
0x6c: {  	v11 =	vld [tilespmem:s11+$0xFFFFFFF0]  }
0x6d: {  	v3 =	vmul.f32 $2.000000030e-01, v2  }
0x6e: {  	v4 =	vadd.f32 v5, v7;
	vm14 =	vge.f32 v2, $0.0e+00  }
0x6f: {  	v3 =	vsel vm14, v2, v3  }
0x70: {  	v5 =	vmul.f32 $2.000000030e-01, v4;
	v7 =	vsub.f32 v3, v1  }
0x71: {  	vm15 =	vge.f32 v4, $0.0e+00;
	v2 =	vld.idx.msk [tilespmem:v8+s19+$0x0], $0xffff  }
0x72: {  	v5 =	vsel vm15, v4, v5;
	v4 =	vld.idx.msk [tilespmem:v10+s20+$0x0], $0xffff  }
0x73: {  	s7 =	simm.s32 $0xB210;
	v3 =	vld.idx.msk [tilespmem:v9+s20+$0x0], $0xffff;
	v6 =	vsub.f32 v5, v1;
	v5 =	vmul.f32 $1.442695020e+00, v7;
	v8 =	vpop (erf)  }
0x74: {  	s9 =	simm.s32 $0x4;
	s11 =	sadd.s32 $0x20, s11;
	[tilespmem:s7+$0x0] =	vst v8;
	v8 =	vld.idx.msk [tilespmem:v11+s19+$0x0], $0xffff;
	v7 =	vpop (erf)  }
.LBB2_5:
0x75: {  	v9 =	vld [tilespmem:s11+$0x0];
	s8 =	sadd.s32 $0x20, s8;
	v6 =	vmul.f32 $1.442695020e+00, v6;
	(erf) = vpow2.f32 v5;
	[tilespmem:s7+$0xFFFFFFF0] =	vst v7  }
0x76: {  	s9 =	sadd.s32 $0x2, s9;
	v5 =	vld [tilespmem:s8+$0x0]  }
0x77: {  	p0 =	slt.u32 s9, $0x6;
	v7 =	vld [tilespmem:s8+$0xFFFFFFF0];
	(erf) = vpow2.f32 v6  }
0x78: {  	v2 =	vadd.f32 v3, v2;
	v10 =	vld [tilespmem:s11+$0xFFFFFFF0];
	_ =	sdelay $0x1  }
0x79: {  	v4 =	vadd.f32 v4, v8;
	v3 =	vmul.f32 $2.000000030e-01, v2  }
0x7a: {  	vm0 =	vge.f32 v2, $0.0e+00  }
.Ltmp3:
0x7b: {  	vm1 =	vge.f32 v4, $0.0e+00;
	v6 =	vmul.f32 $2.000000030e-01, v4;
	v3 =	vsel vm0, v2, v3;
	(pc) =	sbr.rel @p0 .LBB2_5-.Ltmp3, $4  }
0x7c: {  	v8 =	vsub.f32 v3, v1;
	v2 =	vld.idx.msk [tilespmem:v9+s19+$0x0], $0xffff  }
0x7d: {  	s7 =	sadd.s32 $0x20, s7;
	v3 =	vld.idx.msk [tilespmem:v5+s20+$0x0], $0xffff;
	v5 =	vsel vm1, v4, v6;
	v9 =	vpop (erf)  }
0x7e: {  	v4 =	vld.idx.msk [tilespmem:v7+s20+$0x0], $0xffff;
	v6 =	vsub.f32 v5, v1;
	v5 =	vmul.f32 $1.442695020e+00, v8;
	[tilespmem:s7+$0x0] =	vst v9  }
0x7f: {  	s11 =	sadd.s32 $0x20, s11;
	v8 =	vld.idx.msk [tilespmem:v10+s19+$0x0], $0xffff;
	v7 =	vpop (erf)  }
0x80: {  	_ =	sdelay $0x2  }
0x81: {  	v2 =	vadd.f32 v3, v2  }
0x82: {  	v3 =	vadd.f32 v4, v8  }
0x83: {  	v4 =	vmul.f32 $2.000000030e-01, v2  }
0x84: {  	vm0 =	vge.f32 v2, $0.0e+00;
	v8 =	vmul.f32 $2.000000030e-01, v3  }
0x85: {  	vm1 =	vge.f32 v3, $0.0e+00;
	v2 =	vsel vm0, v2, v4  }
0x86: {  	v2 =	vsub.f32 v2, v1;
	v3 =	vsel vm1, v3, v8  }
0x87: {  	v4 =	vmul.f32 $1.442695020e+00, v6;
	v3 =	vsub.f32 v3, v1  }
0x88: {  	(erf) = vpow2.f32 v5;
	v2 =	vmul.f32 $1.442695020e+00, v2  }
0x89: {  	(erf) = vpow2.f32 v4;
	v3 =	vmul.f32 $1.442695020e+00, v3  }
0x8a: {  	(erf) = vpow2.f32 v2  }
0x8b: {  	(erf) = vpow2.f32 v3;
	_ =	sdelay $0x5  }
0x8c: {  	[tilespmem:s7+$0xFFFFFFF0] =	vst v7;
	s13 =	sadd.s32 $0x20, s7;
	v2 =	vpop (erf)  }
0x8d: {  	[tilespmem:s13+$0x0] =	vst v2;
	v3 =	vpop (erf)  }
0x8e: {  	s7 =	sadd.s32 $0x20, s13;
	[tilespmem:s13+$0xFFFFFFF0] =	vst v3;
	v2 =	vpop (erf)  }
0x8f: {  	s8 =	simm.s32 $0x0;
	[tilespmem:s7+$0x0] =	vst v2;
	v2 =	vpop (erf)  }
0x90: {  	s14 =	simm.s32 $0x3;
	s15 =	simm.s32 $0x1;
	[tilespmem:s7+$0xFFFFFFF0] =	vst v2;
	v2 =	vmov s8  }
0x91: {  	s9 =	simm.s32 $0x2;
	v4 =	vmov s15;
	v3 =	vmov s14;
	_ =	swait.ge [sflag:s26], $0x800;
	v2 =	vand.u32 $0xFFFFFFFC, v2  }
0x92: {  	p0 =	seq.s32 s17, $0x0;
	[sflag:s26] =	ssyncset.done $0x0;
	v5 =	vbroadcast v2, $0x0;
	v2 =	vand.u32 $0xFFFFFFFD, v4;
	v4 =	vmov s9  }
0x93: {  	s7 =	simm.s32 @!p0 $0x3;
	[sflag:s26] =	ssyncadd.s32 $0xFFFFF800;
	v6 =	vbroadcast v2, $0x0;
	v2 =	vand.u32 $0xFFFFFFFE, v4  }
0x94: {  	_ =	swait.ge @!p0 [sflag:s7], $0x1000;
	v4 =	vbroadcast v2, $0x0  }
0x95: {  	[sflag:s7] =	ssyncset.done @!p0 $0x0  }
0x96: {  	[sflag:s7] =	ssyncadd.s32 @!p0 $0xFFFFF000  }
0x97: {  	s11 =	simm.s32 $0x4;
	v2 =	vld.idx.msk [tilespmem:v3+s28+$0x0], $0xffff  }
0x98: {  	s12 =	simm.s32 $0x5;
	v7 =	vmov s11;
	s13 =	simm.s32 $0x7;
	v3 =	vld.idx.msk [tilespmem:v5+s28+$0x0], $0xffff  }
0x99: {  	v8 =	vmov s12;
	s14 =	simm.s32 $0x6;
	v5 =	vand.u32 $0xFFFFFFFC, v7;
	v7 =	vld.idx.msk [tilespmem:v6+s28+$0x0], $0xffff;
	v6 =	vmov s13  }
0x9a: {  	s7 =	simm.s32 $0xA220;
	v10 =	vbroadcast v5, $0x0;
	v5 =	vand.u32 $0xFFFFFFFD, v8;
	v8 =	vld.idx.msk [tilespmem:v4+s28+$0x0], $0xffff;
	v4 =	vmov s14  }
0x9b: {  	v11 =	vld [tilespmem:s7+$0x0];
	v15 =	vbroadcast v5, $0x0;
	v4 =	vand.u32 $0xFFFFFFFE, v4  }
0x9c: {  	v17 =	vld [tilespmem:s7+$0xFFFFFFE0];
	v13 =	vbroadcast v4, $0x0  }
0x9d: {  	v12 =	vld [tilespmem:s7+$0xFFFFFFF0]  }
0x9e: {  	s15 =	simm.s32 $0x8;
	v9 =	vld [tilespmem:s7+$0x10]  }
0x9f: {  	s9 =	simm.s32 $0xB;
	v5 =	vmov s15;
	v4 =	vld.idx.msk [tilespmem:v6+s28+$0x0], $0xffff  }
0xa0: {  	s11 =	simm.s32 $0x9;
	s12 =	simm.s32 $0xA;
	v16 =	vand.u32 $0xFFFFFFFC, v5;
	v5 =	vmov s9;
	v6 =	vld.idx.msk [tilespmem:v10+s28+$0x0], $0xffff;
	v14 =	vmul.f32 v11, v8  }
0xa1: {  	s8 =	sshll.u32 s17, $0x1;
	s9 =	simm.s32 $0xB340;
	v11 =	vbroadcast v16, $0x0;
	v16 =	vmov s11;
	s11 =	simm.s32 $0xC;
	v10 =	vld.idx.msk [tilespmem:v15+s28+$0x0], $0xffff;
	v15 =	vmul.f32 v17, v3  }
.LBB2_7:
0xa2: {  	p1 =	slt.u32 s11, $0x7C;
	v16 =	vand.u32 $0xFFFFFFFD, v16;
	v17 =	vmov s12;
	v18 =	vld.idx.msk [tilespmem:v13+s28+$0x0], $0xffff;
	v12 =	vmul.f32 v12, v7;
	[tilespmem:s9+$0x0] =	vst v14;
	s7 =	sadd.s32 $0x40, s7  }
0xa3: {  	v19 =	vbroadcast v16, $0x0;
	v13 =	vand.u32 $0xFFFFFFFE, v17;
	v14 =	vld [tilespmem:s7+$0x0];
	[tilespmem:s9+$0xFFFFFFC0] =	vst v15;
	v15 =	vmul.f32 v9, v2  }
0xa4: {  	v13 =	vbroadcast v13, $0x0;
	v17 =	vld [tilespmem:s7+$0xFFFFFFE0];
	[tilespmem:s9+$0xFFFFFFE0] =	vst v12  }
.Ltmp4:
0xa5: {  	v20 =	vmov v4;
	v12 =	vld [tilespmem:s7+$0xFFFFFFF0];
	[tilespmem:s9+$0xFFFFFFF0] =	vst v7;
	(pc) =	sbr.rel @p1 .LBB2_7-.Ltmp4, $4  }
0xa6: {  	v9 =	vld [tilespmem:s7+$0x10];
	[tilespmem:s9+$0x10] =	vst v8  }
0xa7: {  	s12 =	sadd.s32 $0x3, s11;
	v16 =	vmov s11;
	v7 =	vmov v10;
	v4 =	vld.idx.msk [tilespmem:v5+s28+$0x0], $0xffff;
	[tilespmem:s9+$0xFFFFFFD0] =	vst v3;
	v3 =	vmov v6  }
0xa8: {  	s13 =	sadd.s32 $0x1, s11;
	v10 =	vand.u32 $0xFFFFFFFC, v16;
	v5 =	vmov s12;
	v8 =	vmovc v18;
	v6 =	vld.idx.msk [tilespmem:v11+s28+$0x0], $0xffff;
	v14 =	vmul.f32 v14, v18;
	[tilespmem:s9+$0x20] =	vst v15  }
0xa9: {  	v16 =	vmov s13;
	s12 =	sadd.s32 $0x2, s11;
	s11 =	sadd.s32 $0x4, s11;
	v11 =	vbroadcast v10, $0x0;
	v10 =	vld.idx.msk [tilespmem:v19+s28+$0x0], $0xffff;
	v15 =	vmul.f32 v17, v3;
	[tilespmem:s9+$0x30] =	vst v2;
	s9 =	sadd.s32 $0x80, s9;
	v2 =	vmovc v20  }
0xaa: {  	_ = 	snop  }
0xab: {  	[tilespmem:s9+$0x0] =	vst v14  }
0xac: {  	[tilespmem:s9+$0xFFFFFFF0] =	vst v7  }
0xad: {  	[tilespmem:s9+$0x10] =	vst v8  }
0xae: {  	v13 =	vld.idx.msk [tilespmem:v13+s28+$0x0], $0xffff;
	s7 =	sadd.s32 $0x40, s7;
	[tilespmem:s9+$0xFFFFFFD0] =	vst v3  }
0xaf: {  	v12 =	vmul.f32 v12, v7;
	[tilespmem:s9+$0x30] =	vst v2;
	v59 =	vld [tilespmem:s7+$0x0]  }
0xb0: {  	v16 =	vand.u32 $0xFFFFFFFD, v16;
	v17 =	vmov s12;
	[tilespmem:s9+$0xFFFFFFC0] =	vst v15;
	v61 =	vld [tilespmem:s7+$0xFFFFFFE0]  }
0xb1: {  	s12 =	sadd.s32 $0x80, s9;
	v57 =	vbroadcast v16, $0x0;
	v58 =	vand.u32 $0xFFFFFFFE, v17;
	v62 =	vld [tilespmem:s7+$0xFFFFFFF0];
	v7 =	vmul.f32 v9, v2;
	[tilespmem:s9+$0xFFFFFFE0] =	vst v12  }
0xb2: {  	v8 =	vld [tilespmem:s7+$0x10];
	v60 =	vbroadcast v58, $0x0;
	[tilespmem:s12+$0x30] =	vst v4  }
0xb3: {  	[tilespmem:s9+$0x20] =	vst v7  }
0xb4: {  	v5 =	vld.idx.msk [tilespmem:v5+s28+$0x0], $0xffff;
	[tilespmem:s12+$0xFFFFFFD0] =	vst v6  }
0xb5: {  	v3 =	vld.idx.msk [tilespmem:v11+s28+$0x0], $0xffff;
	s7 =	sadd.s32 $0x40, s7;
	[tilespmem:s12+$0xFFFFFFF0] =	vst v10;
	v9 =	vmul.f32 v59, v13  }
0xb6: {  	v63 =	vld [tilespmem:s7+$0xFFFFFFF0];
	[tilespmem:s12+$0x10] =	vst v13;
	v11 =	vmul.f32 v61, v6  }
0xb7: {  	v12 =	vmul.f32 v62, v10;
	v7 =	vld.idx.msk [tilespmem:v57+s28+$0x0], $0xffff;
	[tilespmem:s12+$0x0] =	vst v9  }
0xb8: {  	v8 =	vmul.f32 v8, v4;
	v2 =	vld.idx.msk [tilespmem:v60+s28+$0x0], $0xffff;
	[tilespmem:s12+$0xFFFFFFC0] =	vst v11  }
0xb9: {  	v9 =	vld [tilespmem:s7+$0x0];
	[tilespmem:s12+$0xFFFFFFE0] =	vst v12  }
0xba: {  	s9 =	sadd.s32 $0x80, s12;
	v11 =	vld [tilespmem:s7+$0xFFFFFFE0];
	[tilespmem:s12+$0x20] =	vst v8  }
0xbb: {  	v8 =	vld [tilespmem:s7+$0x10];
	[tilespmem:s9+$0xFFFFFFD0] =	vst v3  }
0xbc: {  	[tilespmem:s9+$0x30] =	vst v5  }
0xbd: {  	v4 =	vmul.f32 v63, v7;
	[tilespmem:s9+$0xFFFFFFF0] =	vst v7  }
0xbe: {  	v6 =	vmul.f32 v9, v2;
	[tilespmem:s9+$0x10] =	vst v2  }
0xbf: {  	v9 =	vmul.f32 v11, v3;
	[tilespmem:s9+$0xFFFFFFE0] =	vst v4  }
0xc0: {  	s11 =	sshll.u32 s17, $0xA;
	v4 =	vmul.f32 v8, v5;
	[tilespmem:s9+$0x0] =	vst v6  }
0xc1: {  	p1 =	seq.s32 s17, $0x28;
	s7 =	sshrl.u32 s11, $0x2;
	[tilespmem:s9+$0xFFFFFFC0] =	vst v9  }
0xc2: {  	s13 =	sadd.s32 $0x2900, s7;
	[tilespmem:s9+$0x20] =	vst v4;
	s9 =	sshrl.u32 @!p1 s11, $0x2  }
0xc3: {  	[spmem:s3] =	stream.indirect.scatter.add.f32 [tilespmem:s22], [sflag:$0x3], $0x20, s13, s23, $0xb8;
	[tilespmem:$0x12310] =	vst v63  }
0xc4: {  	s12 =	simm.s32 @!p1 $0xA200;
	s11 =	simm.s32 @!p1 $0x80;
	s9 =	sadd.s32 @!p1 $0x100, s9  }
0xc5: {  	[tilespmem:s12], [sflag:$0x1] =	stream.indirect.gather @!p1 [hbm4b:s6+s11], $0x10, s9, s11, $0xb8;
	[tilespmem:$0x12310] =	vst v63  }
0xc6: {  	v2 =	vld [tilespmem:s0+$0x0]  }
0xc7: {  	v3 =	vld [tilespmem:s5+$0x0]  }
0xc8: {  	v4 =	vld [tilespmem:s5+$0xFFFFFFF0]  }
0xc9: {  	v5 =	vld [tilespmem:s0+$0xFFFFFFF0];
	_ =	sdelay $0x2  }
0xca: {  	s14 =	sadd.s32 $0x20, s0  }
0xcb: {  	v6 =	vld [tilespmem:s14+$0x0]  }
0xcc: {  	v2 =	vld.idx.msk [tilespmem:v2+s19+$0x0], $0xffff  }
0xcd: {  	v3 =	vld.idx.msk [tilespmem:v3+s20+$0x0], $0xffff  }
0xce: {  	v4 =	vld.idx.msk [tilespmem:v4+s20+$0x0], $0xffff  }
0xcf: {  	s15 =	sadd.s32 $0x20, s5;
	v5 =	vld.idx.msk [tilespmem:v5+s19+$0x0], $0xffff  }
0xd0: {  	v7 =	vld [tilespmem:s15+$0x0]  }
0xd1: {  	v8 =	vld [tilespmem:s15+$0xFFFFFFF0]  }
0xd2: {  	v9 =	vld [tilespmem:s14+$0xFFFFFFF0]  }
0xd3: {  	v2 =	vadd.f32 v3, v2  }
0xd4: {  	v3 =	vadd.f32 v4, v5  }
0xd5: {  	v4 =	vmul.f32 $2.000000030e-01, v2  }
0xd6: {  	vm0 =	vge.f32 v2, $0.0e+00;
	v5 =	vmul.f32 $2.000000030e-01, v3  }
0xd7: {  	vm1 =	vge.f32 v3, $0.0e+00;
	v2 =	vsel vm0, v2, v4;
	v4 =	vld.idx.msk [tilespmem:v6+s19+$0x0], $0xffff  }
0xd8: {  	v6 =	vld.idx.msk [tilespmem:v7+s20+$0x0], $0xffff;
	v3 =	vsel vm1, v3, v5;
	v2 =	vsub.f32 v2, v1  }
0xd9: {  	v5 =	vld.idx.msk [tilespmem:v8+s20+$0x0], $0xffff;
	v3 =	vsub.f32 v3, v1  }
0xda: {  	s13 =	sadd.s32 $0x20, s14;
	v7 =	vld.idx.msk [tilespmem:v9+s19+$0x0], $0xffff;
	v2 =	vmul.f32 $1.442695020e+00, v2  }
0xdb: {  	s11 =	sadd.s32 $0x20, s15;
	v8 =	vld [tilespmem:s13+$0x0];
	v3 =	vmul.f32 $1.442695020e+00, v3  }
0xdc: {  	v10 =	vld [tilespmem:s11+$0xFFFFFFF0];
	(erf) = vpow2.f32 v2  }
0xdd: {  	v9 =	vld [tilespmem:s11+$0x0];
	v2 =	vadd.f32 v6, v4;
	(erf) = vpow2.f32 v3  }
0xde: {  	v11 =	vld [tilespmem:s13+$0xFFFFFFF0]  }
0xdf: {  	v3 =	vmul.f32 $2.000000030e-01, v2  }
0xe0: {  	v4 =	vadd.f32 v5, v7;
	vm14 =	vge.f32 v2, $0.0e+00  }
0xe1: {  	v3 =	vsel vm14, v2, v3  }
0xe2: {  	v5 =	vmul.f32 $2.000000030e-01, v4;
	v7 =	vsub.f32 v3, v1  }
0xe3: {  	vm15 =	vge.f32 v4, $0.0e+00;
	v2 =	vld.idx.msk [tilespmem:v8+s19+$0x0], $0xffff  }
0xe4: {  	v5 =	vsel vm15, v4, v5;
	v4 =	vld.idx.msk [tilespmem:v10+s20+$0x0], $0xffff  }
0xe5: {  	s9 =	simm.s32 $0xB290;
	v3 =	vld.idx.msk [tilespmem:v9+s20+$0x0], $0xffff;
	v6 =	vsub.f32 v5, v1;
	v5 =	vmul.f32 $1.442695020e+00, v7;
	v8 =	vpop (erf)  }
0xe6: {  	s8 =	sor.u32 $0x1, s8;
	s12 =	simm.s32 $0x4;
	s13 =	sadd.s32 $0x20, s13;
	[tilespmem:s9+$0x0] =	vst v8;
	v8 =	vld.idx.msk [tilespmem:v11+s19+$0x0], $0xffff;
	v7 =	vpop (erf)  }
.LBB2_9:
0xe7: {  	v9 =	vld [tilespmem:s13+$0x0];
	s11 =	sadd.s32 $0x20, s11;
	v6 =	vmul.f32 $1.442695020e+00, v6;
	(erf) = vpow2.f32 v5;
	[tilespmem:s9+$0xFFFFFFF0] =	vst v7  }
0xe8: {  	s12 =	sadd.s32 $0x2, s12;
	v5 =	vld [tilespmem:s11+$0x0]  }
0xe9: {  	p2 =	slt.u32 s12, $0x6;
	v7 =	vld [tilespmem:s11+$0xFFFFFFF0];
	(erf) = vpow2.f32 v6  }
0xea: {  	v2 =	vadd.f32 v3, v2;
	v10 =	vld [tilespmem:s13+$0xFFFFFFF0];
	_ =	sdelay $0x1  }
0xeb: {  	v4 =	vadd.f32 v4, v8;
	v3 =	vmul.f32 $2.000000030e-01, v2  }
0xec: {  	vm0 =	vge.f32 v2, $0.0e+00  }
.Ltmp5:
0xed: {  	vm1 =	vge.f32 v4, $0.0e+00;
	v6 =	vmul.f32 $2.000000030e-01, v4;
	v3 =	vsel vm0, v2, v3;
	(pc) =	sbr.rel @p2 .LBB2_9-.Ltmp5, $4  }
0xee: {  	v8 =	vsub.f32 v3, v1;
	v2 =	vld.idx.msk [tilespmem:v9+s19+$0x0], $0xffff  }
0xef: {  	s9 =	sadd.s32 $0x20, s9;
	v3 =	vld.idx.msk [tilespmem:v5+s20+$0x0], $0xffff;
	v5 =	vsel vm1, v4, v6;
	v9 =	vpop (erf)  }
0xf0: {  	v4 =	vld.idx.msk [tilespmem:v7+s20+$0x0], $0xffff;
	v6 =	vsub.f32 v5, v1;
	v5 =	vmul.f32 $1.442695020e+00, v8;
	[tilespmem:s9+$0x0] =	vst v9  }
0xf1: {  	s13 =	sadd.s32 $0x20, s13;
	v8 =	vld.idx.msk [tilespmem:v10+s19+$0x0], $0xffff;
	v7 =	vpop (erf)  }
0xf2: {  	_ =	sdelay $0x2  }
0xf3: {  	v2 =	vadd.f32 v3, v2  }
0xf4: {  	v3 =	vadd.f32 v4, v8  }
0xf5: {  	v4 =	vmul.f32 $2.000000030e-01, v2  }
0xf6: {  	vm0 =	vge.f32 v2, $0.0e+00;
	v8 =	vmul.f32 $2.000000030e-01, v3  }
0xf7: {  	vm1 =	vge.f32 v3, $0.0e+00;
	v2 =	vsel vm0, v2, v4  }
0xf8: {  	v2 =	vsub.f32 v2, v1;
	v3 =	vsel vm1, v3, v8  }
0xf9: {  	v4 =	vmul.f32 $1.442695020e+00, v6;
	v3 =	vsub.f32 v3, v1  }
0xfa: {  	(erf) = vpow2.f32 v5;
	v2 =	vmul.f32 $1.442695020e+00, v2  }
0xfb: {  	(erf) = vpow2.f32 v4;
	v3 =	vmul.f32 $1.442695020e+00, v3  }
0xfc: {  	(erf) = vpow2.f32 v2  }
0xfd: {  	(erf) = vpow2.f32 v3;
	_ =	sdelay $0x5  }
0xfe: {  	[tilespmem:s9+$0xFFFFFFF0] =	vst v7;
	s13 =	sadd.s32 $0x20, s9;
	v2 =	vpop (erf)  }
0xff: {  	[tilespmem:s13+$0x0] =	vst v2;
	v3 =	vpop (erf)  }
0x100: {  	s9 =	sadd.s32 $0x20, s13;
	[tilespmem:s13+$0xFFFFFFF0] =	vst v3;
	v2 =	vpop (erf)  }
0x101: {  	[tilespmem:s9+$0x0] =	vst v2;
	v2 =	vpop (erf)  }
0x102: {  	s11 =	simm.s32 $0x80;
	[tilespmem:s9+$0xFFFFFFF0] =	vst v2  }
0x103: {  	s14 =	simm.s32 $0x83;
	s12 =	simm.s32 $0x81;
	v2 =	vmov s11;
	_ =	swait.ge [sflag:s29], $0x800  }
0x104: {  	s15 =	simm.s32 $0x82;
	v4 =	vmov s12;
	v3 =	vmov s14;
	v2 =	vand.u32 $0xFFFFFFFC, v2;
	[sflag:s29] =	ssyncset.done $0x0  }
0x105: {  	v4 =	vand.u32 $0xFFFFFFFD, v4;
	s9 =	simm.s32 @!p0 $0x4;
	v5 =	vbroadcast v2, $0x0;
	v2 =	vmov s15;
	[sflag:s29] =	ssyncadd.s32 $0xFFFFF800  }
0x106: {  	v4 =	vbroadcast v4, $0x0;
	v2 =	vand.u32 $0xFFFFFFFE, v2;
	_ =	swait.ge @!p0 [sflag:s9], $0x1000  }
0x107: {  	v6 =	vbroadcast v2, $0x0;
	[sflag:s9] =	ssyncset.done @!p0 $0x0  }
0x108: {  	[sflag:s9] =	ssyncadd.s32 @!p0 $0xFFFFF000  }
0x109: {  	s11 =	simm.s32 $0x84;
	s15 =	simm.s32 $0xAA30;
	v2 =	vld.idx.msk [tilespmem:v3+s28+$0x0], $0xffff  }
0x10a: {  	s12 =	simm.s32 $0x87;
	s13 =	simm.s32 $0x85;
	v3 =	vmov s11;
	v10 =	vld [tilespmem:s15+$0xFFFFFFF0]  }
0x10b: {  	v7 =	vmov s12;
	s14 =	simm.s32 $0x86;
	v8 =	vmov s13;
	v17 =	vld.idx.msk [tilespmem:v5+s28+$0x0], $0xffff;
	v3 =	vand.u32 $0xFFFFFFFC, v3  }
0x10c: {  	v5 =	vld.idx.msk [tilespmem:v4+s28+$0x0], $0xffff;
	v4 =	vand.u32 $0xFFFFFFFD, v8;
	v8 =	vbroadcast v3, $0x0;
	v3 =	vmov s14  }
0x10d: {  	v9 =	vbroadcast v4, $0x0;
	v6 =	vld.idx.msk [tilespmem:v6+s28+$0x0], $0xffff;
	v3 =	vand.u32 $0xFFFFFFFE, v3  }
0x10e: {  	v12 =	vld [tilespmem:s15+$0xFFFFFFD0];
	v11 =	vbroadcast v3, $0x0  }
0x10f: {  	v13 =	vld [tilespmem:s15+$0xFFFFFFE0]  }
0x110: {  	v16 =	vld [tilespmem:s15+$0x0]  }
0x111: {  	v3 =	vld.idx.msk [tilespmem:v7+s28+$0x0], $0xffff  }
0x112: {  	s12 =	simm.s32 $0x88;
	s13 =	simm.s32 $0x89;
	v4 =	vld.idx.msk [tilespmem:v8+s28+$0x0], $0xffff;
	v10 =	vmul.f32 v10, v6  }
0x113: {  	v14 =	vmov s13;
	s9 =	simm.s32 $0xC370;
	v7 =	vld.idx.msk [tilespmem:v9+s28+$0x0], $0xffff;
	v9 =	vmul.f32 v12, v17;
	v12 =	vmov s12  }
0x114: {  	s15 =	simm.s32 $0x8B;
	s14 =	simm.s32 $0x8A;
	v8 =	vld.idx.msk [tilespmem:v11+s28+$0x0], $0xffff;
	v11 =	vmul.f32 v13, v5;
	[tilespmem:s9+$0xFFFFFFD0] =	vst v10;
	v10 =	vand.u32 $0xFFFFFFFC, v12;
	v13 =	vand.u32 $0xFFFFFFFD, v14  }
0x115: {  	s11 =	simm.s32 $0xAA70;
	v14 =	vmov s14;
	[tilespmem:s9+$0xFFFFFF90] =	vst v9;
	v9 =	vmov s15;
	v12 =	vbroadcast v10, $0x0  }
0x116: {  	v15 =	vld [tilespmem:s11+$0xFFFFFFF0];
	v10 =	vbroadcast v13, $0x0;
	v13 =	vand.u32 $0xFFFFFFFE, v14  }
0x117: {  	v14 =	vld [tilespmem:s11+$0xFFFFFFD0];
	[tilespmem:s9+$0xFFFFFFB0] =	vst v11;
	v11 =	vbroadcast v13, $0x0  }
0x118: {  	v16 =	vmul.f32 v16, v2;
	[tilespmem:s9+$0xFFFFFFA0] =	vst v17;
	s12 =	simm.s32 $0x8;
	v13 =	vld [tilespmem:s11+$0xFFFFFFE0]  }
.LBB2_11:
0x119: {  	s13 =	sadd.s32 $0x87, s12;
	v17 =	vld [tilespmem:s11+$0x0];
	[tilespmem:s9+$0xFFFFFFC0] =	vst v5;
	v18 =	vmov v4;
	s14 =	sadd.s32 $0x84, s12  }
0x11a: {  	s15 =	sadd.s32 $0x85, s12;
	v5 =	vmov v7;
	v19 =	vld.idx.msk [tilespmem:v9+s28+$0x0], $0xffff;
	v9 =	vmov s13;
	[tilespmem:s9+$0xFFFFFFE0] =	vst v6;
	s13 =	sadd.s32 $0x86, s12;
	s12 =	sadd.s32 $0x4, s12  }
0x11b: {  	v7 =	vmov s14;
	v20 =	vmov s15;
	v6 =	vmovc v8;
	v4 =	vld.idx.msk [tilespmem:v12+s28+$0x0], $0xffff;
	v15 =	vmul.f32 v15, v8;
	[tilespmem:s9+$0xFFFFFFF0] =	vst v16;
	p0 =	slt.u32 s12, $0x7C  }
.Ltmp6:
0x11c: {  	v8 =	vand.u32 $0xFFFFFFFC, v7;
	v16 =	vand.u32 $0xFFFFFFFD, v20;
	v7 =	vld.idx.msk [tilespmem:v10+s28+$0x0], $0xffff;
	v14 =	vmul.f32 v14, v18;
	[tilespmem:s9+$0x0] =	vst v2;
	s9 =	sadd.s32 $0x80, s9;
	(pc) =	sbr.rel @p0 .LBB2_11-.Ltmp6, $4  }
0x11d: {  	s11 =	sadd.s32 $0x40, s11;
	v20 =	vmov s13;
	v12 =	vbroadcast v8, $0x0;
	v2 =	vmovc v3;
	v8 =	vld.idx.msk [tilespmem:v11+s28+$0x0], $0xffff;
	v13 =	vmul.f32 v13, v5;
	[tilespmem:s9+$0xFFFFFFD0] =	vst v15  }
0x11e: {  	v10 =	vbroadcast v16, $0x0;
	v20 =	vand.u32 $0xFFFFFFFE, v20;
	v15 =	vld [tilespmem:s11+$0xFFFFFFF0];
	[tilespmem:s9+$0xFFFFFF90] =	vst v14;
	v16 =	vmul.f32 v17, v2  }
0x11f: {  	v11 =	vbroadcast v20, $0x0;
	v14 =	vld [tilespmem:s11+$0xFFFFFFD0];
	[tilespmem:s9+$0xFFFFFFB0] =	vst v13  }
0x120: {  	v3 =	vmov v19;
	v13 =	vld [tilespmem:s11+$0xFFFFFFE0];
	[tilespmem:s9+$0xFFFFFFA0] =	vst v18  }
0x121: {  	[tilespmem:s9+$0xFFFFFFC0] =	vst v5  }
0x122: {  	[tilespmem:s9+$0xFFFFFFE0] =	vst v6  }
0x123: {  	[tilespmem:s9+$0xFFFFFFF0] =	vst v16  }
0x124: {  	v52 =	vld [tilespmem:s11+$0x0];
	[tilespmem:s9+$0x0] =	vst v2;
	s14 =	sadd.s32 $0x80, s9  }
0x125: {  	v53 =	vld.idx.msk [tilespmem:v12+s28+$0x0], $0xffff;
	[tilespmem:s14+$0xFFFFFFA0] =	vst v4  }
0x126: {  	v10 =	vld.idx.msk [tilespmem:v10+s28+$0x0], $0xffff;
	[tilespmem:s14+$0xFFFFFFC0] =	vst v7  }
0x127: {  	v2 =	vld.idx.msk [tilespmem:v11+s28+$0x0], $0xffff;
	[tilespmem:s14+$0xFFFFFFE0] =	vst v8;
	v54 =	vmul.f32 v15, v8  }
0x128: {  	s15 =	sadd.s32 $0x40, s11;
	v60 =	vld.idx.msk [tilespmem:v9+s28+$0x0], $0xffff;
	[tilespmem:s14+$0x0] =	vst v3;
	v14 =	vmul.f32 v14, v4  }
0x129: {  	v56 =	vld [tilespmem:s15+$0xFFFFFFF0];
	[tilespmem:s14+$0xFFFFFFD0] =	vst v54  }
0x12a: {  	v57 =	vld [tilespmem:s15+$0xFFFFFFD0];
	s9 =	sadd.s32 $0x80, s14;
	[tilespmem:s14+$0xFFFFFF90] =	vst v14  }
0x12b: {  	v58 =	vld [tilespmem:s15+$0xFFFFFFE0];
	[tilespmem:s9+$0xFFFFFFA0] =	vst v53  }
0x12c: {  	[tilespmem:s9+$0xFFFFFFC0] =	vst v10  }
0x12d: {  	v62 =	vld [tilespmem:s15+$0x0];
	v55 =	vmul.f32 v13, v7;
	[tilespmem:s9+$0xFFFFFFE0] =	vst v2  }
0x12e: {  	v59 =	vmul.f32 v52, v3;
	[tilespmem:s9+$0x0] =	vst v60  }
0x12f: {  	[tilespmem:s14+$0xFFFFFFB0] =	vst v55;
	v61 =	vmul.f32 v56, v2  }
0x130: {  	v3 =	vmul.f32 v58, v10;
	[tilespmem:s14+$0xFFFFFFF0] =	vst v59  }
.Ltmp7:
0x131: {  	v63 =	vmul.f32 v57, v53;
	[tilespmem:s9+$0xFFFFFFD0] =	vst v61;
	(pc) =	sbr.rel @p1 .LBB2_14-.Ltmp7, $4  }
0x132: {  	s8 =	sshll.u32 s8, $0x7;
	[tilespmem:s9+$0xFFFFFFB0] =	vst v3;
	v3 =	vmul.f32 v62, v60  }
0x133: {  	s8 =	sand.u32 $0x3FFFFF80, s8;
	[tilespmem:s9+$0xFFFFFF90] =	vst v63  }
0x134: {  	s8 =	sadd.s32 $0x2900, s8;
	[tilespmem:s9+$0xFFFFFFF0] =	vst v3  }
0x135: {  	[spmem:s3] =	stream.indirect.scatter.add.f32 [tilespmem:s30], [sflag:$0x4], $0x20, s8, s23, $0xb8;
	[tilespmem:$0x12310] =	vst v63  }
.Ltmp8:
0x136: {  	(pc) =	sbr.rel .LBB2_4-.Ltmp8, $4  }
0x137: {  	_ = 	snop  }
0x138: {  	s7 =	sadd.s32 $0x180, s7;
	s17 =	sadd.s32 $0x1, s17;
	s21 =	sadd.s32 $0x100, s21  }
0x139: {  	s24 =	sadd.s32 $0x100, s24;
	s0 =	sadd.s32 $0x100, s0;
	s5 =	sadd.s32 $0x100, s5  }
0x13a: {  	[tilespmem:s25], [sflag:$0x2] =	stream.indirect.gather [hbm4b:s6+s23], $0x10, s7, s23, $0xb8;
	[tilespmem:$0x12310] =	vst v63  }
.LBB2_15:
0x13b: {  	_ =	sfence.sel $0x180000  }
0x13c: {  	[bflag:$0x0] =	sbarrier.arrive $0xFFFF  }
0x13d: {  	_ =	strace $0x9000004A  }
0x13e: {  	s0 =	stileid.u32;
	[bflag:$0x2] =	sbarrier.arrive $0xFFFF  }
0x13f: {  	p0 =	sne.s32 s0, $0x0;
	s0 =	rddreg [dreg:$0x3]  }
0x140: {  	s0 =	sadd.s32 @!p0 $0x100000, s0  }
0x141: {  	[sflag:s0] =	ssyncadd.tile.s32 @!p0 $0x1;
	_ =	shalt  }
.Lfunc_end2:
_tile_overlayer_lowered:
.L_overlay_start_2:
0x142: {  	(tag) =	ssettag $0x2  }
0x143: {  	s0 =	rddreg [dreg:$0x0];
	s2 =	stileid.u32  }
0x144: {  	s1 =	rddreg [dreg:$0x1];
	p0 =	sne.s32 s2, $0x0  }
0x145: {  	s3 =	rddreg [dreg:$0x2];
	[bflag:$0x3] =	sbarrier.arrive $0xFFFF;
	s2 =	simm.s32 @!p0 $0x1C05  }
0x146: {  	[timem:s3], [sflag:s2] =	dma.local @!p0 [hbm:s0], s1  }
0x147: {  	s0 =	simm.s32 @!p0 $0x5  }
0x148: {  	_ =	swait.ge @!p0 [sflag:s0], s1  }
0x149: {  	s1 =	ssub.s32 @!p0 $0x0, s1;
	[sflag:s0] =	ssyncset.done @!p0 $0x0  }
0x14a: {  	[sflag:s0] =	ssyncadd.s32 @!p0 s1  }
0x14b: {  	[bflag:$0x3] =	sbarrier.arrive $0xFFFF  }
0x14c: {  	_ =	shalt  }

// kernel: kernel.7.cloned.1.call-start
scs
__scs_entry_jumppad:
0x0: {  	(pc) =	sbr.rel $0x88, $3  }
0x1: {  	(tag) =	ssettag $0x0;
	lr =	simm.s32 $0x1  }
0x2: {  	[smem:$0x3F95] =	sst lr;
	_ =	strace $0xD0000000  }
0x3: {  	_ = 	snop  }
0x4: {  	_ = 	snop  }
0x5: {  	_ = 	snop  }
0x6: {  	_ = 	snop  }
0x7: {  	_ = 	snop  }
__scs_overlays_trampoline_lowered:
0x8: {  	[smem:$0x3FA4] =	sst s0  }
0x9: {  	[smem:$0x3FA5] =	sst s1  }
0xa: {  	[smem:$0x3FA6] =	sst s2  }
0xb: {  	[smem:$0x3FA7] =	sst s3  }
0xc: {  	[smem:$0x3FA8] =	sst s4  }
0xd: {  	[smem:$0x3FA9] =	sst s5  }
0xe: {  	[smem:$0x3FAA] =	sst s6  }
0xf: {  	[smem:$0x3FAB] =	sst s7  }
0x10: {  	[smem:$0x3FAC] =	sst s8  }
0x11: {  	[smem:$0x3FAD] =	sst s9;
	s0 =	simm.s32 @!p0 $0x0  }
0x12: {  	s1 =	sld [smem:$0x3F93];
	s0 =	simm.s32 @p0 $0x1  }
0x13: {  	[smem:$0x3FAE] =	sst s0;
	s0 =	simm.s32 @!p1 $0x0  }
0x14: {  	s2 =	sld [smem:$0x3F92];
	s0 =	simm.s32 @p1 $0x1  }
0x15: {  	[smem:$0x3FAF] =	sst s0;
	s0 =	simm.s32 @!p2 $0x0  }
0x16: {  	s3 =	sld [smem:$0x3FDB];
	s0 =	simm.s32 @p2 $0x1  }
0x17: {  	s4 =	simm.s32 $0x1BF5;
	[smem:$0x3FB1] =	sst s0  }
0x18: {  	s0 =	sld [smem:$0x3F94];
	_ =	swait.ge [sflag:s4], $0x0  }
0x19: {  	s7 =	sld [smem:$0x3F95]  }
0x1a: {  	s8 =	sadd.s32 $0xFFFFE003, lr  }
0x1b: {  	s9 =	sadd.s32 $0xFFFFFEF7, lr;
	s5 =	simm.s32 $0xFFFFFFFF;
	p2 =	slt.u32 s8, $0xFFFFF086  }
0x1c: {  	p1 =	slt.u32 s9, $0xF7A;
	s5 =	simm.s32 @!p2 $0x0  }
0x1d: {  	s5 =	simm.s32 @p1 $0x1;
	p0 =	seq.s32 s7, s2  }
0x1e: {  	s7 =	smul.u32 @!p0 $0xF7A, s2;
	p2 =	seq.s32 @!p0 s5, $0x0  }
0x1f: {  	s9 =	smul.u32 $0xF7A, s1;
	s8 =	simm.s32 @!p0 $0x1BF5;
	p2 =	por !p2, p0  }
0x20: {  	[sflag:s8] =	ssyncset.s32 @!p0 $0xFFFFF086;
	s6 =	sadd.s32 @!p0 s3, s7;
	s7 =	simm.s32 @!p0 $0x108  }
0x21: {  	s3 =	sadd.s32 s3, s9;
	s6 =	sadd.s32 @!p0 $0x88, s6;
	s7 =	simm.s32 @p2 $0x1082  }
0x22: {  	[simem:s7], [sflag:s8] =	dma.local @!p0 [hbm:s6], $0xF7A  }
0x23: {  	s9 =	sor.u32 $0xD0000000, s2;
	s6 =	simm.s32 $0x108;
	_ =	swait.ge @!p0 [sflag:s8], $0x0  }
0x24: {  	s3 =	sadd.s32 $0x88, s3;
	s6 =	simm.s32 @!p1 $0x1082;
	[sflag:s4] =	ssyncset.s32 $0xFFFFF086  }
0x25: {  	[simem:s6], [sflag:s4] =	dma.local [hbm:s3], $0xF7A  }
0x26: {  	[smem:$0x3F95] =	sst s1;
	(tag) =	ssettag s2;
	_ =	strace s9  }
0x27: {  	s1 =	sld [smem:$0x3FA5]  }
0x28: {  	s2 =	sld [smem:$0x3FA6]  }
0x29: {  	s4 =	sld [smem:$0x3FA8]  }
0x2a: {  	p0 =	seq.s32 s5, $0x0;
	s5 =	sld [smem:$0x3FA9]  }
0x2b: {  	s6 =	sld [smem:$0x3FAA]  }
0x2c: {  	s7 =	sld [smem:$0x3FAB]  }
0x2d: {  	s3 =	simm.s32 $0x108;
	s8 =	sld [smem:$0x3FAC]  }
0x2e: {  	s3 =	simm.s32 @!p0 $0x1082;
	s9 =	sld [smem:$0x3FAD]  }
0x2f: {  	lr =	sadd.s32 s0, s3;
	s0 =	sld [smem:$0x3FA4]  }
0x30: {  	s3 =	sld [smem:$0x3FA7]  }
0x31: {  	[smem:$0x3FB0] =	sst s10  }
0x32: {  	s10 =	sld [smem:$0x3FAE];
	_ =	sdelay $0x3  }
0x33: {  	p0 =	seq.s32 s10, $0x1;
	s10 =	sld [smem:$0x3FB0];
	_ =	sdelay $0x3  }
0x34: {  	[smem:$0x3FB0] =	sst s10  }
0x35: {  	s10 =	sld [smem:$0x3FAF];
	_ =	sdelay $0x3  }
0x36: {  	p1 =	seq.s32 s10, $0x1;
	s10 =	sld [smem:$0x3FB0];
	_ =	sdelay $0x3  }
0x37: {  	[smem:$0x3FB0] =	sst s10  }
0x38: {  	s10 =	sld [smem:$0x3FB1]  }
0x39: {  	_ = 	snop;
	(pc) =	sbr.ind lr, $3  }
0x3a: {  	_ = 	snop  }
0x3b: {  	_ = 	snop  }
0x3c: {  	p2 =	seq.s32 s10, $0x1;
	s10 =	sld [smem:$0x3FB0]  }
0x3d: {  	_ =	shalt  }
0x3e: {  	_ =	shalt  }
0x3f: {  	_ =	shalt  }
0x40: {  	_ =	shalt  }
0x41: {  	_ =	shalt  }
0x42: {  	_ =	shalt  }
0x43: {  	_ =	shalt  }
0x44: {  	_ =	shalt  }
0x45: {  	_ =	shalt  }
0x46: {  	_ =	shalt  }
0x47: {  	_ =	shalt  }
0x48: {  	_ =	shalt  }
0x49: {  	_ =	shalt  }
0x4a: {  	_ =	shalt  }
0x4b: {  	_ =	shalt  }
0x4c: {  	_ =	shalt  }
0x4d: {  	_ =	shalt  }
0x4e: {  	_ =	shalt  }
0x4f: {  	_ =	shalt  }
0x50: {  	_ =	shalt  }
0x51: {  	_ =	shalt  }
0x52: {  	_ =	shalt  }
0x53: {  	_ =	shalt  }
0x54: {  	_ =	shalt  }
0x55: {  	_ =	shalt  }
0x56: {  	_ =	shalt  }
0x57: {  	_ =	shalt  }
0x58: {  	_ =	shalt  }
0x59: {  	_ =	shalt  }
0x5a: {  	_ =	shalt  }
0x5b: {  	_ =	shalt  }
0x5c: {  	_ =	shalt  }
0x5d: {  	_ =	shalt  }
0x5e: {  	_ =	shalt  }
0x5f: {  	_ =	shalt  }
0x60: {  	_ =	shalt  }
0x61: {  	_ =	shalt  }
0x62: {  	_ =	shalt  }
0x63: {  	_ =	shalt  }
0x64: {  	_ =	shalt  }
0x65: {  	_ =	shalt  }
0x66: {  	_ =	shalt  }
0x67: {  	_ =	shalt  }
0x68: {  	_ =	shalt  }
0x69: {  	_ =	shalt  }
0x6a: {  	_ =	shalt  }
0x6b: {  	_ =	shalt  }
0x6c: {  	_ =	shalt  }
0x6d: {  	_ =	shalt  }
0x6e: {  	_ =	shalt  }
0x6f: {  	_ =	shalt  }
0x70: {  	_ =	shalt  }
0x71: {  	_ =	shalt  }
0x72: {  	_ =	shalt  }
0x73: {  	_ =	shalt  }
0x74: {  	_ =	shalt  }
0x75: {  	_ =	shalt  }
0x76: {  	_ =	shalt  }
0x77: {  	_ =	shalt  }
0x78: {  	_ =	shalt  }
0x79: {  	_ =	shalt  }
0x7a: {  	_ =	shalt  }
0x7b: {  	_ =	shalt  }
0x7c: {  	_ =	shalt  }
0x7d: {  	_ =	shalt  }
0x7e: {  	_ =	shalt  }
0x7f: {  	_ =	shalt  }
0x80: {  	_ =	shalt  }
0x81: {  	_ =	shalt  }
0x82: {  	_ =	shalt  }
0x83: {  	_ =	shalt  }
0x84: {  	_ =	shalt  }
0x85: {  	_ =	shalt  }
0x86: {  	_ =	shalt  }
0x87: {  	_ =	shalt  }
.Lfunc_end0:
.L_simem_size_0:
called_computation_lowered:
.L_overlay_start_0:
0x88: {  	s2 =	sld [smem:$0x3FD9]  }
0x89: {  	s3 =	sld [smem:$0x3FFE];
	_ =	sdelay $0x1  }
0x8a: {  	s1 =	srdreg.scid  }
0x8b: {  	s0 =	sand.u32 $0x1, s1  }
0x8c: {  	s17 =	sshll.u32 s0, $0xA;
	s2 =	sadd.s32 s3, s2  }
0x8d: {  	s2 =	sadd.s32 s2, s17  }
0x8e: {  	[smem:$0x3FBC] =	sst s2  }
0x8f: {  	_ = 	snop  }
0x90: {  	s2 =	sld [smem:$0x3FD0];
	(tm) =	ssettm $0x1  }
0x91: {  	s18 =	sld [smem:$0x3FFB];
	_ =	sdelay $0x3  }
0x92: {  	_ =	strace s18  }
0x93: {  	s3 =	sld [smem:$0x3FFC];
	_ =	sdelay $0x3  }
0x94: {  	_ =	strace s3  }
0x95: {  	s3 =	sld [smem:$0x3FFD];
	_ =	sdelay $0x3  }
0x96: {  	_ =	strace s3  }
0x97: {  	_ =	strace $0x8FFFFFFF  }
0x98: {  	s19 =	sld [smem:$0x3FDB];
	_ =	sdelay $0x1  }
0x99: {  	s4 =	simm.s32 $_scs_section_size  }
0x9a: {  	s5 =	simm.s32 $_size__tile_overlayer_lowered;
	s6 =	simm.s32 $_tile_overlayer_lowered  }
0x9b: {  	s22 =	simm.s32 $0x1BFF;
	s21 =	sshll.u32 s6, $0x1;
	s3 =	sadd.s32 s4, s19  }
0x9c: {  	s7 =	simm.s32 $0x0;
	s20 =	sshll.u32 s5, $0x1;
	s5 =	sadd.s32 s21, s3  }
0x9d: {  	[timem:s7], [sflag:s22] =	dma.local [hbm:s5], s20  }
0x9e: {  	_ =	swait.ge [sflag:s22], s20  }
0x9f: {  	s4 =	ssub.s32 $0x0, s20;
	[sflag:s22] =	ssyncset.done $0x0  }
0xa0: {  	[sflag:s22] =	ssyncadd.s32 s4;
	_ =	sdelay $0x1  }
0xa1: {  	s23 =	simm.s32 $0x1B8B  }
0xa2: {  	_ =	swait.ge [sflag:s23], $0x1  }
0xa3: {  	[sflag:s23] =	ssyncset.done $0x0  }
0xa4: {  	s25 =	simm.s32 $0x1B8E;
	s24 =	sld [smem:$0x3FFE];
	[sflag:s23] =	ssyncadd.s32 $0xFFFFFFFF  }
0xa5: {  	s26 =	simm.s32 $execute0_lowered;
	[smem:$0x3FD2] =	sst s25  }
0xa6: {  	s5 =	sshll.u32 s26, $0x1;
	_ =	strace $0x80000046;
	[dreg:$0x1] =	wrdreg $0xFFFFFFFF  }
0xa7: {  	s28 =	simm.s32 $_size_execute0_lowered;
	s3 =	sadd.s32 s3, s5;
	[dreg:$0x0] =	wrdreg $0x0  }
0xa8: {  	s5 =	sshll.u32 s28, $0x1;
	[dreg:$0x2] =	wrdreg s3  }
0xa9: {  	[dreg:$0x3] =	wrdreg s5  }
0xaa: {  	[dreg:$0x4] =	wrdreg $0xC0  }
0xab: {  	_ =	task [dreg:s7], $0x5FFFF  }
0xac: {  	[dreg:$0x1] =	wrdreg $0xFFFFFFFF  }
0xad: {  	[dreg:$0x0] =	wrdreg $0x60  }
0xae: {  	[dreg:$0x2] =	wrdreg s24  }
0xaf: {  	[dreg:$0x3] =	wrdreg s2  }
0xb0: {  	[dreg:$0x4] =	wrdreg $0xE2100  }
0xb1: {  	[dreg:$0x5] =	wrdreg $0x9  }
0xb2: {  	_ =	task.clear_ibuf [dreg:s7], $0x6FFFF;
	_ =	strace $0x90000046  }
0xb3: {  	s29 =	simm.s32 $0x9;
	_ =	strace $0x80000048  }
0xb4: {  	_ =	swait.ge [sflag:s29], $0x1  }
0xb5: {  	[sflag:s29] =	ssyncadd.s32 $0xFFFFFFFF  }
0xb6: {  	_ =	strace $0x90000048  }
0xb7: {  	_ =	sfence  }
0xb8: {  	s30 =	sld [smem:$0x0];
	_ =	sdelay $0x2  }
0xb9: {  	s31 =	sshll.u32 s1, $0xD;
	s1 =	sshrl.u32 s1, $0x2  }
0xba: {  	s3 =	sand.u32 $0x4000, s31;
	s1 =	sadd.s32 s1, s30  }
0xbb: {  	s0 =	sor.u32 s3, s0;
	s1 =	sshll.u32 s1, $0x11  }
0xbc: {  	s0 =	sor.u32 s1, s0  }
0xbd: {  	s0 =	sadd.s32 $0x8F2B, s0  }
0xbe: {  	[sflag:s0] =	ssyncadd.remote.s32 $0x1  }
0xbf: {  	_ =	sfence.sel $0xFFFF  }
0xc0: {  	[dreg:$0x0] =	wrdreg $0xFFFFFFFF;
	(pc) =	sbr.abs _section_cstart, $3  }
0xc1: {  	[dreg:$0x1] =	wrdreg $0xFFFFFFFF  }
0xc2: {  	_ =	task.clear_ibuf [dreg:s7], $0x2FFFF;
	_ =	strace $0x9FFFFFFF  }
0xc3: {  	(tm) =	ssettm $0x7FFFFFFF  }
tec
execute0_lowered:
.L_overlay_start_1:
0x0: {  	(tag) =	ssettag $0x1  }
0x1: {  	s0 =	srdreg.scid  }
0x2: {  	s10 =	stileid.u32;
	s1 =	rddreg [dreg:$0x0]  }
0x3: {  	s3 =	rddreg [dreg:$0x2];
	s4 =	simm.s32 $0x0;
	s18 =	simm.s32 $0x5  }
0x4: {  	s28 =	simm.s32 $0x6A00;
	s29 =	simm.s32 $0x8200;
	s30 =	simm.s32 $0x1  }
0x5: {  	s31 =	simm.s32 $0x2;
	s17 =	simm.s32 $0x4;
	s0 =	sand.u32 $0x1, s0  }
0x6: {  	s2 =	sshll.u32 s10, $0x1;
	s8 =	smul.u32 $0xC800, s10;
	[smem:$0x7FF] =	sst s4  }
0x7: {  	s5 =	sadd.s32 $0x15000, s1;
	s6 =	sadd.s32 $0x1A000, s1;
	s10 =	smul.u32 $0x32000, s10  }
0x8: {  	s2 =	sor.u32 s0, s2;
	s7 =	smul.u32 $0xC8000, s0;
	s0 =	ssub.s32 $0x2, s0  }
0x9: {  	_ =	strace $0x80000047;
	s2 =	smul.u32 $0x520, s2;
	s20 =	sshrl.u32 s0, $0x1  }
0xa: {  	s22 =	sshrl.u32 s10, $0x2;
	s10 =	sadd.s32 s8, s3;
	s7 =	sadd.s32 s8, s7  }
0xb: {  	s0 =	ssub.s32 s0, s20;
	s23 =	sadd.s32 s22, s3;
	s20 =	simm.s32 $0x9200  }
0xc: {  	s22 =	simm.s32 $0x0;
	s2 =	sadd.s32 s2, s1;
	s9 =	sshrl.u32 s7, $0x3  }
0xd: {  	s7 =	sadd.s32 $0x1F000, s1;
	s24 =	sadd.s32 $0x2800, s23;
	s25 =	sadd.s32 $0x5000, s23  }
0xe: {  	s26 =	sadd.s32 $0x7800, s23;
	s14 =	sadd.s32 $0xA000, s23;
	[dreg:$0x6] =	wrdreg s24  }
.Ltmp0:
0xf: {  	s16 =	smax.u32 s0, $0x1;
	[dreg:$0x7] =	wrdreg s25;
	(pc) =	sbr.rel .LBB2_1-.Ltmp0, $4  }
0x10: {  	s1 =	sadd.s32 s9, s1;
	s21 =	sadd.s32 $0xAC00, s2;
	[dreg:$0x8] =	wrdreg s26  }
0x11: {  	s2 =	sadd.s32 $0x800, s2;
	s24 =	simm.s32 $0x2900;
	[dreg:$0x4] =	wrdreg s21  }
0x12: {  	s25 =	simm.s32 $0x5A00;
	[dreg:$0x5] =	wrdreg s2;
	s15 =	sadd.s32 $0x29000, s1  }
0x13: {  	v0 =	vimm.f32 $0.0e+00;
	s21 =	simm.s32 $0x80;
	s1 =	simm.s32 $0xBA00;
	s2 =	simm.s32 $0x3  }
.LBB2_10:
0x14: {  	_ =	swait.ge [sflag:s2], $0x2800  }
0x15: {  	[sflag:s2] =	ssyncset.done $0x0  }
0x16: {  	[sflag:s2] =	ssyncadd.s32 $0xFFFFD800  }
0x17: {  	s0 =	stileid.u32;
	_ =	swait.ge [sflag:s17], $0x2800  }
0x18: {  	s8 =	sshrl.u32 s10, $0x3;
	s22 =	sadd.s32 $0x1, s22;
	[sflag:s17] =	ssyncset.done $0x0  }
0x19: {  	s0 =	sshll.u32 s0, $0x6;
	p0 =	sne.s32 s22, s16;
	[sflag:s17] =	ssyncadd.s32 $0xFFFFD800  }
.Ltmp1:
0x1a: {  	s0 =	sor.u32 $0x1C05, s0;
	[bflag:$0x0] =	sbarrier.arrive $0xFFFF;
	(pc) =	sbr.rel @!p0 .LBB2_11-.Ltmp1, $4  }
0x1b: {  	[hbm:s15], [sflag:s0] =	dma.local [spmem:s8], $0x1900  }
0x1c: {  	_ =	swait.ge [sflag:s18], $0x1900  }
0x1d: {  	[sflag:s18] =	ssyncset.done $0x0  }
0x1e: {  	s24 =	simm.s32 $0x2900;
	[sflag:s18] =	ssyncadd.s32 $0xFFFFE700  }
.LBB2_1:
0x1f: {  	s0 =	rddreg [dreg:$0x1];
	s8 =	simm.s32 $0xE200  }
0x20: {  	[tilespmem:s8], [sflag:$0x5] =	stream.linear.gather [hbm4b:s0+s4], $0x10, $0x38;
	[tilespmem:$0x1AA10] =	vst v63  }
0x21: {  	_ =	swait.ge [sflag:s18], $0x10  }
0x22: {  	[sflag:s18] =	ssyncset.done $0x0  }
0x23: {  	s19 =	rddreg [dreg:$0x4];
	[sflag:s18] =	ssyncadd.s32 $0xFFFFFFF0  }
0x24: {  	v1 =	vld [tilespmem:$0xE200];
	[tilespmem:s4], [sflag:$0x5] =	stream.linear.gather [hbm4b:s19+s4], $0x2900, $0x38  }
0x25: {  	_ =	swait.ge [sflag:s18], $0x2900  }
0x26: {  	[sflag:s18] =	ssyncset.done $0x0  }
0x27: {  	s26 =	smul.u32 $0xCCCD, s4;
	s23 =	rddreg [dreg:$0x5];
	[sflag:s18] =	ssyncadd.s32 $0xFFFFD700  }
0x28: {  	[tilespmem:s24], [sflag:$0x5] =	stream.linear.gather [hbm4b:s23+s4], $0x2900, $0x38;
	[tilespmem:$0x1AA10] =	vst v63  }
0x29: {  	_ =	swait.ge [sflag:s18], $0x2900  }
0x2a: {  	s9 =	simm.s32 $0x0;
	s8 =	sshrl.u32 s26, $0x12;
	[sflag:s18] =	ssyncset.done $0x0  }
0x2b: {  	s0 =	simm.s32 $0x1;
	s11 =	smul.u32 $0x5, s8;
	[sflag:s18] =	ssyncadd.s32 $0xFFFFD700  }
.LBB2_2:
0x2c: {  	s12 =	smul.u32 $0xCCCD, s0  }
0x2d: {  	s13 =	smov.u32 s0;
	s8 =	smul.u32 $0x140, s8;
	p0 =	sne.s32 s0, $0x27F  }
.Ltmp2:
0x2e: {  	s9 =	ssub.s32 s9, s11;
	(pc) =	sbr.rel @p0 .LBB2_2-.Ltmp2, $4  }
0x2f: {  	s0 =	sadd.s32 $0x1, s0;
	s9 =	sand.u32 $0xFFFF, s9  }
0x30: {  	s11 =	sshrl.u32 s8, $0x2;
	s19 =	sshll.u32 s9, $0x4;
	s9 =	smov.u32 s13  }
0x31: {  	s8 =	sshrl.u32 s12, $0x12;
	s12 =	sadd.s32 s19, s11  }
0x32: {  	s11 =	smul.u32 $0x5, s8;
	[tilespmem:s12+$0x9200] =	vst v0  }
0x33: {  	_ = 	snop  }
0x34: {  	s8 =	smul.u32 $0x140, s8;
	s0 =	ssub.s32 s9, s11  }
0x35: {  	s0 =	sand.u32 $0xFFFF, s0  }
0x36: {  	s8 =	sshrl.u32 s8, $0x2;
	s0 =	sshll.u32 s0, $0x4  }
0x37: {  	s0 =	sadd.s32 s0, s8  }
0x38: {  	[tilespmem:s0+$0x9200] =	vst v0  }
0x39: {  	[spmem:s10] =	stream.linear.scatter [tilespmem:s20], [sflag:$0x5], $0x2800, $0x38;
	[tilespmem:$0x1AA10] =	vst v63  }
0x3a: {  	_ =	swait.ge [sflag:s18], $0x2800  }
0x3b: {  	[sflag:s18] =	ssyncset.done $0x0  }
0x3c: {  	s9 =	rddreg [dreg:$0x6];
	[sflag:s18] =	ssyncadd.s32 $0xFFFFD800  }
0x3d: {  	[spmem:s9] =	stream.linear.scatter [tilespmem:s20], [sflag:$0x5], $0x2800, $0x38;
	[tilespmem:$0x1AA10] =	vst v63  }
0x3e: {  	_ =	swait.ge [sflag:s18], $0x2800  }
0x3f: {  	[sflag:s18] =	ssyncset.done $0x0  }
0x40: {  	s11 =	rddreg [dreg:$0x7];
	[sflag:s18] =	ssyncadd.s32 $0xFFFFD800  }
0x41: {  	[spmem:s11] =	stream.linear.scatter [tilespmem:s20], [sflag:$0x5], $0x2800, $0x38;
	[tilespmem:$0x1AA10] =	vst v63  }
0x42: {  	_ =	swait.ge [sflag:s18], $0x2800  }
0x43: {  	[sflag:s18] =	ssyncset.done $0x0  }
0x44: {  	s12 =	rddreg [dreg:$0x8];
	[sflag:s18] =	ssyncadd.s32 $0xFFFFD800  }
0x45: {  	[spmem:s12] =	stream.linear.scatter [tilespmem:s20], [sflag:$0x5], $0x2800, $0x38;
	[tilespmem:$0x1AA10] =	vst v63  }
0x46: {  	_ =	swait.ge [sflag:s18], $0x2800  }
0x47: {  	[sflag:s18] =	ssyncset.done $0x0  }
0x48: {  	[sflag:s18] =	ssyncadd.s32 $0xFFFFD800  }
0x49: {  	[spmem:s14] =	stream.linear.scatter [tilespmem:s20], [sflag:$0x5], $0x2800, $0x38;
	[tilespmem:$0x1AA10] =	vst v63  }
0x4a: {  	_ =	swait.ge [sflag:s18], $0x2800  }
0x4b: {  	[sflag:s18] =	ssyncset.done $0x0  }
0x4c: {  	[sflag:s18] =	ssyncadd.s32 $0xFFFFD800  }
0x4d: {  	s23 =	simm.s32 $0x0;
	s13 =	simm.s32 $0x5200;
	[bflag:$0x0] =	sbarrier.arrive $0xFFFF  }
0x4e: {  	[tilespmem:s13], [sflag:$0x1] =	stream.indirect.gather [hbm4b:s5+s21], $0x10, s23, s21, $0xb8;
	[tilespmem:$0x1AA10] =	vst v63  }
0x4f: {  	s19 =	simm.s32 $0x6200  }
0x50: {  	[tilespmem:s19], [sflag:$0x1] =	stream.indirect.gather [hbm4b:s6+s21], $0x10, s24, s21, $0xb8;
	[tilespmem:$0x1AA10] =	vst v63  }
0x51: {  	s24 =	simm.s32 $0x7200  }
0x52: {  	[tilespmem:s24], [sflag:$0x1] =	stream.indirect.gather [hbm4b:s7+s21], $0x20, s23, s21, $0xb8;
	[tilespmem:$0x1AA10] =	vst v63  }
0x53: {  	_ = 	snop  }
0x54: {  	[tilespmem:s25], [sflag:$0x2] =	stream.indirect.gather [hbm4b:s5+s21], $0x10, s21, s21, $0xb8;
	[tilespmem:$0x1AA10] =	vst v63  }
0x55: {  	s26 =	simm.s32 $0x2980  }
0x56: {  	[tilespmem:s28], [sflag:$0x2] =	stream.indirect.gather [hbm4b:s6+s21], $0x10, s26, s21, $0xb8;
	[tilespmem:$0x1AA10] =	vst v63  }
0x57: {  	_ = 	snop  }
0x58: {  	[tilespmem:s29], [sflag:$0x2] =	stream.indirect.gather [hbm4b:s7+s21], $0x20, s21, s21, $0xb8;
	[tilespmem:$0x1AA10] =	vst v63  }
.LBB2_4:
0x59: {  	_ =	swait.ge [sflag:s30], $0x800  }
0x5a: {  	[sflag:s30] =	ssyncset.done $0x0  }
0x5b: {  	[sflag:s30] =	ssyncadd.s32 $0xFFFFF800  }
0x5c: {  	_ =	swait.ge [sflag:s30], $0x800  }
0x5d: {  	[sflag:s30] =	ssyncset.done $0x0  }
0x5e: {  	[sflag:s30] =	ssyncadd.s32 $0xFFFFF800  }
0x5f: {  	_ =	swait.ge [sflag:s30], $0x1000  }
0x60: {  	p0 =	seq.s32 s23, $0x0;
	[sflag:s30] =	ssyncset.done $0x0  }
0x61: {  	s0 =	simm.s32 @!p0 $0x3;
	[sflag:s30] =	ssyncadd.s32 $0xFFFFF000  }
0x62: {  	_ =	swait.ge @!p0 [sflag:s0], $0x2800  }
0x63: {  	[sflag:s0] =	ssyncset.done @!p0 $0x0  }
0x64: {  	s19 =	simm.s32 $0x5240;
	[sflag:s0] =	ssyncadd.s32 @!p0 $0xFFFFD800  }
0x65: {  	s8 =	simm.s32 $0x6240;
	v2 =	vld [tilespmem:s19+$0x30]  }
0x66: {  	v3 =	vld [tilespmem:s8+$0x30]  }
0x67: {  	v4 =	vld [tilespmem:s8+$0xFFFFFFC0]  }
0x68: {  	v5 =	vld [tilespmem:s19+$0xFFFFFFD0]  }
0x69: {  	v6 =	vld [tilespmem:s8+$0xFFFFFFD0]  }
0x6a: {  	v7 =	vld [tilespmem:s19+$0xFFFFFFE0]  }
0x6b: {  	v8 =	vld [tilespmem:s8+$0xFFFFFFE0]  }
0x6c: {  	v9 =	vld [tilespmem:s8+$0xFFFFFFF0]  }
0x6d: {  	v11 =	vld [tilespmem:s19+$0xFFFFFFC0];
	v2 =	vadd.f32 v3, v2  }
0x6e: {  	v3 =	vld [tilespmem:s19+$0xFFFFFFF0]  }
0x6f: {  	v10 =	vmul.f32 $2.000000030e-01, v2  }
0x70: {  	vm0 =	vge.f32 v2, $0.0e+00  }
0x71: {  	v5 =	vadd.f32 v6, v5;
	v6 =	vadd.f32 v8, v7;
	v2 =	vsel vm0, v2, v10  }
0x72: {  	v4 =	vadd.f32 v4, v11;
	v2 =	vsub.f32 v2, v1  }
0x73: {  	v7 =	vmul.f32 $2.000000030e-01, v5;
	vm14 =	vge.f32 v5, $0.0e+00;
	v3 =	vadd.f32 v9, v3  }
0x74: {  	v8 =	vmul.f32 $2.000000030e-01, v6;
	vm15 =	vge.f32 v6, $0.0e+00;
	v2 =	vmul.f32 $1.442695020e+00, v2  }
0x75: {  	v5 =	vsel vm14, v5, v7;
	v7 =	vmul.f32 $2.000000030e-01, v3;
	vm4 =	vge.f32 v3, $0.0e+00  }
0x76: {  	(erf) = vpow2.f32 v2;
	v2 =	vsub.f32 v5, v1;
	v5 =	vsel vm15, v6, v8  }
0x77: {  	v6 =	vmul.f32 $2.000000030e-01, v4;
	v3 =	vsel vm4, v3, v7;
	v7 =	vld [tilespmem:s19+$0x0];
	v5 =	vsub.f32 v5, v1  }
0x78: {  	vm5 =	vge.f32 v4, $0.0e+00;
	v8 =	vld [tilespmem:s19+$0x10];
	v3 =	vsub.f32 v3, v1;
	v2 =	vmul.f32 $1.442695020e+00, v2  }
0x79: {  	v4 =	vsel vm5, v4, v6;
	v6 =	vld [tilespmem:s8+$0x0];
	v5 =	vmul.f32 $1.442695020e+00, v5  }
0x7a: {  	v4 =	vsub.f32 v4, v1;
	v3 =	vmul.f32 $1.442695020e+00, v3;
	(erf) = vpow2.f32 v2;
	v2 =	vld [tilespmem:s8+$0x10]  }
0x7b: {  	(erf) = vpow2.f32 v5;
	v5 =	vld [tilespmem:s19+$0x20]  }
0x7c: {  	v4 =	vmul.f32 $1.442695020e+00, v4;
	(erf) = vpow2.f32 v3;
	v3 =	vld [tilespmem:s8+$0x20];
	_ =	sdelay $0x1  }
0x7d: {  	s24 =	simm.s32 $0x52C0;
	(erf) = vpow2.f32 v4;
	v4 =	vadd.f32 v6, v7  }
0x7e: {  	s26 =	simm.s32 $0x9340;
	s0 =	simm.s32 $0x62C0;
	v27 =	vld [tilespmem:s24+$0xFFFFFFE0];
	v2 =	vadd.f32 v2, v8;
	v6 =	vpop (erf)  }
0x7f: {  	s9 =	simm.s32 $0x7280;
	v28 =	vld [tilespmem:s0+$0xFFFFFFE0];
	v7 =	vmul.f32 $2.000000030e-01, v4;
	[tilespmem:s26+$0x130] =	vst v6  }
0x80: {  	vm6 =	vge.f32 v4, $0.0e+00;
	v5 =	vadd.f32 v3, v5;
	v3 =	vmul.f32 $2.000000030e-01, v2;
	v8 =	vld [tilespmem:s9+$0x70]  }
0x81: {  	vm1 =	vge.f32 v2, $0.0e+00;
	v4 =	vsel vm6, v4, v7;
	v10 =	vld [tilespmem:s9+$0x60]  }
0x82: {  	v4 =	vsub.f32 v4, v1;
	v9 =	vpop (erf);
	v7 =	vmul.f32 $2.000000030e-01, v5;
	v2 =	vsel vm1, v2, v3  }
0x83: {  	v19 =	vld [tilespmem:s0+$0x30];
	vm7 =	vge.f32 v5, $0.0e+00;
	[tilespmem:s26+$0xFFFFFF50] =	vst v9;
	v2 =	vsub.f32 v2, v1  }
0x84: {  	v11 =	vpop (erf);
	v4 =	vmul.f32 $1.442695020e+00, v4;
	v12 =	vld [tilespmem:s9+$0xFFFFFFA0];
	v5 =	vsel vm7, v5, v7  }
0x85: {  	v27 =	vadd.f32 v28, v27;
	v3 =	vpop (erf);
	[tilespmem:s26+$0xFFFFFFA0] =	vst v11;
	v7 =	vld [tilespmem:s9+$0xFFFFFFB0];
	v5 =	vsub.f32 v5, v1;
	v2 =	vmul.f32 $1.442695020e+00, v2  }
0x86: {  	v13 =	vpop (erf);
	v14 =	vld [tilespmem:s9+$0xFFFFFFC0];
	(erf) = vpow2.f32 v4;
	v16 =	vunpack.i.u.bf16.f32 v8;
	v17 =	vunpack.i.u.bf16.f32 v10  }
0x87: {  	v23 =	vld [tilespmem:s24+$0xFFFFFFD0];
	v10 =	vunpack.i.l.bf16.f32 v10;
	[tilespmem:s26+$0xFFFFFF00] =	vst v13;
	v16 =	vmul.f32 v16, v6;
	v5 =	vmul.f32 $1.442695020e+00, v5  }
0x88: {  	vm10 =	vge.f32 v27, $0.0e+00;
	v10 =	vmul.f32 v6, v10;
	v15 =	vld [tilespmem:s9+$0xFFFFFF80];
	(erf) = vpow2.f32 v2  }
0x89: {  	v4 =	vld [tilespmem:s9+$0xFFFFFF90];
	(erf) = vpow2.f32 v5;
	v5 =	vunpack.i.l.bf16.f32 v8;
	v18 =	vunpack.i.u.bf16.f32 v12  }
0x8a: {  	v8 =	vld [tilespmem:s24+$0x30];
	v12 =	vunpack.i.l.bf16.f32 v12;
	v20 =	vunpack.i.u.bf16.f32 v7;
	v7 =	vunpack.i.l.bf16.f32 v7  }
0x8b: {  	v2 =	vld [tilespmem:s9+$0xFFFFFFD0];
	v12 =	vmul.f32 v9, v12;
	v18 =	vmul.f32 v9, v18;
	v22 =	vunpack.i.u.bf16.f32 v14  }
0x8c: {  	v25 =	vld [tilespmem:s0+$0xFFFFFFD0];
	v14 =	vunpack.i.l.bf16.f32 v14;
	v26 =	vmul.f32 v7, v9;
	v9 =	vmul.f32 v20, v9  }
0x8d: {  	v30 =	vld [tilespmem:s24+$0x0];
	v14 =	vmul.f32 v11, v14;
	v24 =	vunpack.i.u.bf16.f32 v15;
	v15 =	vunpack.i.l.bf16.f32 v15  }
0x8e: {  	v28 =	vld [tilespmem:s0+$0x10];
	v7 =	vunpack.i.u.bf16.f32 v4;
	v4 =	vunpack.i.l.bf16.f32 v4;
	v15 =	vmul.f32 v13, v15  }
0x8f: {  	v20 =	vld [tilespmem:s0+$0xFFFFFFF0];
	v24 =	vmul.f32 v13, v24;
	v4 =	vmul.f32 v4, v13;
	v8 =	vadd.f32 v19, v8  }
0x90: {  	v13 =	vmul.f32 v7, v13;
	v7 =	vld [tilespmem:s24+$0xFFFFFFF0];
	v19 =	vunpack.i.u.bf16.f32 v2;
	v2 =	vunpack.i.l.bf16.f32 v2  }
0x91: {  	v31 =	vmul.f32 v2, v11;
	v2 =	vadd.f32 v25, v23;
	v23 =	vld [tilespmem:s0+$0x0];
	v29 =	vmul.f32 $2.000000030e-01, v8  }
0x92: {  	[tilespmem:s26+$0xFFFFFFF0] =	vst v3;
	v22 =	vmul.f32 v11, v22;
	v11 =	vmul.f32 v19, v11;
	v19 =	vld [tilespmem:s24+$0x10];
	vm8 =	vge.f32 v8, $0.0e+00  }
0x93: {  	v17 =	vmul.f32 v6, v17;
	[tilespmem:s26+$0xFFFFFEE0] =	vst v4;
	v4 =	vld [tilespmem:s9+$0xFFFFFFF0];
	v25 =	vmul.f32 $2.000000030e-01, v2;
	v8 =	vsel vm8, v8, v29  }
0x94: {  	v21 =	vld [tilespmem:s0+$0xFFFFFFC0];
	v5 =	vmul.f32 v5, v6;
	vm9 =	vge.f32 v2, $0.0e+00;
	v8 =	vsub.f32 v8, v1  }
0x95: {  	v32 =	vld [tilespmem:s24+$0xFFFFFFC0];
	[tilespmem:s26+$0x120] =	vst v16;
	v29 =	vmul.f32 $2.000000030e-01, v27;
	v20 =	vadd.f32 v20, v7;
	v25 =	vsel vm9, v2, v25  }
0x96: {  	v33 =	vld [tilespmem:s0+$0x20];
	[tilespmem:s26+$0xFFFFFF10] =	vst v12;
	v23 =	vadd.f32 v23, v30;
	v25 =	vsub.f32 v25, v1;
	v8 =	vmul.f32 $1.442695020e+00, v8  }
0x97: {  	v6 =	vld [tilespmem:s24+$0x20];
	[tilespmem:s26+$0xFFFFFF20] =	vst v18;
	v27 =	vsel vm10, v27, v29;
	vm11 =	vge.f32 v20, $0.0e+00;
	v19 =	vadd.f32 v28, v19  }
0x98: {  	[tilespmem:s26+$0xFFFFFF70] =	vst v22;
	v22 =	vunpack.i.u.bf16.f32 v4;
	(erf) = vpow2.f32 v8;
	v8 =	vmul.f32 $2.000000030e-01, v20  }
0x99: {  	[tilespmem:s26+$0xFFFFFF30] =	vst v26;
	v27 =	vsub.f32 v27, v1;
	vm12 =	vge.f32 v23, $0.0e+00;
	v25 =	vmul.f32 $1.442695020e+00, v25  }
0x9a: {  	[tilespmem:s26+$0xFFFFFF40] =	vst v9;
	v12 =	vmul.f32 $2.000000030e-01, v23;
	v8 =	vsel vm11, v20, v8;
	v20 =	vadd.f32 v21, v32  }
0x9b: {  	[tilespmem:s26+$0xFFFFFF60] =	vst v14;
	v16 =	vpop (erf);
	v18 =	vmul.f32 $2.000000030e-01, v19;
	vm13 =	vge.f32 v19, $0.0e+00;
	(erf) = vpow2.f32 v25  }
0x9c: {  	[tilespmem:s26+$0xFFFFFEC0] =	vst v15;
	v7 =	vpop (erf);
	v21 =	vadd.f32 v33, v6;
	v6 =	vsub.f32 v8, v1;
	v15 =	vmul.f32 $2.000000030e-01, v20  }
0x9d: {  	[tilespmem:s26+$0x90] =	vst v7;
	v8 =	vsel vm12, v23, v12;
	v12 =	vsel vm13, v19, v18;
	vm15 =	vge.f32 v20, $0.0e+00  }
0x9e: {  	[tilespmem:s26+$0x40] =	vst v16;
	v14 =	vld [tilespmem:s9+$0x20];
	v23 =	vmul.f32 $1.442695020e+00, v27;
	vm14 =	vge.f32 v21, $0.0e+00;
	v15 =	vsel vm15, v20, v15  }
0x9f: {  	[tilespmem:s26+$0xFFFFFED0] =	vst v24;
	v24 =	vld [tilespmem:s9+$0x10];
	v19 =	vmul.f32 $2.000000030e-01, v21;
	v20 =	vmul.f32 $1.442695020e+00, v6;
	v15 =	vsub.f32 v15, v1  }
0xa0: {  	[tilespmem:s26+$0xFFFFFEF0] =	vst v13;
	v13 =	vld [tilespmem:s9+$0x0];
	v2 =	vpop (erf);
	v8 =	vsub.f32 v8, v1;
	v12 =	vsub.f32 v12, v1;
	(erf) = vpow2.f32 v23  }
0xa1: {  	[tilespmem:s26+$0xE0] =	vst v2;
	v18 =	vld [tilespmem:s9+$0xFFFFFFE0];
	v19 =	vsel vm14, v21, v19;
	(erf) = vpow2.f32 v20;
	v15 =	vmul.f32 $1.442695020e+00, v15  }
0xa2: {  	s8 =	simm.s32 $0x95C0;
	[tilespmem:s26+$0xFFFFFF90] =	vst v11;
	v4 =	vunpack.i.l.bf16.f32 v4;
	v11 =	vld [tilespmem:s9+$0x50];
	v8 =	vmul.f32 $1.442695020e+00, v8;
	v9 =	vsub.f32 v19, v1;
	v6 =	vpop (erf)  }
0xa3: {  	s19 =	simm.s32 $0x7380;
	v26 =	vunpack.i.u.bf16.f32 v14;
	v12 =	vmul.f32 $1.442695020e+00, v12;
	v19 =	vld [tilespmem:s9+$0x30];
	[tilespmem:s8+$0x130] =	vst v6;
	(erf) = vpow2.f32 v15  }
0xa4: {  	v23 =	vunpack.i.l.bf16.f32 v24;
	v9 =	vmul.f32 $1.442695020e+00, v9;
	v21 =	vld [tilespmem:s19+$0x70];
	(erf) = vpow2.f32 v8  }
0xa5: {  	[tilespmem:s26+$0xF0] =	vst v10;
	v63 =	vunpack.i.l.bf16.f32 v14;
	v14 =	vmul.f32 v23, v16;
	(erf) = vpow2.f32 v12  }
0xa6: {  	[tilespmem:s26+$0x100] =	vst v17;
	v20 =	vunpack.i.u.bf16.f32 v18;
	v18 =	vunpack.i.l.bf16.f32 v18;
	(erf) = vpow2.f32 v9  }
0xa7: {  	[tilespmem:s26+$0x110] =	vst v5;
	v29 =	vmul.f32 v3, v18;
	v28 =	vmul.f32 v3, v20;
	v20 =	vunpack.i.u.bf16.f32 v11  }
0xa8: {  	[tilespmem:s26+$0xFFFFFF80] =	vst v31;
	v18 =	vmul.f32 v7, v26;
	v25 =	vpop (erf);
	v15 =	vld [tilespmem:s9+$0x40];
	v8 =	vunpack.i.u.bf16.f32 v13;
	v35 =	vunpack.i.u.bf16.f32 v19  }
0xa9: {  	v34 =	vld [tilespmem:s19+$0x60];
	[tilespmem:s8+$0xFFFFFF50] =	vst v25;
	v36 =	vunpack.i.l.bf16.f32 v19;
	v9 =	vunpack.i.u.bf16.f32 v24;
	v24 =	vpop (erf);
	v10 =	vunpack.i.u.bf16.f32 v21  }
0xaa: {  	v19 =	vmul.f32 v4, v3;
	v39 =	vld [tilespmem:s19+$0xFFFFFFA0];
	v12 =	vunpack.i.l.bf16.f32 v13;
	[tilespmem:s8+$0xFFFFFFA0] =	vst v24;
	v10 =	vmul.f32 v10, v6;
	v4 =	vpop (erf)  }
0xab: {  	v13 =	vmul.f32 v22, v3;
	v22 =	vunpack.i.l.bf16.f32 v11;
	v11 =	vmul.f32 v36, v7;
	[tilespmem:s8+$0xFFFFFFF0] =	vst v4  }
0xac: {  	v31 =	vld [tilespmem:s19+$0xFFFFFFB0];
	v17 =	vmul.f32 v16, v12;
	v9 =	vmul.f32 v9, v16;
	[tilespmem:s8+$0x120] =	vst v10;
	v27 =	vpop (erf)  }
0xad: {  	v37 =	vunpack.i.u.bf16.f32 v15;
	v38 =	vunpack.i.l.bf16.f32 v15;
	v12 =	vunpack.i.l.bf16.f32 v21;
	v30 =	vld [tilespmem:s19+$0xFFFFFFC0];
	[tilespmem:s8+$0xFFFFFF00] =	vst v27;
	v5 =	vpop (erf)  }
0xae: {  	v15 =	vmul.f32 v7, v63;
	v23 =	vunpack.i.u.bf16.f32 v34;
	v26 =	vunpack.i.l.bf16.f32 v34;
	v33 =	vld [tilespmem:s19+$0xFFFFFF80];
	[tilespmem:s8+$0x40] =	vst v5;
	v3 =	vpop (erf)  }
0xaf: {  	s11 =	simm.s32 $0x8;
	v36 =	vunpack.i.l.bf16.f32 v39;
	v10 =	vmul.f32 v16, v8;
	v16 =	vmul.f32 v35, v7;
	v34 =	vld [tilespmem:s19+$0xFFFFFF90];
	[tilespmem:s8+$0x90] =	vst v3;
	v21 =	vpop (erf)  }
0xb0: {  	s12 =	simm.s32 $0x5340;
	s24 =	sshll.u32 s23, $0x8;
	s9 =	simm.s32 $0x95C0;
	v32 =	vld [tilespmem:s19+$0xFFFFFFD0];
	v7 =	vmul.f32 v2, v38;
	v35 =	vunpack.i.u.bf16.f32 v39;
	v8 =	vmul.f32 v2, v37;
	[tilespmem:s8+$0xE0] =	vst v21  }
.LBB2_5:
0xb1: {  	v37 =	vld [tilespmem:s12+$0x30];
	v38 =	vunpack.i.u.bf16.f32 v31;
	v31 =	vunpack.i.l.bf16.f32 v31;
	v36 =	vmul.f32 v25, v36;
	s0 =	sadd.s32 $0x80, s0;
	[tilespmem:s26+$0xFFFFFFB0] =	vst v29  }
0xb2: {  	s11 =	sadd.s32 $0x8, s11;
	v35 =	vmul.f32 v25, v35;
	v29 =	vld [tilespmem:s0+$0x30];
	v39 =	vunpack.i.u.bf16.f32 v30;
	v30 =	vunpack.i.l.bf16.f32 v30;
	[tilespmem:s26+$0xFFFFFFC0] =	vst v28  }
0xb3: {  	p1 =	slt.u32 s11, $0x78;
	v31 =	vmul.f32 v31, v25;
	v28 =	vld [tilespmem:s0+$0xFFFFFFC0];
	v40 =	vunpack.i.u.bf16.f32 v33;
	v33 =	vunpack.i.l.bf16.f32 v33;
	[tilespmem:s8+$0xFFFFFF10] =	vst v36  }
0xb4: {  	v36 =	vld [tilespmem:s12+$0xFFFFFFD0];
	v41 =	vunpack.i.u.bf16.f32 v34;
	v34 =	vunpack.i.l.bf16.f32 v34;
	v33 =	vmul.f32 v27, v33;
	[tilespmem:s8+$0xFFFFFF20] =	vst v35  }
0xb5: {  	v40 =	vmul.f32 v27, v40;
	v35 =	vld [tilespmem:s0+$0xFFFFFFD0];
	[tilespmem:s8+$0xFFFFFF30] =	vst v31;
	v31 =	vunpack.i.u.bf16.f32 v32;
	v32 =	vunpack.i.l.bf16.f32 v32  }
0xb6: {  	v42 =	vld [tilespmem:s12+$0xFFFFFFE0];
	[tilespmem:s8+$0xFFFFFEC0] =	vst v33;
	v33 =	vmul.f32 v34, v27;
	v27 =	vmul.f32 v41, v27  }
0xb7: {  	v25 =	vmul.f32 v38, v25;
	v30 =	vmul.f32 v24, v30;
	v34 =	vld [tilespmem:s0+$0xFFFFFFE0];
	v29 =	vadd.f32 v29, v37;
	[tilespmem:s8+$0xFFFFFED0] =	vst v40  }
0xb8: {  	v32 =	vmul.f32 v32, v24;
	v37 =	vld [tilespmem:s12+$0xFFFFFFF0];
	[tilespmem:s8+$0xFFFFFEE0] =	vst v33;
	v33 =	vmul.f32 v24, v39  }
0xb9: {  	v24 =	vmul.f32 v31, v24;
	v38 =	vld [tilespmem:s0+$0xFFFFFFF0];
	v39 =	vmul.f32 $2.000000030e-01, v29;
	[tilespmem:s8+$0xFFFFFEF0] =	vst v27  }
0xba: {  	v22 =	vmul.f32 v22, v2;
	vm0 =	vge.f32 v29, $0.0e+00;
	v27 =	vadd.f32 v35, v36;
	v31 =	vld [tilespmem:s12+$0x0];
	[tilespmem:s8+$0xFFFFFF40] =	vst v25  }
0xbb: {  	v26 =	vmul.f32 v6, v26;
	v20 =	vmul.f32 v20, v2;
	v25 =	vld [tilespmem:s0+$0x0];
	v29 =	vsel vm0, v29, v39;
	[tilespmem:s8+$0xFFFFFF60] =	vst v30  }
0xbc: {  	v2 =	vmovc v21;
	v30 =	vmul.f32 $2.000000030e-01, v27;
	v34 =	vadd.f32 v34, v42;
	v35 =	vld [tilespmem:s12+$0x10];
	v29 =	vsub.f32 v29, v1;
	[tilespmem:s8+$0xFFFFFF70] =	vst v33  }
0xbd: {  	v23 =	vmul.f32 v6, v23;
	v12 =	vmul.f32 v12, v6;
	vm0 =	vge.f32 v27, $0.0e+00;
	v21 =	vld [tilespmem:s0+$0x10];
	[tilespmem:s8+$0xFFFFFF80] =	vst v32  }
0xbe: {  	v6 =	vmul.f32 $2.000000030e-01, v34;
	v32 =	vadd.f32 v38, v37;
	v33 =	vld [tilespmem:s12+$0x20];
	v29 =	vmul.f32 $1.442695020e+00, v29;
	[tilespmem:s8+$0xFFFFFF90] =	vst v24  }
0xbf: {  	v24 =	vsel vm0, v27, v30;
	vm0 =	vge.f32 v34, $0.0e+00;
	v27 =	vld [tilespmem:s0+$0x20];
	[tilespmem:s26+$0xFFFFFFD0] =	vst v19  }
0xc0: {  	v19 =	vld [tilespmem:s12+$0xFFFFFFC0];
	v30 =	vmul.f32 $2.000000030e-01, v32;
	v25 =	vadd.f32 v25, v31;
	(erf) = vpow2.f32 v29;
	[tilespmem:s26+$0xFFFFFFE0] =	vst v13  }
0xc1: {  	v13 =	vsub.f32 v24, v1;
	v6 =	vsel vm0, v34, v6;
	vm0 =	vge.f32 v32, $0.0e+00;
	v24 =	vld [tilespmem:s19+$0xFFFFFFE0];
	[tilespmem:s26+$0x0] =	vst v17  }
0xc2: {  	vm1 =	vge.f32 v25, $0.0e+00;
	v17 =	vmul.f32 $2.000000030e-01, v25;
	v21 =	vadd.f32 v21, v35;
	v29 =	vld [tilespmem:s19+$0xFFFFFFF0];
	[tilespmem:s26+$0x10] =	vst v10  }
0xc3: {  	v6 =	vsub.f32 v6, v1;
	v10 =	vmul.f32 $1.442695020e+00, v13;
	v13 =	vsel vm0, v32, v30;
	v30 =	vld [tilespmem:s19+$0x0];
	[tilespmem:s26+$0x20] =	vst v14  }
0xc4: {  	vm0 =	vge.f32 v21, $0.0e+00;
	v14 =	vmul.f32 $2.000000030e-01, v21;
	v27 =	vadd.f32 v27, v33;
	v31 =	vld [tilespmem:s19+$0x10];
	[tilespmem:s26+$0x30] =	vst v9  }
0xc5: {  	v13 =	vsub.f32 v13, v1;
	v17 =	vsel vm1, v25, v17;
	v9 =	vadd.f32 v28, v19;
	v19 =	vld [tilespmem:s19+$0x20];
	[tilespmem:s26+$0x50] =	vst v15  }
0xc6: {  	v14 =	vsel vm0, v21, v14;
	vm0 =	vge.f32 v27, $0.0e+00;
	v15 =	vmul.f32 $2.000000030e-01, v27;
	v21 =	vld [tilespmem:s19+$0x30];
	[tilespmem:s26+$0x60] =	vst v18  }
0xc7: {  	v17 =	vsub.f32 v17, v1;
	vm1 =	vge.f32 v9, $0.0e+00;
	v18 =	vmul.f32 $2.000000030e-01, v9;
	v25 =	vld [tilespmem:s19+$0x40];
	[tilespmem:s26+$0x70] =	vst v11  }
0xc8: {  	v11 =	vmul.f32 $1.442695020e+00, v6;
	v14 =	vsub.f32 v14, v1;
	v27 =	vsel vm0, v27, v15;
	v15 =	vld [tilespmem:s19+$0x50];
	[tilespmem:s26+$0x80] =	vst v16  }
0xc9: {  	s8 =	sadd.s32 $0x280, s8;
	v13 =	vmul.f32 $1.442695020e+00, v13;
	v9 =	vsel vm1, v9, v18;
	v16 =	vsub.f32 v27, v1;
	v6 =	vpop (erf);
	[tilespmem:s26+$0xA0] =	vst v7  }
0xca: {  	s19 =	sadd.s32 $0x100, s19;
	v14 =	vmul.f32 $1.442695020e+00, v14;
	v7 =	vsub.f32 v9, v1;
	v9 =	vmul.f32 $1.442695020e+00, v17;
	[tilespmem:s8+$0x130] =	vst v6  }
0xcb: {  	v16 =	vmul.f32 $1.442695020e+00, v16;
	v17 =	vld [tilespmem:s19+$0x70];
	(erf) = vpow2.f32 v10;
	v10 =	vunpack.i.u.bf16.f32 v24;
	[tilespmem:s26+$0xB0] =	vst v8  }
0xcc: {  	v8 =	vunpack.i.l.bf16.f32 v24;
	v7 =	vmul.f32 $1.442695020e+00, v7;
	(erf) = vpow2.f32 v11;
	[tilespmem:s26+$0xC0] =	vst v22  }
0xcd: {  	v11 =	vunpack.i.u.bf16.f32 v29;
	(erf) = vpow2.f32 v13;
	v13 =	vunpack.i.l.bf16.f32 v29;
	[tilespmem:s26+$0xD0] =	vst v20;
	s26 =	smov.u32 s9;
	s9 =	smov.u32 s8  }
0xce: {  	v18 =	vunpack.i.l.bf16.f32 v30;
	(erf) = vpow2.f32 v7;
	v7 =	vunpack.i.u.bf16.f32 v30;
	[tilespmem:s26+$0xF0] =	vst v26  }
0xcf: {  	v26 =	vunpack.i.l.bf16.f32 v31;
	(erf) = vpow2.f32 v9;
	v9 =	vunpack.i.u.bf16.f32 v31;
	[tilespmem:s26+$0x100] =	vst v23  }
0xd0: {  	v32 =	vunpack.i.u.bf16.f32 v19;
	v20 =	vunpack.i.u.bf16.f32 v17;
	(erf) = vpow2.f32 v14;
	[tilespmem:s26+$0x110] =	vst v12  }
0xd1: {  	v12 =	vmul.f32 v20, v6;
	(erf) = vpow2.f32 v16;
	v16 =	vunpack.i.l.bf16.f32 v19  }
0xd2: {  	v35 =	vunpack.i.u.bf16.f32 v21;
	v21 =	vunpack.i.l.bf16.f32 v21;
	v37 =	vunpack.i.u.bf16.f32 v25  }
0xd3: {  	v36 =	vunpack.i.l.bf16.f32 v25;
	v22 =	vunpack.i.l.bf16.f32 v15;
	v20 =	vunpack.i.u.bf16.f32 v15;
	v33 =	vld [tilespmem:s19+$0x60];
	[tilespmem:s8+$0x120] =	vst v12  }
0xd4: {  	v28 =	vmul.f32 v4, v10;
	v29 =	vmul.f32 v4, v8;
	v12 =	vunpack.i.l.bf16.f32 v17;
	v25 =	vpop (erf)  }
0xd5: {  	v19 =	vmul.f32 v13, v4;
	v13 =	vmul.f32 v11, v4;
	[tilespmem:s8+$0xFFFFFF50] =	vst v25;
	v24 =	vpop (erf)  }
0xd6: {  	v10 =	vmul.f32 v5, v7;
	v17 =	vmul.f32 v5, v18;
	v8 =	vld [tilespmem:s19+$0xFFFFFFA0];
	[tilespmem:s8+$0xFFFFFFA0] =	vst v24;
	v4 =	vpop (erf)  }
.Ltmp3:
0xd7: {  	v14 =	vmul.f32 v26, v5;
	v9 =	vmul.f32 v9, v5;
	v31 =	vld [tilespmem:s19+$0xFFFFFFB0];
	[tilespmem:s8+$0xFFFFFFF0] =	vst v4;
	v27 =	vpop (erf);
	(pc) =	sbr.rel @p1 .LBB2_5-.Ltmp3, $4  }
0xd8: {  	v15 =	vmul.f32 v3, v16;
	[tilespmem:s8+$0xFFFFFF00] =	vst v27;
	v30 =	vld [tilespmem:s19+$0xFFFFFFC0];
	v23 =	vunpack.i.u.bf16.f32 v33;
	v26 =	vunpack.i.l.bf16.f32 v33;
	v5 =	vpop (erf)  }
0xd9: {  	v11 =	vmul.f32 v21, v3;
	v18 =	vmul.f32 v3, v32;
	v33 =	vld [tilespmem:s19+$0xFFFFFF80];
	[tilespmem:s8+$0x40] =	vst v5;
	v38 =	vpop (erf)  }
0xda: {  	v7 =	vmul.f32 v2, v36;
	v16 =	vmul.f32 v35, v3;
	v34 =	vld [tilespmem:s19+$0xFFFFFF90];
	[tilespmem:s8+$0x90] =	vst v38;
	v21 =	vpop (erf);
	v3 =	vmov v38  }
0xdb: {  	s12 =	sadd.s32 $0x80, s12;
	v35 =	vunpack.i.u.bf16.f32 v8;
	v36 =	vunpack.i.l.bf16.f32 v8;
	v32 =	vld [tilespmem:s19+$0xFFFFFFD0];
	[tilespmem:s8+$0xE0] =	vst v21;
	v8 =	vmul.f32 v2, v37  }
0xdc: {  	[tilespmem:s26+$0xFFFFFFB0] =	vst v29  }
0xdd: {  	[tilespmem:s26+$0xFFFFFFC0] =	vst v28  }
0xde: {  	[tilespmem:s26+$0xFFFFFFD0] =	vst v19  }
0xdf: {  	[tilespmem:s26+$0xFFFFFFE0] =	vst v13  }
0xe0: {  	[tilespmem:s26+$0x0] =	vst v17  }
0xe1: {  	[tilespmem:s26+$0x10] =	vst v10  }
0xe2: {  	[tilespmem:s26+$0x20] =	vst v14  }
0xe3: {  	[tilespmem:s26+$0x30] =	vst v9  }
0xe4: {  	[tilespmem:s26+$0x50] =	vst v15  }
0xe5: {  	[tilespmem:s26+$0x60] =	vst v18  }
0xe6: {  	[tilespmem:s26+$0x70] =	vst v11  }
0xe7: {  	[tilespmem:s26+$0x80] =	vst v16  }
0xe8: {  	v36 =	vmul.f32 v25, v36;
	[tilespmem:s26+$0xA0] =	vst v7  }
0xe9: {  	v35 =	vmul.f32 v25, v35;
	[tilespmem:s26+$0xB0] =	vst v8  }
0xea: {  	v10 =	vmul.f32 v22, v2;
	[tilespmem:s8+$0xFFFFFF10] =	vst v36  }
0xeb: {  	v29 =	vunpack.i.l.bf16.f32 v31;
	v2 =	vmul.f32 v20, v2;
	[tilespmem:s8+$0xFFFFFF20] =	vst v35  }
0xec: {  	v31 =	vunpack.i.u.bf16.f32 v31;
	v29 =	vmul.f32 v29, v25;
	[tilespmem:s26+$0xC0] =	vst v10  }
0xed: {  	v25 =	vmul.f32 v31, v25;
	[tilespmem:s26+$0xD0] =	vst v2  }
0xee: {  	v8 =	vmul.f32 v6, v26;
	[tilespmem:s8+$0xFFFFFF30] =	vst v29  }
0xef: {  	v10 =	vmul.f32 v6, v23;
	[tilespmem:s8+$0xFFFFFF40] =	vst v25  }
0xf0: {  	v9 =	vld [tilespmem:s19+$0xFFFFFFE0];
	v28 =	vunpack.i.l.bf16.f32 v33;
	v2 =	vmul.f32 v12, v6;
	[tilespmem:s9+$0xF0] =	vst v8  }
0xf1: {  	v56 =	vunpack.i.u.bf16.f32 v33;
	v28 =	vmul.f32 v27, v28;
	[tilespmem:s9+$0x100] =	vst v10  }
0xf2: {  	v7 =	vld [tilespmem:s19+$0xFFFFFFF0];
	v57 =	vunpack.i.l.bf16.f32 v34;
	v33 =	vmul.f32 v27, v56;
	[tilespmem:s9+$0x110] =	vst v2  }
0xf3: {  	v29 =	vunpack.i.u.bf16.f32 v34;
	[tilespmem:s8+$0xFFFFFEC0] =	vst v28;
	v28 =	vmul.f32 v57, v27  }
0xf4: {  	v11 =	vld [tilespmem:s19+$0x0];
	v27 =	vmul.f32 v29, v27;
	[tilespmem:s8+$0xFFFFFED0] =	vst v33;
	v29 =	vunpack.i.l.bf16.f32 v30  }
0xf5: {  	v6 =	vunpack.i.l.bf16.f32 v9;
	v29 =	vmul.f32 v24, v29;
	[tilespmem:s8+$0xFFFFFEE0] =	vst v28  }
0xf6: {  	v9 =	vunpack.i.u.bf16.f32 v9;
	v6 =	vmul.f32 v4, v6;
	[tilespmem:s8+$0xFFFFFEF0] =	vst v27  }
0xf7: {  	v10 =	vunpack.i.l.bf16.f32 v7;
	v2 =	vmul.f32 v4, v9;
	[tilespmem:s8+$0xFFFFFF60] =	vst v29  }
0xf8: {  	v7 =	vunpack.i.u.bf16.f32 v7;
	v10 =	vmul.f32 v10, v4;
	[tilespmem:s9+$0xFFFFFFB0] =	vst v6  }
0xf9: {  	v8 =	vld [tilespmem:s19+$0x10];
	v4 =	vmul.f32 v7, v4;
	v7 =	vunpack.i.u.bf16.f32 v11;
	[tilespmem:s9+$0xFFFFFFC0] =	vst v2  }
0xfa: {  	v28 =	vunpack.i.u.bf16.f32 v30;
	v7 =	vmul.f32 v5, v7;
	[tilespmem:s9+$0xFFFFFFD0] =	vst v10  }
0xfb: {  	v9 =	vld [tilespmem:s19+$0x20];
	v27 =	vunpack.i.l.bf16.f32 v32;
	v28 =	vmul.f32 v24, v28;
	[tilespmem:s9+$0xFFFFFFE0] =	vst v4  }
0xfc: {  	v25 =	vunpack.i.u.bf16.f32 v32;
	v27 =	vmul.f32 v27, v24;
	[tilespmem:s9+$0x10] =	vst v7  }
0xfd: {  	v24 =	vmul.f32 v25, v24;
	v6 =	vunpack.i.l.bf16.f32 v11;
	v2 =	vld [tilespmem:s19+$0x30];
	[tilespmem:s8+$0xFFFFFF70] =	vst v28  }
0xfe: {  	v10 =	vunpack.i.l.bf16.f32 v8;
	v6 =	vmul.f32 v5, v6;
	[tilespmem:s8+$0xFFFFFF80] =	vst v27  }
0xff: {  	v4 =	vld [tilespmem:s19+$0x40];
	v8 =	vunpack.i.u.bf16.f32 v8;
	v10 =	vmul.f32 v10, v5;
	[tilespmem:s8+$0xFFFFFF90] =	vst v24  }
0x100: {  	v5 =	vmul.f32 v8, v5;
	[tilespmem:s9+$0x0] =	vst v6;
	v6 =	vunpack.i.l.bf16.f32 v9  }
0x101: {  	v7 =	vld [tilespmem:s19+$0x50];
	v8 =	vunpack.i.u.bf16.f32 v9;
	[tilespmem:s9+$0x20] =	vst v10;
	v6 =	vmul.f32 v3, v6  }
0x102: {  	[tilespmem:s9+$0x30] =	vst v5;
	v8 =	vmul.f32 v3, v8;
	v9 =	vunpack.i.l.bf16.f32 v2  }
0x103: {  	v2 =	vunpack.i.u.bf16.f32 v2;
	v5 =	vmul.f32 v9, v3;
	[tilespmem:s9+$0x50] =	vst v6  }
0x104: {  	v6 =	vunpack.i.l.bf16.f32 v4;
	v2 =	vmul.f32 v2, v3;
	[tilespmem:s9+$0x60] =	vst v8  }
0x105: {  	v3 =	vunpack.i.u.bf16.f32 v4;
	v4 =	vmul.f32 v21, v6;
	[tilespmem:s9+$0x70] =	vst v5  }
0x106: {  	v3 =	vmul.f32 v21, v3;
	v5 =	vunpack.i.l.bf16.f32 v7;
	[tilespmem:s9+$0x80] =	vst v2  }
0x107: {  	v2 =	vunpack.i.u.bf16.f32 v7;
	v5 =	vmul.f32 v5, v21;
	[tilespmem:s9+$0xA0] =	vst v4  }
0x108: {  	v2 =	vmul.f32 v2, v21;
	[tilespmem:s9+$0xB0] =	vst v3  }
0x109: {  	s26 =	sand.u32 $0x3FFFFF00, s24;
	[tilespmem:s9+$0xC0] =	vst v5  }
0x10a: {  	p1 =	seq.s32 s23, $0x28;
	s0 =	sadd.s32 $0x2900, s26;
	[tilespmem:s9+$0xD0] =	vst v2  }
0x10b: {  	[spmem:s3] =	stream.indirect.scatter.add.f32 [tilespmem:s20], [sflag:$0x3], $0x50, s0, s21, $0xb8;
	[tilespmem:$0x1AA10] =	vst v63  }
0x10c: {  	s8 =	simm.s32 @!p1 $0x80;
	s9 =	simm.s32 @!p1 $0x5200;
	s0 =	sadd.s32 @!p1 $0x100, s24  }
0x10d: {  	[tilespmem:s9], [sflag:$0x1] =	stream.indirect.gather @!p1 [hbm4b:s5+s8], $0x10, s0, s8, $0xb8;
	[tilespmem:$0x1AA10] =	vst v63  }
0x10e: {  	s11 =	simm.s32 @!p1 $0x6200;
	s9 =	sadd.s32 @!p1 $0x2A00, s24  }
0x10f: {  	[tilespmem:s11], [sflag:$0x1] =	stream.indirect.gather @!p1 [hbm4b:s6+s8], $0x10, s9, s8, $0xb8;
	[tilespmem:$0x1AA10] =	vst v63  }
0x110: {  	s9 =	simm.s32 @!p1 $0x7200  }
0x111: {  	[tilespmem:s9], [sflag:$0x1] =	stream.indirect.gather @!p1 [hbm4b:s7+s8], $0x20, s0, s8, $0xb8;
	[tilespmem:$0x1AA10] =	vst v63  }
0x112: {  	_ =	swait.ge [sflag:s31], $0x800  }
0x113: {  	[sflag:s31] =	ssyncset.done $0x0  }
0x114: {  	[sflag:s31] =	ssyncadd.s32 $0xFFFFF800  }
0x115: {  	_ =	swait.ge [sflag:s31], $0x800  }
0x116: {  	[sflag:s31] =	ssyncset.done $0x0  }
0x117: {  	[sflag:s31] =	ssyncadd.s32 $0xFFFFF800  }
0x118: {  	_ =	swait.ge [sflag:s31], $0x1000  }
0x119: {  	[sflag:s31] =	ssyncset.done $0x0  }
0x11a: {  	s0 =	simm.s32 @!p0 $0x4;
	[sflag:s31] =	ssyncadd.s32 $0xFFFFF000  }
0x11b: {  	_ =	swait.ge @!p0 [sflag:s0], $0x2800  }
0x11c: {  	[sflag:s0] =	ssyncset.done @!p0 $0x0  }
0x11d: {  	s9 =	simm.s32 $0x5A70;
	[sflag:s0] =	ssyncadd.s32 @!p0 $0xFFFFD800  }
0x11e: {  	s11 =	simm.s32 $0x6A70;
	v2 =	vld [tilespmem:s9+$0x0]  }
0x11f: {  	v3 =	vld [tilespmem:s11+$0x0]  }
0x120: {  	v4 =	vld [tilespmem:s11+$0xFFFFFF90]  }
0x121: {  	v5 =	vld [tilespmem:s9+$0xFFFFFFA0]  }
0x122: {  	v6 =	vld [tilespmem:s11+$0xFFFFFFA0]  }
0x123: {  	v7 =	vld [tilespmem:s9+$0xFFFFFFB0]  }
0x124: {  	v8 =	vld [tilespmem:s11+$0xFFFFFFB0]  }
0x125: {  	v9 =	vld [tilespmem:s11+$0xFFFFFFC0]  }
0x126: {  	v11 =	vld [tilespmem:s9+$0xFFFFFF90];
	v2 =	vadd.f32 v3, v2  }
0x127: {  	v3 =	vld [tilespmem:s9+$0xFFFFFFC0]  }
0x128: {  	v10 =	vmul.f32 $2.000000030e-01, v2  }
0x129: {  	vm0 =	vge.f32 v2, $0.0e+00  }
0x12a: {  	v5 =	vadd.f32 v6, v5;
	v6 =	vadd.f32 v8, v7;
	v2 =	vsel vm0, v2, v10  }
0x12b: {  	v4 =	vadd.f32 v4, v11;
	v2 =	vsub.f32 v2, v1  }
0x12c: {  	v7 =	vmul.f32 $2.000000030e-01, v5;
	vm14 =	vge.f32 v5, $0.0e+00;
	v3 =	vadd.f32 v9, v3  }
0x12d: {  	v8 =	vmul.f32 $2.000000030e-01, v6;
	vm15 =	vge.f32 v6, $0.0e+00;
	v2 =	vmul.f32 $1.442695020e+00, v2  }
0x12e: {  	v5 =	vsel vm14, v5, v7;
	v7 =	vmul.f32 $2.000000030e-01, v3;
	vm4 =	vge.f32 v3, $0.0e+00  }
0x12f: {  	(erf) = vpow2.f32 v2;
	v2 =	vsub.f32 v5, v1;
	v5 =	vsel vm15, v6, v8  }
0x130: {  	v6 =	vmul.f32 $2.000000030e-01, v4;
	v3 =	vsel vm4, v3, v7;
	v7 =	vld [tilespmem:s9+$0xFFFFFFD0];
	v5 =	vsub.f32 v5, v1  }
0x131: {  	vm5 =	vge.f32 v4, $0.0e+00;
	v8 =	vld [tilespmem:s9+$0xFFFFFFE0];
	v3 =	vsub.f32 v3, v1;
	v2 =	vmul.f32 $1.442695020e+00, v2  }
0x132: {  	v4 =	vsel vm5, v4, v6;
	v6 =	vld [tilespmem:s11+$0xFFFFFFD0];
	v5 =	vmul.f32 $1.442695020e+00, v5  }
0x133: {  	v4 =	vsub.f32 v4, v1;
	v3 =	vmul.f32 $1.442695020e+00, v3;
	(erf) = vpow2.f32 v2;
	v2 =	vld [tilespmem:s11+$0xFFFFFFE0]  }
0x134: {  	(erf) = vpow2.f32 v5;
	v5 =	vld [tilespmem:s9+$0xFFFFFFF0]  }
0x135: {  	v4 =	vmul.f32 $1.442695020e+00, v4;
	(erf) = vpow2.f32 v3;
	v3 =	vld [tilespmem:s11+$0xFFFFFFF0];
	_ =	sdelay $0x1  }
0x136: {  	s13 =	simm.s32 $0x5AF0;
	(erf) = vpow2.f32 v4;
	v4 =	vadd.f32 v6, v7  }
0x137: {  	s19 =	simm.s32 $0x6AF0;
	s0 =	simm.s32 $0xBC70;
	v27 =	vld [tilespmem:s13+$0xFFFFFFB0];
	v2 =	vadd.f32 v2, v8;
	v6 =	vpop (erf)  }
0x138: {  	s12 =	simm.s32 $0x82F0;
	v28 =	vld [tilespmem:s19+$0xFFFFFFB0];
	v7 =	vmul.f32 $2.000000030e-01, v4;
	[tilespmem:s0+$0x0] =	vst v6  }
0x139: {  	vm6 =	vge.f32 v4, $0.0e+00;
	v5 =	vadd.f32 v3, v5;
	v3 =	vmul.f32 $2.000000030e-01, v2;
	v8 =	vld [tilespmem:s12+$0x0]  }
0x13a: {  	vm1 =	vge.f32 v2, $0.0e+00;
	v4 =	vsel vm6, v4, v7;
	v10 =	vld [tilespmem:s12+$0xFFFFFFF0]  }
0x13b: {  	v19 =	vld [tilespmem:s19+$0x0];
	v4 =	vsub.f32 v4, v1;
	v7 =	vmul.f32 $2.000000030e-01, v5;
	v2 =	vsel vm1, v2, v3  }
0x13c: {  	v21 =	vld [tilespmem:s19+$0xFFFFFF90];
	v9 =	vpop (erf);
	vm7 =	vge.f32 v5, $0.0e+00;
	v2 =	vsub.f32 v2, v1  }
0x13d: {  	v23 =	vld [tilespmem:s13+$0xFFFFFFA0];
	[tilespmem:s0+$0xFFFFFE20] =	vst v9;
	v11 =	vpop (erf);
	v4 =	vmul.f32 $1.442695020e+00, v4;
	v5 =	vsel vm7, v5, v7  }
0x13e: {  	v27 =	vadd.f32 v28, v27;
	v12 =	vld [tilespmem:s12+$0xFFFFFF30];
	v3 =	vpop (erf);
	v5 =	vsub.f32 v5, v1;
	v2 =	vmul.f32 $1.442695020e+00, v2  }
0x13f: {  	[tilespmem:s0+$0xFFFFFE70] =	vst v11;
	v7 =	vld [tilespmem:s12+$0xFFFFFF40];
	v13 =	vpop (erf);
	(erf) = vpow2.f32 v4;
	v16 =	vunpack.i.u.bf16.f32 v8;
	v17 =	vunpack.i.u.bf16.f32 v10  }
0x140: {  	v14 =	vld [tilespmem:s12+$0xFFFFFF50];
	v10 =	vunpack.i.l.bf16.f32 v10;
	[tilespmem:s0+$0xFFFFFDD0] =	vst v13;
	v16 =	vmul.f32 v16, v6;
	v5 =	vmul.f32 $1.442695020e+00, v5  }
0x141: {  	v10 =	vmul.f32 v6, v10;
	v15 =	vld [tilespmem:s12+$0xFFFFFF10];
	(erf) = vpow2.f32 v2  }
0x142: {  	vm10 =	vge.f32 v27, $0.0e+00;
	v17 =	vmul.f32 v6, v17;
	v4 =	vld [tilespmem:s12+$0xFFFFFF20];
	(erf) = vpow2.f32 v5  }
0x143: {  	v5 =	vunpack.i.l.bf16.f32 v8;
	v8 =	vld [tilespmem:s13+$0x0];
	v18 =	vunpack.i.u.bf16.f32 v12;
	v12 =	vunpack.i.l.bf16.f32 v12  }
0x144: {  	v25 =	vld [tilespmem:s19+$0xFFFFFFA0];
	v20 =	vunpack.i.u.bf16.f32 v7;
	v7 =	vunpack.i.l.bf16.f32 v7;
	v12 =	vmul.f32 v9, v12  }
0x145: {  	v2 =	vld [tilespmem:s12+$0xFFFFFF60];
	v18 =	vmul.f32 v9, v18;
	v22 =	vunpack.i.u.bf16.f32 v14;
	v7 =	vmul.f32 v7, v9  }
0x146: {  	v59 =	vld [tilespmem:s19+$0xFFFFFFF0];
	v9 =	vmul.f32 v20, v9;
	v5 =	vmul.f32 v5, v6;
	v24 =	vunpack.i.u.bf16.f32 v15  }
0x147: {  	v20 =	vld [tilespmem:s19+$0xFFFFFFC0];
	v15 =	vunpack.i.l.bf16.f32 v15;
	v26 =	vunpack.i.u.bf16.f32 v4;
	v4 =	vunpack.i.l.bf16.f32 v4  }
0x148: {  	v6 =	vld [tilespmem:s13+$0xFFFFFFF0];
	v15 =	vmul.f32 v13, v15;
	v24 =	vmul.f32 v13, v24;
	v8 =	vadd.f32 v19, v8  }
0x149: {  	v14 =	vunpack.i.l.bf16.f32 v14;
	v4 =	vmul.f32 v4, v13;
	v13 =	vmul.f32 v26, v13;
	v26 =	vld [tilespmem:s13+$0xFFFFFFC0]  }
0x14a: {  	v30 =	vld [tilespmem:s13+$0xFFFFFFD0];
	v19 =	vunpack.i.u.bf16.f32 v2;
	v2 =	vunpack.i.l.bf16.f32 v2;
	v29 =	vmul.f32 $2.000000030e-01, v8  }
0x14b: {  	v31 =	vmul.f32 v2, v11;
	v2 =	vadd.f32 v25, v23;
	v23 =	vld [tilespmem:s19+$0xFFFFFFD0];
	vm8 =	vge.f32 v8, $0.0e+00  }
0x14c: {  	v28 =	vld [tilespmem:s19+$0xFFFFFFE0];
	v14 =	vmul.f32 v11, v14;
	v22 =	vmul.f32 v11, v22;
	v8 =	vsel vm8, v8, v29  }
0x14d: {  	[tilespmem:s0+$0xFFFFFEC0] =	vst v3;
	v11 =	vmul.f32 v19, v11;
	v19 =	vld [tilespmem:s13+$0xFFFFFFE0];
	v25 =	vmul.f32 $2.000000030e-01, v2;
	v8 =	vsub.f32 v8, v1  }
0x14e: {  	[tilespmem:s0+$0xFFFFFE00] =	vst v7;
	v7 =	vadd.f32 v59, v6;
	vm9 =	vge.f32 v2, $0.0e+00;
	v20 =	vadd.f32 v20, v26;
	v26 =	vld [tilespmem:s13+$0xFFFFFF90]  }
0x14f: {  	[tilespmem:s0+$0xFFFFFFF0] =	vst v16;
	v29 =	vmul.f32 $2.000000030e-01, v27;
	v25 =	vsel vm9, v2, v25;
	v8 =	vmul.f32 $1.442695020e+00, v8  }
0x150: {  	[tilespmem:s0+$0xFFFFFFC0] =	vst v10;
	vm14 =	vge.f32 v7, $0.0e+00;
	v23 =	vadd.f32 v23, v30;
	v25 =	vsub.f32 v25, v1  }
0x151: {  	[tilespmem:s0+$0xFFFFFDE0] =	vst v12;
	v27 =	vsel vm10, v27, v29;
	(erf) = vpow2.f32 v8;
	v8 =	vmul.f32 $2.000000030e-01, v20  }
0x152: {  	[tilespmem:s0+$0xFFFFFDF0] =	vst v18;
	vm11 =	vge.f32 v20, $0.0e+00;
	v19 =	vadd.f32 v28, v19;
	v27 =	vsub.f32 v27, v1  }
0x153: {  	[tilespmem:s0+$0xFFFFFE30] =	vst v14;
	v25 =	vmul.f32 $1.442695020e+00, v25;
	v8 =	vsel vm11, v20, v8;
	v20 =	vadd.f32 v21, v26  }
0x154: {  	[tilespmem:s0+$0xFFFFFE40] =	vst v22;
	vm12 =	vge.f32 v23, $0.0e+00;
	v12 =	vmul.f32 $2.000000030e-01, v23;
	v18 =	vmul.f32 $2.000000030e-01, v19  }
0x155: {  	v16 =	vpop (erf);
	[tilespmem:s0+$0xFFFFFD90] =	vst v15;
	vm13 =	vge.f32 v19, $0.0e+00;
	(erf) = vpow2.f32 v25;
	v15 =	vmul.f32 $2.000000030e-01, v20  }
0x156: {  	[tilespmem:s0+$0xFFFFFDB0] =	vst v4;
	v4 =	vld [tilespmem:s12+$0xFFFFFF80];
	v58 =	vpop (erf);
	v21 =	vmul.f32 $1.442695020e+00, v27;
	v6 =	vsub.f32 v8, v1;
	vm15 =	vge.f32 v20, $0.0e+00  }
0x157: {  	[tilespmem:s0+$0xFFFFFF60] =	vst v58;
	v8 =	vsel vm12, v23, v12;
	v12 =	vsel vm13, v19, v18;
	v15 =	vsel vm15, v20, v15  }
0x158: {  	[tilespmem:s0+$0xFFFFFF10] =	vst v16;
	v14 =	vld [tilespmem:s12+$0xFFFFFFB0];
	v19 =	vmul.f32 $2.000000030e-01, v7;
	v20 =	vmul.f32 $1.442695020e+00, v6;
	v15 =	vsub.f32 v15, v1  }
0x159: {  	[tilespmem:s0+$0xFFFFFDC0] =	vst v13;
	v2 =	vpop (erf);
	v18 =	vld [tilespmem:s12+$0xFFFFFF70];
	v8 =	vsub.f32 v8, v1;
	v12 =	vsub.f32 v12, v1;
	(erf) = vpow2.f32 v21  }
0x15a: {  	v13 =	vld [tilespmem:s12+$0xFFFFFF90];
	[tilespmem:s0+$0xFFFFFFB0] =	vst v2;
	v7 =	vsel vm14, v7, v19;
	(erf) = vpow2.f32 v20;
	v15 =	vmul.f32 $1.442695020e+00, v15  }
0x15b: {  	s9 =	simm.s32 $0xBEF0;
	[tilespmem:s0+$0xFFFFFE60] =	vst v11;
	v22 =	vunpack.i.u.bf16.f32 v4;
	v11 =	vld [tilespmem:s12+$0xFFFFFFE0];
	v8 =	vmul.f32 $1.442695020e+00, v8;
	v7 =	vsub.f32 v7, v1;
	v6 =	vpop (erf)  }
0x15c: {  	s8 =	simm.s32 $0x83F0;
	v4 =	vunpack.i.l.bf16.f32 v4;
	v19 =	vld [tilespmem:s12+$0xFFFFFFC0];
	v12 =	vmul.f32 $1.442695020e+00, v12;
	[tilespmem:s9+$0x0] =	vst v6;
	(erf) = vpow2.f32 v15  }
0x15d: {  	[tilespmem:s0+$0xFFFFFE10] =	vst v9;
	v60 =	vunpack.i.l.bf16.f32 v14;
	v7 =	vmul.f32 $1.442695020e+00, v7;
	v9 =	vld [tilespmem:s8+$0x0];
	(erf) = vpow2.f32 v8  }
0x15e: {  	[tilespmem:s0+$0xFFFFFFD0] =	vst v17;
	v20 =	vunpack.i.u.bf16.f32 v18;
	v18 =	vunpack.i.l.bf16.f32 v18;
	(erf) = vpow2.f32 v12  }
0x15f: {  	[tilespmem:s0+$0xFFFFFFE0] =	vst v5;
	v26 =	vunpack.i.u.bf16.f32 v14;
	v23 =	vld [tilespmem:s12+$0xFFFFFFA0];
	v29 =	vmul.f32 v3, v18;
	(erf) = vpow2.f32 v7  }
0x160: {  	[tilespmem:s0+$0xFFFFFDA0] =	vst v24;
	v21 =	vunpack.i.u.bf16.f32 v11;
	v28 =	vmul.f32 v3, v20;
	v18 =	vmul.f32 v58, v26;
	v15 =	vld [tilespmem:s12+$0xFFFFFFD0]  }
0x161: {  	[tilespmem:s0+$0xFFFFFE50] =	vst v31;
	v61 =	vunpack.i.u.bf16.f32 v19;
	v63 =	vunpack.i.l.bf16.f32 v19;
	v25 =	vpop (erf);
	v19 =	vmul.f32 v4, v3  }
0x162: {  	v62 =	vld [tilespmem:s8+$0xFFFFFFF0];
	[tilespmem:s9+$0xFFFFFE20] =	vst v25;
	v8 =	vunpack.i.u.bf16.f32 v13;
	v12 =	vunpack.i.l.bf16.f32 v13;
	v24 =	vpop (erf);
	v10 =	vunpack.i.u.bf16.f32 v9  }
0x163: {  	v39 =	vld [tilespmem:s8+$0xFFFFFF30];
	v13 =	vmul.f32 v22, v3;
	v22 =	vunpack.i.l.bf16.f32 v11;
	[tilespmem:s9+$0xFFFFFE70] =	vst v24;
	v10 =	vmul.f32 v10, v6;
	v4 =	vpop (erf)  }
0x164: {  	v11 =	vmul.f32 v63, v58;
	v7 =	vunpack.i.u.bf16.f32 v23;
	v23 =	vunpack.i.l.bf16.f32 v23;
	[tilespmem:s9+$0xFFFFFEC0] =	vst v4  }
0x165: {  	v31 =	vld [tilespmem:s8+$0xFFFFFF40];
	v17 =	vmul.f32 v16, v12;
	v14 =	vmul.f32 v23, v16;
	v37 =	vunpack.i.u.bf16.f32 v15;
	[tilespmem:s9+$0xFFFFFFF0] =	vst v10;
	v27 =	vpop (erf)  }
0x166: {  	v30 =	vld [tilespmem:s8+$0xFFFFFF50];
	v38 =	vunpack.i.l.bf16.f32 v15;
	v12 =	vunpack.i.l.bf16.f32 v9;
	v9 =	vmul.f32 v7, v16;
	[tilespmem:s9+$0xFFFFFDD0] =	vst v27;
	v5 =	vpop (erf)  }
0x167: {  	v15 =	vmul.f32 v58, v60;
	v23 =	vunpack.i.u.bf16.f32 v62;
	v26 =	vunpack.i.l.bf16.f32 v62;
	v33 =	vld [tilespmem:s8+$0xFFFFFF10];
	[tilespmem:s9+$0xFFFFFF10] =	vst v5;
	v3 =	vpop (erf)  }
0x168: {  	v7 =	vmul.f32 v2, v38;
	v35 =	vunpack.i.u.bf16.f32 v39;
	v10 =	vmul.f32 v16, v8;
	v34 =	vld [tilespmem:s8+$0xFFFFFF20];
	[tilespmem:s9+$0xFFFFFF60] =	vst v3;
	v20 =	vpop (erf)  }
0x169: {  	s11 =	simm.s32 $0xBEF0;
	s13 =	simm.s32 $0x5B70;
	s12 =	simm.s32 $0x8;
	v32 =	vld [tilespmem:s8+$0xFFFFFF60];
	v36 =	vunpack.i.l.bf16.f32 v39;
	v16 =	vmul.f32 v61, v58;
	v8 =	vmul.f32 v2, v37;
	[tilespmem:s9+$0xFFFFFFB0] =	vst v20  }
.LBB2_7:
0x16a: {  	v37 =	vld [tilespmem:s13+$0x0];
	v38 =	vunpack.i.u.bf16.f32 v31;
	v31 =	vunpack.i.l.bf16.f32 v31;
	v36 =	vmul.f32 v25, v36;
	s19 =	sadd.s32 $0x80, s19;
	[tilespmem:s0+$0xFFFFFE80] =	vst v29  }
0x16b: {  	s12 =	sadd.s32 $0x8, s12;
	v35 =	vmul.f32 v25, v35;
	v29 =	vld [tilespmem:s19+$0x0];
	v39 =	vunpack.i.u.bf16.f32 v30;
	v30 =	vunpack.i.l.bf16.f32 v30;
	[tilespmem:s0+$0xFFFFFE90] =	vst v28  }
0x16c: {  	p0 =	slt.u32 s12, $0x78;
	v31 =	vmul.f32 v31, v25;
	v28 =	vld [tilespmem:s19+$0xFFFFFF90];
	v40 =	vunpack.i.u.bf16.f32 v33;
	v33 =	vunpack.i.l.bf16.f32 v33;
	[tilespmem:s9+$0xFFFFFDE0] =	vst v36  }
0x16d: {  	v36 =	vld [tilespmem:s13+$0xFFFFFFA0];
	v41 =	vunpack.i.u.bf16.f32 v34;
	v34 =	vunpack.i.l.bf16.f32 v34;
	v33 =	vmul.f32 v27, v33;
	[tilespmem:s9+$0xFFFFFDF0] =	vst v35  }
0x16e: {  	v40 =	vmul.f32 v27, v40;
	v35 =	vld [tilespmem:s19+$0xFFFFFFA0];
	[tilespmem:s9+$0xFFFFFE00] =	vst v31;
	v31 =	vunpack.i.u.bf16.f32 v32;
	v32 =	vunpack.i.l.bf16.f32 v32  }
0x16f: {  	v42 =	vld [tilespmem:s13+$0xFFFFFFB0];
	[tilespmem:s9+$0xFFFFFD90] =	vst v33;
	v33 =	vmul.f32 v34, v27;
	v27 =	vmul.f32 v41, v27  }
0x170: {  	v25 =	vmul.f32 v38, v25;
	v30 =	vmul.f32 v24, v30;
	v34 =	vld [tilespmem:s19+$0xFFFFFFB0];
	v29 =	vadd.f32 v29, v37;
	[tilespmem:s9+$0xFFFFFDA0] =	vst v40  }
0x171: {  	v32 =	vmul.f32 v32, v24;
	v37 =	vld [tilespmem:s13+$0xFFFFFFC0];
	[tilespmem:s9+$0xFFFFFDB0] =	vst v33;
	v33 =	vmul.f32 v24, v39  }
0x172: {  	v24 =	vmul.f32 v31, v24;
	v38 =	vld [tilespmem:s19+$0xFFFFFFC0];
	v39 =	vmul.f32 $2.000000030e-01, v29;
	[tilespmem:s9+$0xFFFFFDC0] =	vst v27  }
0x173: {  	v22 =	vmul.f32 v22, v2;
	vm0 =	vge.f32 v29, $0.0e+00;
	v27 =	vadd.f32 v35, v36;
	v31 =	vld [tilespmem:s13+$0xFFFFFFD0];
	[tilespmem:s9+$0xFFFFFE10] =	vst v25  }
0x174: {  	v26 =	vmul.f32 v6, v26;
	v21 =	vmul.f32 v21, v2;
	v25 =	vld [tilespmem:s19+$0xFFFFFFD0];
	v29 =	vsel vm0, v29, v39;
	[tilespmem:s9+$0xFFFFFE30] =	vst v30  }
0x175: {  	v2 =	vmovc v20;
	v30 =	vmul.f32 $2.000000030e-01, v27;
	v34 =	vadd.f32 v34, v42;
	v35 =	vld [tilespmem:s13+$0xFFFFFFE0];
	v29 =	vsub.f32 v29, v1;
	[tilespmem:s9+$0xFFFFFE40] =	vst v33  }
0x176: {  	v23 =	vmul.f32 v6, v23;
	v12 =	vmul.f32 v12, v6;
	vm0 =	vge.f32 v27, $0.0e+00;
	v20 =	vld [tilespmem:s19+$0xFFFFFFE0];
	[tilespmem:s9+$0xFFFFFE50] =	vst v32  }
0x177: {  	v6 =	vmul.f32 $2.000000030e-01, v34;
	v32 =	vadd.f32 v38, v37;
	v33 =	vld [tilespmem:s13+$0xFFFFFFF0];
	v29 =	vmul.f32 $1.442695020e+00, v29;
	[tilespmem:s9+$0xFFFFFE60] =	vst v24  }
0x178: {  	v24 =	vsel vm0, v27, v30;
	vm0 =	vge.f32 v34, $0.0e+00;
	v27 =	vld [tilespmem:s19+$0xFFFFFFF0];
	[tilespmem:s0+$0xFFFFFEA0] =	vst v19  }
0x179: {  	v19 =	vld [tilespmem:s13+$0xFFFFFF90];
	v30 =	vmul.f32 $2.000000030e-01, v32;
	v25 =	vadd.f32 v25, v31;
	(erf) = vpow2.f32 v29;
	[tilespmem:s0+$0xFFFFFEB0] =	vst v13  }
0x17a: {  	v13 =	vsub.f32 v24, v1;
	v6 =	vsel vm0, v34, v6;
	vm0 =	vge.f32 v32, $0.0e+00;
	v24 =	vld [tilespmem:s8+$0xFFFFFF70];
	[tilespmem:s0+$0xFFFFFED0] =	vst v17  }
0x17b: {  	vm1 =	vge.f32 v25, $0.0e+00;
	v17 =	vmul.f32 $2.000000030e-01, v25;
	v20 =	vadd.f32 v20, v35;
	v29 =	vld [tilespmem:s8+$0xFFFFFF80];
	[tilespmem:s0+$0xFFFFFEE0] =	vst v10  }
0x17c: {  	v6 =	vsub.f32 v6, v1;
	v10 =	vmul.f32 $1.442695020e+00, v13;
	v13 =	vsel vm0, v32, v30;
	v30 =	vld [tilespmem:s8+$0xFFFFFF90];
	[tilespmem:s0+$0xFFFFFEF0] =	vst v14  }
0x17d: {  	vm0 =	vge.f32 v20, $0.0e+00;
	v14 =	vmul.f32 $2.000000030e-01, v20;
	v27 =	vadd.f32 v27, v33;
	v31 =	vld [tilespmem:s8+$0xFFFFFFA0];
	[tilespmem:s0+$0xFFFFFF00] =	vst v9  }
0x17e: {  	v13 =	vsub.f32 v13, v1;
	v17 =	vsel vm1, v25, v17;
	v9 =	vadd.f32 v28, v19;
	v19 =	vld [tilespmem:s8+$0xFFFFFFB0];
	[tilespmem:s0+$0xFFFFFF20] =	vst v15  }
0x17f: {  	v14 =	vsel vm0, v20, v14;
	vm0 =	vge.f32 v27, $0.0e+00;
	v15 =	vmul.f32 $2.000000030e-01, v27;
	v20 =	vld [tilespmem:s8+$0xFFFFFFC0];
	[tilespmem:s0+$0xFFFFFF30] =	vst v18  }
0x180: {  	v17 =	vsub.f32 v17, v1;
	vm1 =	vge.f32 v9, $0.0e+00;
	v18 =	vmul.f32 $2.000000030e-01, v9;
	v25 =	vld [tilespmem:s8+$0xFFFFFFD0];
	[tilespmem:s0+$0xFFFFFF40] =	vst v11  }
0x181: {  	v11 =	vmul.f32 $1.442695020e+00, v6;
	v14 =	vsub.f32 v14, v1;
	v27 =	vsel vm0, v27, v15;
	v15 =	vld [tilespmem:s8+$0xFFFFFFE0];
	[tilespmem:s0+$0xFFFFFF50] =	vst v16  }
0x182: {  	s9 =	sadd.s32 $0x280, s9;
	v13 =	vmul.f32 $1.442695020e+00, v13;
	v9 =	vsel vm1, v9, v18;
	v16 =	vsub.f32 v27, v1;
	v6 =	vpop (erf);
	[tilespmem:s0+$0xFFFFFF70] =	vst v7  }
0x183: {  	s8 =	sadd.s32 $0x100, s8;
	v14 =	vmul.f32 $1.442695020e+00, v14;
	v7 =	vsub.f32 v9, v1;
	v9 =	vmul.f32 $1.442695020e+00, v17;
	[tilespmem:s9+$0x0] =	vst v6  }
0x184: {  	v16 =	vmul.f32 $1.442695020e+00, v16;
	v17 =	vld [tilespmem:s8+$0x0];
	(erf) = vpow2.f32 v10;
	v10 =	vunpack.i.u.bf16.f32 v24;
	[tilespmem:s0+$0xFFFFFF80] =	vst v8  }
0x185: {  	v8 =	vunpack.i.l.bf16.f32 v24;
	v7 =	vmul.f32 $1.442695020e+00, v7;
	(erf) = vpow2.f32 v11;
	[tilespmem:s0+$0xFFFFFF90] =	vst v22  }
0x186: {  	v11 =	vunpack.i.u.bf16.f32 v29;
	(erf) = vpow2.f32 v13;
	v13 =	vunpack.i.l.bf16.f32 v29;
	[tilespmem:s0+$0xFFFFFFA0] =	vst v21;
	s0 =	smov.u32 s11;
	s11 =	smov.u32 s9  }
0x187: {  	v18 =	vunpack.i.l.bf16.f32 v30;
	(erf) = vpow2.f32 v7;
	v7 =	vunpack.i.u.bf16.f32 v30;
	[tilespmem:s0+$0xFFFFFFC0] =	vst v26  }
0x188: {  	v26 =	vunpack.i.l.bf16.f32 v31;
	(erf) = vpow2.f32 v9;
	v9 =	vunpack.i.u.bf16.f32 v31;
	[tilespmem:s0+$0xFFFFFFD0] =	vst v23  }
0x189: {  	v32 =	vunpack.i.u.bf16.f32 v19;
	v21 =	vunpack.i.u.bf16.f32 v17;
	(erf) = vpow2.f32 v14;
	[tilespmem:s0+$0xFFFFFFE0] =	vst v12  }
0x18a: {  	v12 =	vmul.f32 v21, v6;
	(erf) = vpow2.f32 v16;
	v16 =	vunpack.i.l.bf16.f32 v19  }
0x18b: {  	v35 =	vunpack.i.u.bf16.f32 v20;
	v20 =	vunpack.i.l.bf16.f32 v20;
	v37 =	vunpack.i.u.bf16.f32 v25  }
0x18c: {  	v36 =	vunpack.i.l.bf16.f32 v25;
	v22 =	vunpack.i.l.bf16.f32 v15;
	v21 =	vunpack.i.u.bf16.f32 v15;
	v33 =	vld [tilespmem:s8+$0xFFFFFFF0];
	[tilespmem:s9+$0xFFFFFFF0] =	vst v12  }
0x18d: {  	v28 =	vmul.f32 v4, v10;
	v29 =	vmul.f32 v4, v8;
	v12 =	vunpack.i.l.bf16.f32 v17;
	v25 =	vpop (erf)  }
0x18e: {  	v19 =	vmul.f32 v13, v4;
	v13 =	vmul.f32 v11, v4;
	[tilespmem:s9+$0xFFFFFE20] =	vst v25;
	v24 =	vpop (erf)  }
0x18f: {  	v10 =	vmul.f32 v5, v7;
	v17 =	vmul.f32 v5, v18;
	v8 =	vld [tilespmem:s8+$0xFFFFFF30];
	[tilespmem:s9+$0xFFFFFE70] =	vst v24;
	v4 =	vpop (erf)  }
.Ltmp4:
0x190: {  	v14 =	vmul.f32 v26, v5;
	v9 =	vmul.f32 v9, v5;
	v31 =	vld [tilespmem:s8+$0xFFFFFF40];
	[tilespmem:s9+$0xFFFFFEC0] =	vst v4;
	v27 =	vpop (erf);
	(pc) =	sbr.rel @p0 .LBB2_7-.Ltmp4, $4  }
0x191: {  	v15 =	vmul.f32 v3, v16;
	[tilespmem:s9+$0xFFFFFDD0] =	vst v27;
	v30 =	vld [tilespmem:s8+$0xFFFFFF50];
	v23 =	vunpack.i.u.bf16.f32 v33;
	v26 =	vunpack.i.l.bf16.f32 v33;
	v5 =	vpop (erf)  }
0x192: {  	v11 =	vmul.f32 v20, v3;
	v18 =	vmul.f32 v3, v32;
	v33 =	vld [tilespmem:s8+$0xFFFFFF10];
	[tilespmem:s9+$0xFFFFFF10] =	vst v5;
	v38 =	vpop (erf)  }
0x193: {  	v7 =	vmul.f32 v2, v36;
	v16 =	vmul.f32 v35, v3;
	v34 =	vld [tilespmem:s8+$0xFFFFFF20];
	[tilespmem:s9+$0xFFFFFF60] =	vst v38;
	v20 =	vpop (erf);
	v3 =	vmov v38  }
0x194: {  	s13 =	sadd.s32 $0x80, s13;
	v35 =	vunpack.i.u.bf16.f32 v8;
	v36 =	vunpack.i.l.bf16.f32 v8;
	v32 =	vld [tilespmem:s8+$0xFFFFFF60];
	[tilespmem:s9+$0xFFFFFFB0] =	vst v20;
	v8 =	vmul.f32 v2, v37  }
0x195: {  	[tilespmem:s0+$0xFFFFFE80] =	vst v29  }
0x196: {  	[tilespmem:s0+$0xFFFFFE90] =	vst v28  }
0x197: {  	[tilespmem:s0+$0xFFFFFEA0] =	vst v19  }
0x198: {  	[tilespmem:s0+$0xFFFFFEB0] =	vst v13  }
0x199: {  	[tilespmem:s0+$0xFFFFFED0] =	vst v17  }
0x19a: {  	[tilespmem:s0+$0xFFFFFEE0] =	vst v10  }
0x19b: {  	[tilespmem:s0+$0xFFFFFEF0] =	vst v14  }
0x19c: {  	[tilespmem:s0+$0xFFFFFF00] =	vst v9  }
0x19d: {  	[tilespmem:s0+$0xFFFFFF20] =	vst v15  }
0x19e: {  	[tilespmem:s0+$0xFFFFFF30] =	vst v18  }
0x19f: {  	[tilespmem:s0+$0xFFFFFF40] =	vst v11  }
0x1a0: {  	[tilespmem:s0+$0xFFFFFF50] =	vst v16  }
0x1a1: {  	v36 =	vmul.f32 v25, v36;
	[tilespmem:s0+$0xFFFFFF70] =	vst v7  }
0x1a2: {  	v35 =	vmul.f32 v25, v35;
	[tilespmem:s0+$0xFFFFFF80] =	vst v8  }
0x1a3: {  	v41 =	vmul.f32 v22, v2;
	[tilespmem:s9+$0xFFFFFDE0] =	vst v36  }
0x1a4: {  	v2 =	vmul.f32 v21, v2;
	[tilespmem:s9+$0xFFFFFDF0] =	vst v35  }
0x1a5: {  	v43 =	vmul.f32 v6, v26;
	[tilespmem:s0+$0xFFFFFF90] =	vst v41  }
0x1a6: {  	v56 =	vunpack.i.l.bf16.f32 v31;
	v44 =	vmul.f32 v6, v23;
	[tilespmem:s0+$0xFFFFFFA0] =	vst v2  }
0x1a7: {  	v62 =	vunpack.i.u.bf16.f32 v31;
	v29 =	vmul.f32 v56, v25;
	[tilespmem:s11+$0xFFFFFFC0] =	vst v43  }
0x1a8: {  	v35 =	vmul.f32 v62, v25;
	[tilespmem:s11+$0xFFFFFFD0] =	vst v44  }
0x1a9: {  	v57 =	vunpack.i.l.bf16.f32 v33;
	v2 =	vmul.f32 v12, v6;
	[tilespmem:s9+$0xFFFFFE00] =	vst v29  }
0x1aa: {  	v58 =	vunpack.i.u.bf16.f32 v33;
	v28 =	vmul.f32 v27, v57;
	[tilespmem:s9+$0xFFFFFE10] =	vst v35  }
0x1ab: {  	v59 =	vunpack.i.l.bf16.f32 v34;
	v33 =	vmul.f32 v27, v58;
	[tilespmem:s11+$0xFFFFFFE0] =	vst v2  }
0x1ac: {  	v40 =	vld [tilespmem:s8+$0xFFFFFF70];
	v60 =	vunpack.i.u.bf16.f32 v34;
	v61 =	vmul.f32 v59, v27;
	[tilespmem:s9+$0xFFFFFD90] =	vst v28  }
0x1ad: {  	v34 =	vunpack.i.l.bf16.f32 v30;
	v63 =	vmul.f32 v60, v27;
	[tilespmem:s9+$0xFFFFFDA0] =	vst v33  }
0x1ae: {  	v42 =	vld [tilespmem:s8+$0xFFFFFF80];
	v36 =	vunpack.i.u.bf16.f32 v30;
	v29 =	vmul.f32 v24, v34;
	[tilespmem:s9+$0xFFFFFDB0] =	vst v61  }
0x1af: {  	v37 =	vunpack.i.l.bf16.f32 v32;
	v28 =	vmul.f32 v24, v36;
	[tilespmem:s9+$0xFFFFFDC0] =	vst v63  }
0x1b0: {  	v45 =	vld [tilespmem:s8+$0xFFFFFF90];
	v38 =	vunpack.i.u.bf16.f32 v32;
	v27 =	vmul.f32 v37, v24;
	[tilespmem:s9+$0xFFFFFE30] =	vst v29  }
0x1b1: {  	v47 =	vld [tilespmem:s8+$0xFFFFFFA0];
	v39 =	vmul.f32 v38, v24;
	v46 =	vunpack.i.l.bf16.f32 v40;
	[tilespmem:s9+$0xFFFFFE40] =	vst v28  }
0x1b2: {  	v49 =	vld [tilespmem:s8+$0xFFFFFFB0];
	v9 =	vunpack.i.u.bf16.f32 v40;
	v6 =	vmul.f32 v4, v46;
	[tilespmem:s9+$0xFFFFFE50] =	vst v27  }
0x1b3: {  	v54 =	vld [tilespmem:s8+$0xFFFFFFD0];
	v48 =	vunpack.i.l.bf16.f32 v42;
	v2 =	vmul.f32 v4, v9;
	[tilespmem:s9+$0xFFFFFE60] =	vst v39  }
0x1b4: {  	v7 =	vunpack.i.u.bf16.f32 v42;
	v10 =	vmul.f32 v48, v4;
	[tilespmem:s11+$0xFFFFFE80] =	vst v6  }
0x1b5: {  	v52 =	vunpack.i.u.bf16.f32 v45;
	v51 =	vmul.f32 v7, v4;
	[tilespmem:s11+$0xFFFFFE90] =	vst v2  }
0x1b6: {  	v57 =	vld [tilespmem:s8+$0xFFFFFFE0];
	v8 =	vunpack.i.u.bf16.f32 v47;
	v7 =	vmul.f32 v5, v52;
	[tilespmem:s11+$0xFFFFFEA0] =	vst v10  }
0x1b7: {  	v58 =	vunpack.i.u.bf16.f32 v49;
	v56 =	vmul.f32 v8, v5;
	[tilespmem:s11+$0xFFFFFEB0] =	vst v51  }
0x1b8: {  	v8 =	vmul.f32 v3, v58;
	v61 =	vunpack.i.l.bf16.f32 v54;
	v2 =	vld [tilespmem:s8+$0xFFFFFFC0];
	[tilespmem:s11+$0xFFFFFEE0] =	vst v7  }
0x1b9: {  	v50 =	vunpack.i.l.bf16.f32 v45;
	v62 =	vmul.f32 v20, v61;
	[tilespmem:s11+$0xFFFFFF00] =	vst v56  }
0x1ba: {  	v53 =	vunpack.i.l.bf16.f32 v47;
	v6 =	vmul.f32 v5, v50;
	[tilespmem:s11+$0xFFFFFF30] =	vst v8  }
0x1bb: {  	v10 =	vmul.f32 v53, v5;
	v63 =	vunpack.i.l.bf16.f32 v57;
	[tilespmem:s11+$0xFFFFFF70] =	vst v62  }
0x1bc: {  	v55 =	vunpack.i.l.bf16.f32 v49;
	v5 =	vmul.f32 v63, v20;
	[tilespmem:s11+$0xFFFFFED0] =	vst v6  }
0x1bd: {  	v6 =	vmul.f32 v3, v55;
	[tilespmem:s11+$0xFFFFFEF0] =	vst v10;
	v59 =	vunpack.i.l.bf16.f32 v2;
	v2 =	vunpack.i.u.bf16.f32 v2  }
0x1be: {  	[tilespmem:s11+$0xFFFFFF90] =	vst v5;
	v2 =	vmul.f32 v2, v3  }
0x1bf: {  	[tilespmem:s11+$0xFFFFFF20] =	vst v6;
	v60 =	vmul.f32 v59, v3;
	v3 =	vunpack.i.u.bf16.f32 v54  }
.Ltmp5:
0x1c0: {  	v3 =	vmul.f32 v20, v3;
	[tilespmem:s11+$0xFFFFFF50] =	vst v2;
	v2 =	vunpack.i.u.bf16.f32 v57;
	(pc) =	sbr.rel @p1 .LBB2_10-.Ltmp5, $4  }
0x1c1: {  	[tilespmem:s11+$0xFFFFFF40] =	vst v60;
	v2 =	vmul.f32 v2, v20  }
0x1c2: {  	[tilespmem:s11+$0xFFFFFF80] =	vst v3  }
0x1c3: {  	s26 =	sadd.s32 $0x2980, s26;
	[tilespmem:s11+$0xFFFFFFA0] =	vst v2  }
0x1c4: {  	[spmem:s3] =	stream.indirect.scatter.add.f32 [tilespmem:s1], [sflag:$0x4], $0x50, s26, s21, $0xb8;
	[tilespmem:$0x1AA10] =	vst v63  }
0x1c5: {  	s0 =	sadd.s32 $0x180, s24  }
0x1c6: {  	[tilespmem:s25], [sflag:$0x2] =	stream.indirect.gather [hbm4b:s5+s21], $0x10, s0, s21, $0xb8;
	[tilespmem:$0x1AA10] =	vst v63  }
.Ltmp6:
0x1c7: {  	_ = 	snop;
	(pc) =	sbr.rel .LBB2_4-.Ltmp6, $4  }
0x1c8: {  	s8 =	sadd.s32 $0x2A80, s24  }
0x1c9: {  	[tilespmem:s28], [sflag:$0x2] =	stream.indirect.gather [hbm4b:s6+s21], $0x10, s8, s21, $0xb8;
	[tilespmem:$0x1AA10] =	vst v63  }
0x1ca: {  	s23 =	sadd.s32 $0x1, s23  }
0x1cb: {  	[tilespmem:s29], [sflag:$0x2] =	stream.indirect.gather [hbm4b:s7+s21], $0x20, s0, s21, $0xb8;
	[tilespmem:$0x1AA10] =	vst v63  }
.LBB2_11:
0x1cc: {  	_ =	sfence.sel $0x180000  }
0x1cd: {  	[bflag:$0x0] =	sbarrier.arrive $0xFFFF  }
0x1ce: {  	_ =	strace $0x90000047  }
0x1cf: {  	s0 =	stileid.u32;
	[bflag:$0x2] =	sbarrier.arrive $0xFFFF  }
0x1d0: {  	p0 =	sne.s32 s0, $0x0;
	s0 =	rddreg [dreg:$0x3]  }
0x1d1: {  	s0 =	sadd.s32 @!p0 $0x100000, s0  }
0x1d2: {  	[sflag:s0] =	ssyncadd.tile.s32 @!p0 $0x1;
	_ =	shalt  }
.Lfunc_end2:
_tile_overlayer_lowered:
.L_overlay_start_2:
0x1d3: {  	(tag) =	ssettag $0x2  }
0x1d4: {  	s0 =	rddreg [dreg:$0x0];
	s2 =	stileid.u32  }
0x1d5: {  	s1 =	rddreg [dreg:$0x1];
	p0 =	sne.s32 s2, $0x0  }
0x1d6: {  	s3 =	rddreg [dreg:$0x2];
	[bflag:$0x3] =	sbarrier.arrive $0xFFFF;
	s2 =	simm.s32 @!p0 $0x1C05  }
0x1d7: {  	[timem:s3], [sflag:s2] =	dma.local @!p0 [hbm:s0], s1  }
0x1d8: {  	s0 =	simm.s32 @!p0 $0x5  }
0x1d9: {  	_ =	swait.ge @!p0 [sflag:s0], s1  }
0x1da: {  	s1 =	ssub.s32 @!p0 $0x0, s1;
	[sflag:s0] =	ssyncset.done @!p0 $0x0  }
0x1db: {  	[sflag:s0] =	ssyncadd.s32 @!p0 s1  }
0x1dc: {  	[bflag:$0x3] =	sbarrier.arrive $0xFFFF  }
0x1dd: {  	_ =	shalt  }

</sc_bundles>
